<compile_context>
chip_gen: v7x
topology: tpu7x:2x2x1
jax: 0.10.2.dev20260603
libtpu: 0.0.44.dev20260713+nightly
codegen_flags: <defaults>
</compile_context>

<pallas_src>
import functools

import jax
import jax.numpy as jnp
from jax import lax
from jax.experimental import pallas as pl
from jax.experimental.pallas import tpu as pltpu
from jax.experimental.pallas import tpu_sc as plsc


def _nonneg(w):
    return jnp.where(w > 0, w + 1.0, jnp.exp(jnp.minimum(w, 0.0)))


def _emb_body(x3_ref, wq_ref, wk_ref, q_ref, k_ref, *, pack, d, kdeg):
    wq = _nonneg(wq_ref[...]) * (1.0 / d)
    wk = _nonneg(wk_ref[...]) * (1.0 / (d * kdeg))
    dn = (((1,), (1,)), ((), ()))
    qs = []
    ks = []
    for a in range(pack):
        xa = x3_ref[:, a, :]
        qs.append(lax.dot_general(
            xa, wq, dn, preferred_element_type=jnp.float32))
        ks.append(lax.dot_general(
            xa, wk, dn, preferred_element_type=jnp.float32))
    q_ref[...] = jnp.concatenate(qs, axis=1)
    k_ref[...] = jnp.concatenate(ks, axis=1)


def _embeddings(x3, wq, wk, kdeg, npad, pack, block_nodes):
    d = x3.shape[2]
    h = wq.shape[0]
    grid = npad // block_nodes
    bpk = block_nodes // pack
    return pl.pallas_call(
        functools.partial(_emb_body, pack=pack, d=d, kdeg=kdeg),
        grid=(grid,),
        in_specs=[
            pl.BlockSpec((bpk, pack, d), lambda i: (i, 0, 0)),
            pl.BlockSpec((h, d), lambda i: (0, 0)),
            pl.BlockSpec((h, d), lambda i: (0, 0)),
        ],
        out_specs=[
            pl.BlockSpec((bpk, 128), lambda i: (i, 0)),
            pl.BlockSpec((bpk, 128), lambda i: (i, 0)),
        ],
        out_shape=[
            jax.ShapeDtypeStruct((npad // pack, 128), jnp.float32),
            jax.ShapeDtypeStruct((npad // pack, 128), jnp.float32),
        ],
    )(x3, wq, wk)


def _sc_edge_sum(adj3, q_emb, k_s, *, npad, c_nodes, kdeg):
    h = q_emb.shape[1]
    n_tab = q_emb.shape[0]
    e = adj3.shape[0] * 128
    info = plsc.get_sparse_core_info()
    nc, ns = info.num_cores, info.num_subcores
    nw = nc * ns
    np_w = npad // nw
    nchunk = np_w // c_nodes
    assert nchunk % 2 == 0 and np_w % c_nodes == 0
    ec = c_nodes * kdeg
    eblk = ec // 128
    assert ec % 128 == 0
    eb_max = e - ec
    assert eb_max % kdeg == 0 and eb_max % 128 == 0
    mesh = plsc.VectorSubcoreMesh(core_axis_name="c", subcore_axis_name="s")

    @functools.partial(
        pl.kernel,
        mesh=mesh,
        out_type=jax.ShapeDtypeStruct((npad, h), jnp.float32),
        scratch_types=[
            pltpu.VMEM((eblk, 128), jnp.int32),
            pltpu.VMEM((eblk, 128), jnp.int32),
            pltpu.VMEM((eblk, 128), jnp.int32),
            pltpu.VMEM((eblk, 128), jnp.int32),
            pltpu.VMEM((ec, h), jnp.float32),
            pltpu.VMEM((ec, h), jnp.float32),
            pltpu.VMEM((ec, h), jnp.float32),
            pltpu.VMEM((ec, h), jnp.float32),
            pltpu.VMEM((c_nodes, h), jnp.float32),
            pltpu.VMEM((c_nodes, h), jnp.float32),
            pltpu.VMEM_SHARED((n_tab, h), jnp.float32),
            pltpu.VMEM_SHARED((n_tab, h), jnp.float32),
            pltpu.SemaphoreType.DMA,
            pltpu.SemaphoreType.DMA,
            pltpu.SemaphoreType.DMA,
            pltpu.SemaphoreType.DMA,
            pltpu.SemaphoreType.DMA,
            pltpu.SemaphoreType.DMA,
        ],
        compiler_params=pltpu.CompilerParams(use_tc_tiling_on_sc=False,
                                             skip_device_barrier=True),
    )
    def run(adj_hbm, q_hbm, k_hbm, out_hbm,
            di0, si0, di1, si1, qr0, kr0, qr1, kr1, ob0, ob1, qs, ks,
            semi0, semi1, semg0, semg1, semo0, semo1):
        wid = lax.axis_index("s") * nc + lax.axis_index("c")
        ebase0 = wid * (np_w * kdeg)
        nbase0 = wid * np_w

        def eb_of(cix):
            raw = ebase0 + cix * ec
            return jnp.minimum(raw, eb_max), raw

        def start_idx(cix, di, si, sem):
            ebc, _ = eb_of(cix)
            bs = ebc // 128
            pltpu.async_copy(adj_hbm.at[pl.ds(bs, eblk), 1], di, sem)
            pltpu.async_copy(adj_hbm.at[pl.ds(bs, eblk), 0], si, sem)

        def wait_idx(di, si, sem):
            pltpu.make_async_copy(adj_hbm.at[pl.ds(0, eblk), 1], di, sem).wait()
            pltpu.make_async_copy(adj_hbm.at[pl.ds(0, eblk), 0], si, sem).wait()

        def start_gather(di, si, qr, kr, sem):
            for j in range(eblk):
                pltpu.async_copy(qs.at[di.at[j]],
                                 qr.at[pl.ds(j * 128, 128)], sem)
                pltpu.async_copy(ks.at[si.at[j]],
                                 kr.at[pl.ds(j * 128, 128)], sem)

        def wait_gather(di, si, qr, kr, sem):
            for j in range(eblk):
                pltpu.make_async_copy(qs.at[di.at[j]],
                                      qr.at[pl.ds(j * 128, 128)], sem).wait()
                pltpu.make_async_copy(ks.at[si.at[j]],
                                      kr.at[pl.ds(j * 128, 128)], sem).wait()

        def compute(cix, qr, kr, ob):
            ebc, raw = eb_of(cix)
            delta = raw - ebc

            def node_body(nix, carry):
                off = jnp.minimum(nix * kdeg + delta, ec - kdeg)
                acc = qr[off] * kr[off]
                for j in range(1, kdeg):
                    acc = acc + qr[off + j] * kr[off + j]
                ob[nix] = acc
                return carry

            lax.fori_loop(0, c_nodes, node_body, 0)

        def start_out(cix, ob, sem):
            pltpu.async_copy(
                ob, out_hbm.at[pl.ds(nbase0 + cix * c_nodes, c_nodes)], sem)

        def wait_out(ob, sem):
            pltpu.make_async_copy(
                ob, out_hbm.at[pl.ds(0, c_nodes)], sem).wait()

        start_idx(0, di0, si0, semi0)
        start_idx(1, di1, si1, semi1)
        sid = lax.axis_index("s")
        rows16 = n_tab // ns
        pltpu.sync_copy(q_hbm.at[pl.ds(sid * rows16, rows16)],
                        qs.at[pl.ds(sid * rows16, rows16)])
        pltpu.sync_copy(k_hbm.at[pl.ds(sid * rows16, rows16)],
                        ks.at[pl.ds(sid * rows16, rows16)])
        plsc.subcore_barrier()
        wait_idx(di0, si0, semi0)
        start_gather(di0, si0, qr0, kr0, semg0)

        def pair_body(t, carry):
            c0 = 2 * t
            c1 = c0 + 1
            wait_idx(di1, si1, semi1)
            start_gather(di1, si1, qr1, kr1, semg1)
            wait_gather(di0, si0, qr0, kr0, semg0)

            @pl.when(c0 + 2 < nchunk)
            def _():
                start_idx(c0 + 2, di0, si0, semi0)

            compute(c0, qr0, kr0, ob0)

            @pl.when(t > 0)
            def _():
                wait_out(ob0, semo0)

            start_out(c0, ob0, semo0)

            @pl.when(c0 + 2 < nchunk)
            def _():
                wait_idx(di0, si0, semi0)
                start_gather(di0, si0, qr0, kr0, semg0)

            wait_gather(di1, si1, qr1, kr1, semg1)

            @pl.when(c1 + 2 < nchunk)
            def _():
                start_idx(c1 + 2, di1, si1, semi1)

            compute(c1, qr1, kr1, ob1)

            @pl.when(t > 0)
            def _():
                wait_out(ob1, semo1)

            start_out(c1, ob1, semo1)
            return carry

        lax.fori_loop(0, nchunk // 2, pair_body, 0)
        wait_out(ob0, semo0)
        wait_out(ob1, semo1)

    return run(adj3, q_emb, k_s)


def _epi_body(q_ref, s_ref, we_ref, wv_ref, o_ref, *, h, pack):
    q = q_ref[...]
    we = _nonneg(we_ref[...])[0:1, :]
    s = we * (q * q) + s_ref[...]
    ri = lax.broadcasted_iota(jnp.int32, (128, 128), 0) // h
    ci = lax.broadcasted_iota(jnp.int32, (128, 128), 1) // h
    grp = (ri == ci).astype(jnp.float32)
    dn = (((1,), (0,)), ((), ()))
    norm = lax.dot_general(s, grp, dn, preferred_element_type=jnp.float32)
    attn = s / (norm + 1e-9)
    wv = _nonneg(wv_ref[...])
    dnt = (((1,), (1,)), ((), ()))
    for a in range(pack):
        o_ref[:, a, :] = lax.dot_general(
            attn[:, a * h:(a + 1) * h], wv, dnt,
            preferred_element_type=jnp.float32)


def _epilogue(q_pk, s_pk, we_tile, wv, n, npad, h, dout, pack, block_nodes):
    grid = npad // block_nodes
    bpk = block_nodes // pack
    return pl.pallas_call(
        functools.partial(_epi_body, h=h, pack=pack),
        grid=(grid,),
        in_specs=[
            pl.BlockSpec((bpk, 128), lambda i: (i, 0)),
            pl.BlockSpec((bpk, 128), lambda i: (i, 0)),
            pl.BlockSpec((8, 128), lambda i: (0, 0)),
            pl.BlockSpec((dout, h), lambda i: (0, 0)),
        ],
        out_specs=pl.BlockSpec((bpk, pack, dout), lambda i: (i, 0, 0)),
        out_shape=jax.ShapeDtypeStruct((n // pack, pack, dout), jnp.float32),
    )(q_pk, s_pk, we_tile, wv)


def kernel(adj_list, x, Wq, Wk, w_ego, Wv):
    n, d = x.shape
    e = adj_list.shape[1]
    h = Wq.shape[0]
    dout = Wv.shape[0]
    kdeg = e // n
    pack = 128 // h

    c_nodes = 16
    nw = 32
    npad = ((n + nw * c_nodes - 1) // (nw * c_nodes)) * (nw * c_nodes)

    adj3 = jnp.transpose(adj_list.reshape(2, e // 128, 128), (1, 0, 2))
    x3 = x.reshape(n // pack, pack, d)

    we_tile = jnp.tile(w_ego, (8, pack))

    q_pk, k_pk = _embeddings(x3, Wq, Wk, kdeg, npad, pack, block_nodes=2048)
    q_tab = q_pk.reshape(npad, h)
    k_tab = k_pk.reshape(npad, h)

    sum_local_pad = _sc_edge_sum(adj3, q_tab, k_tab,
                                 npad=npad, c_nodes=c_nodes, kdeg=kdeg)
    s_pk = sum_local_pad.reshape(npad // pack, 128)

    res3 = _epilogue(q_pk, s_pk, we_tile, Wv, n, npad, h, dout, pack,
                     block_nodes=2048)
    return res3.reshape(n, dout)

# --- scband reference (transcript-rebuilt; emitter-appended) ---
"""Pipeline reference for scband-bilinear-attention-43946105373324 (READ-ONLY COPY).

The authoritative reference and input builder live on the scoring server;
editing this copy changes nothing except your own understanding.
"""

import jax, jax.numpy as jnp
import numpy as np

N = 10000
E = 320000
D_IN = 128
H = 16
D_OUT = 128


def nonneg(w):
    # ELU(w) + 1: equals w+1 for w>0, exp(w) for w<=0
    return jnp.where(w > 0, w + 1.0, jnp.exp(jnp.minimum(w, 0.0)))


def setup_inputs(seed: int = 0) -> dict:
    key = jax.random.key(seed)
    k1, k2, k3, k4, k5 = jax.random.split(key, 5)
    x = jax.random.uniform(k1, (N, D_IN), dtype=jnp.float32)
    adj_list = jax.random.randint(k2, (2, E), 0, N, dtype=jnp.int32)
    # Learned parameters (raw, pre non-negative transform), matching torch init
    Wq = jax.random.normal(k3, (H, D_IN), dtype=jnp.float32) - 3.0
    Wk = jax.random.normal(k4, (H, D_IN), dtype=jnp.float32) - 3.0
    w_ego = jnp.zeros((1, H), dtype=jnp.float32)
    Wv = jax.random.normal(k5, (D_OUT, H), dtype=jnp.float32) - 3.0
    return {"adj_list": adj_list, "x": x, "Wq": Wq, "Wk": Wk, "w_ego": w_ego, "Wv": Wv}


def reference(adj_list, x, Wq, Wk, w_ego, Wv):
    d = x.shape[1]
    n = x.shape[0]
    # masked_x defaults to x; n_scales=2 so regional_xs=[] and regional terms vanish
    q_emb = (x @ nonneg(Wq).T) / d
    k_local_emb = (x @ nonneg(Wk).T) / d
    # ego score: w_ego scale applied to q_emb * q_emb
    ego_score = nonneg(w_ego) * (q_emb * q_emb)
    # interactive (local) score: gather by dst (adj_list[1]) and src (adj_list[0])
    q = q_emb[adj_list[1, :], :]
    k = k_local_emb[adj_list[0, :], :]
    scores = q * k
    nominal_k = scores.shape[0] // n
    scores = scores.reshape(n, nominal_k, H)
    scores = jnp.swapaxes(scores, -1, -2)
    scores = scores / nominal_k
    sum_local_score = jnp.sum(scores, axis=-1)
    sum_score = ego_score + sum_local_score
    normalization_factor = jnp.sum(sum_score, axis=-1, keepdims=True) + 1e-09
    sum_attn = sum_score / normalization_factor
    res = sum_attn @ nonneg(Wv).T
    return res

if __name__ == "__main__":
    import jax
    _d = setup_inputs()
    print(jax.jit(kernel)(*tuple(_d.values())))

</pallas_src>

<mosaic_0001>
#map = affine_map<(d0, d1) -> (0, 0, 0)>
#map1 = affine_map<(d0, d1) -> (0, 0)>
module attributes {stable_mosaic.version = 14 : i64} {
  func.func @run(%arg0: i32, %arg1: i32, %arg2: memref<2500x2x128xi32, #tpu.memory_space<hbm>>, %arg3: memref<10240x16xf32, #tpu.memory_space<hbm>>, %arg4: memref<10240x16xf32, #tpu.memory_space<hbm>>, %arg5: memref<10240x16xf32, #tpu.memory_space<hbm>>, %arg6: memref<4x128xi32, #tpu.memory_space<vmem>>, %arg7: memref<4x128xi32, #tpu.memory_space<vmem>>, %arg8: memref<4x128xi32, #tpu.memory_space<vmem>>, %arg9: memref<4x128xi32, #tpu.memory_space<vmem>>, %arg10: memref<512x16xf32, #tpu.memory_space<vmem>>, %arg11: memref<512x16xf32, #tpu.memory_space<vmem>>, %arg12: memref<512x16xf32, #tpu.memory_space<vmem>>, %arg13: memref<512x16xf32, #tpu.memory_space<vmem>>, %arg14: memref<16x16xf32, #tpu.memory_space<vmem>>, %arg15: memref<16x16xf32, #tpu.memory_space<vmem>>, %arg16: memref<10240x16xf32, #tpu.memory_space<vmem_shared>>, %arg17: memref<10240x16xf32, #tpu.memory_space<vmem_shared>>, %arg18: memref<!tpu.dma_semaphore, #tpu.memory_space<semaphore_mem>>, %arg19: memref<!tpu.dma_semaphore, #tpu.memory_space<semaphore_mem>>, %arg20: memref<!tpu.dma_semaphore, #tpu.memory_space<semaphore_mem>>, %arg21: memref<!tpu.dma_semaphore, #tpu.memory_space<semaphore_mem>>, %arg22: memref<!tpu.dma_semaphore, #tpu.memory_space<semaphore_mem>>, %arg23: memref<!tpu.dma_semaphore, #tpu.memory_space<semaphore_mem>>) attributes {dimension_semantics = [#tpu.dimension_semantics<core_parallel>, #tpu.dimension_semantics<subcore_parallel>], iteration_bounds = array<i64: 2, 16>, scalar_prefetch = 0 : i64, scratch_operands = 18 : i64, tpu.core_type = #tpu.core_type<sc_vector_subcore>, window_params = [{transform_indices = #map}, {transform_indices = #map1}, {transform_indices = #map1}, {transform_indices = #map1}]} {
    %mul3A = arith.constant 2 : i32
    %mul3A_0 = arith.muli %arg1, %mul3A : i32
    %add3A = arith.addi %mul3A_0, %arg0 : i32
    %mul3A_1 = arith.constant 10240 : i32
    %mul3A_2 = arith.muli %add3A, %mul3A_1 : i32
    %mul3A_3 = arith.constant 320 : i32
    %mul3A_4 = arith.muli %add3A, %mul3A_3 : i32
    %add3A_5 = arith.constant 0 : i32
    %add3A_6 = arith.addi %mul3A_2, %add3A_5 : i32
    %min3A = arith.constant 319488 : i32
    %min3A_7 = arith.minsi %add3A_6, %min3A : i32
    %jit3A = arith.constant 128 : i32
    %div3A = arith.divsi %min3A_7, %jit3A : i32
    %sign3A = arith.constant 0 : i32
    %sign3A_8 = arith.cmpi sgt, %min3A_7, %sign3A : i32
    %sign3A_9 = arith.extui %sign3A_8 : i1 to i32
    %sign3A_10 = arith.constant 0 : i32
    %sign3A_11 = arith.cmpi slt, %min3A_7, %sign3A_10 : i32
    %sign3A_12 = arith.extui %sign3A_11 : i1 to i32
    %sign3A_13 = arith.subi %sign3A_9, %sign3A_12 : i32
    %sign3A_14 = arith.constant 0 : i32
    %sign3A_15 = arith.cmpi sgt, %jit3A, %sign3A_14 : i32
    %sign3A_16 = arith.extui %sign3A_15 : i1 to i32
    %sign3A_17 = arith.constant 0 : i32
    %sign3A_18 = arith.cmpi slt, %jit3A, %sign3A_17 : i32
    %sign3A_19 = arith.extui %sign3A_18 : i1 to i32
    %sign3A_20 = arith.subi %sign3A_16, %sign3A_19 : i32
    %ne3A = arith.cmpi ne, %sign3A_13, %sign3A_20 : i32
    %rem3A = arith.remsi %min3A_7, %jit3A : i32
    %ne3A_21 = arith.constant 0 : i32
    %ne3A_22 = arith.cmpi ne, %rem3A, %ne3A_21 : i32
    %and3A = arith.andi %ne3A, %ne3A_22 : i1
    %sub3A = arith.constant 1 : i32
    %sub3A_23 = arith.subi %div3A, %sub3A : i32
    %select_n3A = arith.select %and3A, %sub3A_23, %div3A : i32
    %dma_start3A = arith.constant 1 : i32
    %dma_start3A_24 = arith.constant 0 : i32
    %dma_start3A_25 = tpu.memref_slice %arg2[%select_n3A, %dma_start3A, %dma_start3A_24] : memref<2500x2x128xi32, #tpu.memory_space<hbm>> -> memref<4x1x128xi32, #tpu.memory_space<hbm>>
    %dma_start3A_26 = tpu.memref_squeeze %dma_start3A_25 : memref<4x1x128xi32, #tpu.memory_space<hbm>> -> memref<4x128xi32, #tpu.memory_space<hbm>>
    %dma_start3A_27 = arith.constant 0 : i32
    %dma_start3A_28 = tpu.memref_slice %arg2[%select_n3A, %dma_start3A, %dma_start3A_27] : memref<2500x2x128xi32, #tpu.memory_space<hbm>> -> memref<4x1x128xi32, #tpu.memory_space<hbm>>
    %dma_start3A_29 = tpu.memref_squeeze %dma_start3A_28 : memref<4x1x128xi32, #tpu.memory_space<hbm>> -> memref<4x128xi32, #tpu.memory_space<hbm>>
    tpu.enqueue_dma source(%dma_start3A_29 : memref<4x128xi32, #tpu.memory_space<hbm>>) target(%arg6 : memref<4x128xi32, #tpu.memory_space<vmem>>) target_semaphore(%arg18 : memref<!tpu.dma_semaphore, #tpu.memory_space<semaphore_mem>>)
    %dma_start3A_30 = arith.constant 0 : i32
    %dma_start3A_31 = arith.constant 0 : i32
    %dma_start3A_32 = tpu.memref_slice %arg2[%select_n3A, %dma_start3A_30, %dma_start3A_31] : memref<2500x2x128xi32, #tpu.memory_space<hbm>> -> memref<4x1x128xi32, #tpu.memory_space<hbm>>
    %dma_start3A_33 = tpu.memref_squeeze %dma_start3A_32 : memref<4x1x128xi32, #tpu.memory_space<hbm>> -> memref<4x128xi32, #tpu.memory_space<hbm>>
    %dma_start3A_34 = arith.constant 0 : i32
    %dma_start3A_35 = tpu.memref_slice %arg2[%select_n3A, %dma_start3A_30, %dma_start3A_34] : memref<2500x2x128xi32, #tpu.memory_space<hbm>> -> memref<4x1x128xi32, #tpu.memory_space<hbm>>
    %dma_start3A_36 = tpu.memref_squeeze %dma_start3A_35 : memref<4x1x128xi32, #tpu.memory_space<hbm>> -> memref<4x128xi32, #tpu.memory_space<hbm>>
    tpu.enqueue_dma source(%dma_start3A_36 : memref<4x128xi32, #tpu.memory_space<hbm>>) target(%arg7 : memref<4x128xi32, #tpu.memory_space<vmem>>) target_semaphore(%arg18 : memref<!tpu.dma_semaphore, #tpu.memory_space<semaphore_mem>>)
    %add3A_37 = arith.constant 512 : i32
    %add3A_38 = arith.addi %mul3A_2, %add3A_37 : i32
    %min3A_39 = arith.constant 319488 : i32
    %min3A_40 = arith.minsi %add3A_38, %min3A_39 : i32
    %jit3A_41 = arith.constant 128 : i32
    %div3A_42 = arith.divsi %min3A_40, %jit3A_41 : i32
    %sign3A_43 = arith.constant 0 : i32
    %sign3A_44 = arith.cmpi sgt, %min3A_40, %sign3A_43 : i32
    %sign3A_45 = arith.extui %sign3A_44 : i1 to i32
    %sign3A_46 = arith.constant 0 : i32
    %sign3A_47 = arith.cmpi slt, %min3A_40, %sign3A_46 : i32
    %sign3A_48 = arith.extui %sign3A_47 : i1 to i32
    %sign3A_49 = arith.subi %sign3A_45, %sign3A_48 : i32
    %sign3A_50 = arith.constant 0 : i32
    %sign3A_51 = arith.cmpi sgt, %jit3A_41, %sign3A_50 : i32
    %sign3A_52 = arith.extui %sign3A_51 : i1 to i32
    %sign3A_53 = arith.constant 0 : i32
    %sign3A_54 = arith.cmpi slt, %jit3A_41, %sign3A_53 : i32
    %sign3A_55 = arith.extui %sign3A_54 : i1 to i32
    %sign3A_56 = arith.subi %sign3A_52, %sign3A_55 : i32
    %ne3A_57 = arith.cmpi ne, %sign3A_49, %sign3A_56 : i32
    %rem3A_58 = arith.remsi %min3A_40, %jit3A_41 : i32
    %ne3A_59 = arith.constant 0 : i32
    %ne3A_60 = arith.cmpi ne, %rem3A_58, %ne3A_59 : i32
    %and3A_61 = arith.andi %ne3A_57, %ne3A_60 : i1
    %sub3A_62 = arith.constant 1 : i32
    %sub3A_63 = arith.subi %div3A_42, %sub3A_62 : i32
    %select_n3A_64 = arith.select %and3A_61, %sub3A_63, %div3A_42 : i32
    %dma_start3A_65 = arith.constant 1 : i32
    %dma_start3A_66 = arith.constant 0 : i32
    %dma_start3A_67 = tpu.memref_slice %arg2[%select_n3A_64, %dma_start3A_65, %dma_start3A_66] : memref<2500x2x128xi32, #tpu.memory_space<hbm>> -> memref<4x1x128xi32, #tpu.memory_space<hbm>>
    %dma_start3A_68 = tpu.memref_squeeze %dma_start3A_67 : memref<4x1x128xi32, #tpu.memory_space<hbm>> -> memref<4x128xi32, #tpu.memory_space<hbm>>
    %dma_start3A_69 = arith.constant 0 : i32
    %dma_start3A_70 = tpu.memref_slice %arg2[%select_n3A_64, %dma_start3A_65, %dma_start3A_69] : memref<2500x2x128xi32, #tpu.memory_space<hbm>> -> memref<4x1x128xi32, #tpu.memory_space<hbm>>
    %dma_start3A_71 = tpu.memref_squeeze %dma_start3A_70 : memref<4x1x128xi32, #tpu.memory_space<hbm>> -> memref<4x128xi32, #tpu.memory_space<hbm>>
    tpu.enqueue_dma source(%dma_start3A_71 : memref<4x128xi32, #tpu.memory_space<hbm>>) target(%arg8 : memref<4x128xi32, #tpu.memory_space<vmem>>) target_semaphore(%arg19 : memref<!tpu.dma_semaphore, #tpu.memory_space<semaphore_mem>>)
    %dma_start3A_72 = arith.constant 0 : i32
    %dma_start3A_73 = arith.constant 0 : i32
    %dma_start3A_74 = tpu.memref_slice %arg2[%select_n3A_64, %dma_start3A_72, %dma_start3A_73] : memref<2500x2x128xi32, #tpu.memory_space<hbm>> -> memref<4x1x128xi32, #tpu.memory_space<hbm>>
    %dma_start3A_75 = tpu.memref_squeeze %dma_start3A_74 : memref<4x1x128xi32, #tpu.memory_space<hbm>> -> memref<4x128xi32, #tpu.memory_space<hbm>>
    %dma_start3A_76 = arith.constant 0 : i32
    %dma_start3A_77 = tpu.memref_slice %arg2[%select_n3A_64, %dma_start3A_72, %dma_start3A_76] : memref<2500x2x128xi32, #tpu.memory_space<hbm>> -> memref<4x1x128xi32, #tpu.memory_space<hbm>>
    %dma_start3A_78 = tpu.memref_squeeze %dma_start3A_77 : memref<4x1x128xi32, #tpu.memory_space<hbm>> -> memref<4x128xi32, #tpu.memory_space<hbm>>
    tpu.enqueue_dma source(%dma_start3A_78 : memref<4x128xi32, #tpu.memory_space<hbm>>) target(%arg9 : memref<4x128xi32, #tpu.memory_space<vmem>>) target_semaphore(%arg19 : memref<!tpu.dma_semaphore, #tpu.memory_space<semaphore_mem>>)
    %mul3A_79 = arith.constant 640 : i32
    %mul3A_80 = arith.muli %arg1, %mul3A_79 : i32
    %mul3A_81 = arith.constant 640 : i32
    %mul3A_82 = arith.muli %arg1, %mul3A_81 : i32
    "tpu.region"() ({
      %run_scoped3A = tpu.sem_alloc : memref<!tpu.dma_semaphore, #tpu.memory_space<semaphore_mem>>
      %dma_start3A_201 = arith.constant 0 : i32
      %dma_start3A_202 = tpu.memref_slice %arg16[%mul3A_82, %dma_start3A_201] : memref<10240x16xf32, #tpu.memory_space<vmem_shared>> -> memref<640x16xf32, #tpu.memory_space<vmem_shared>>
      %dma_start3A_203 = arith.constant 0 : i32
      %dma_start3A_204 = tpu.memref_slice %arg3[%mul3A_80, %dma_start3A_203] : memref<10240x16xf32, #tpu.memory_space<hbm>> -> memref<640x16xf32, #tpu.memory_space<hbm>>
      tpu.enqueue_dma source(%dma_start3A_204 : memref<640x16xf32, #tpu.memory_space<hbm>>) target(%dma_start3A_202 : memref<640x16xf32, #tpu.memory_space<vmem_shared>>) target_semaphore(%run_scoped3A : memref<!tpu.dma_semaphore, #tpu.memory_space<semaphore_mem>>)
      %dma_wait3A_205 = arith.constant 0 : i32
      %dma_wait3A_206 = tpu.memref_slice %arg16[%mul3A_82, %dma_wait3A_205] : memref<10240x16xf32, #tpu.memory_space<vmem_shared>> -> memref<640x16xf32, #tpu.memory_space<vmem_shared>>
      %dma_wait3A_207 = arith.constant 0 : i32
      %dma_wait3A_208 = tpu.memref_slice %arg3[%mul3A_80, %dma_wait3A_207] : memref<10240x16xf32, #tpu.memory_space<hbm>> -> memref<640x16xf32, #tpu.memory_space<hbm>>
      tpu.wait_dma2 semaphore(%run_scoped3A : memref<!tpu.dma_semaphore, #tpu.memory_space<semaphore_mem>>) src(%dma_wait3A_208 : memref<640x16xf32, #tpu.memory_space<hbm>>) dst(%dma_wait3A_206 : memref<640x16xf32, #tpu.memory_space<vmem_shared>>)
      tpu.yield
    }) : () -> ()
    %mul3A_83 = arith.constant 640 : i32
    %mul3A_84 = arith.muli %arg1, %mul3A_83 : i32
    %mul3A_85 = arith.constant 640 : i32
    %mul3A_86 = arith.muli %arg1, %mul3A_85 : i32
    "tpu.region"() ({
      %run_scoped3A = tpu.sem_alloc : memref<!tpu.dma_semaphore, #tpu.memory_space<semaphore_mem>>
      %dma_start3A_201 = arith.constant 0 : i32
      %dma_start3A_202 = tpu.memref_slice %arg17[%mul3A_86, %dma_start3A_201] : memref<10240x16xf32, #tpu.memory_space<vmem_shared>> -> memref<640x16xf32, #tpu.memory_space<vmem_shared>>
      %dma_start3A_203 = arith.constant 0 : i32
      %dma_start3A_204 = tpu.memref_slice %arg4[%mul3A_84, %dma_start3A_203] : memref<10240x16xf32, #tpu.memory_space<hbm>> -> memref<640x16xf32, #tpu.memory_space<hbm>>
      tpu.enqueue_dma source(%dma_start3A_204 : memref<640x16xf32, #tpu.memory_space<hbm>>) target(%dma_start3A_202 : memref<640x16xf32, #tpu.memory_space<vmem_shared>>) target_semaphore(%run_scoped3A : memref<!tpu.dma_semaphore, #tpu.memory_space<semaphore_mem>>)
      %dma_wait3A_205 = arith.constant 0 : i32
      %dma_wait3A_206 = tpu.memref_slice %arg17[%mul3A_86, %dma_wait3A_205] : memref<10240x16xf32, #tpu.memory_space<vmem_shared>> -> memref<640x16xf32, #tpu.memory_space<vmem_shared>>
      %dma_wait3A_207 = arith.constant 0 : i32
      %dma_wait3A_208 = tpu.memref_slice %arg4[%mul3A_84, %dma_wait3A_207] : memref<10240x16xf32, #tpu.memory_space<hbm>> -> memref<640x16xf32, #tpu.memory_space<hbm>>
      tpu.wait_dma2 semaphore(%run_scoped3A : memref<!tpu.dma_semaphore, #tpu.memory_space<semaphore_mem>>) src(%dma_wait3A_208 : memref<640x16xf32, #tpu.memory_space<hbm>>) dst(%dma_wait3A_206 : memref<640x16xf32, #tpu.memory_space<vmem_shared>>)
      tpu.yield
    }) : () -> ()
    %barrier3A = arith.constant 0 : index
    tpu.barrier barrier_id(%barrier3A)
    %dma_wait3A = arith.constant 1 : i32
    %dma_wait3A_87 = arith.constant 0 : i32
    %dma_wait3A_88 = arith.constant 0 : i32
    %dma_wait3A_89 = tpu.memref_slice %arg2[%dma_wait3A_87, %dma_wait3A, %dma_wait3A_88] : memref<2500x2x128xi32, #tpu.memory_space<hbm>> -> memref<4x1x128xi32, #tpu.memory_space<hbm>>
    %dma_wait3A_90 = tpu.memref_squeeze %dma_wait3A_89 : memref<4x1x128xi32, #tpu.memory_space<hbm>> -> memref<4x128xi32, #tpu.memory_space<hbm>>
    %dma_wait3A_91 = arith.constant 0 : i32
    %dma_wait3A_92 = arith.constant 0 : i32
    %dma_wait3A_93 = tpu.memref_slice %arg2[%dma_wait3A_91, %dma_wait3A, %dma_wait3A_92] : memref<2500x2x128xi32, #tpu.memory_space<hbm>> -> memref<4x1x128xi32, #tpu.memory_space<hbm>>
    %dma_wait3A_94 = tpu.memref_squeeze %dma_wait3A_93 : memref<4x1x128xi32, #tpu.memory_space<hbm>> -> memref<4x128xi32, #tpu.memory_space<hbm>>
    tpu.wait_dma2 semaphore(%arg18 : memref<!tpu.dma_semaphore, #tpu.memory_space<semaphore_mem>>) src(%dma_wait3A_94 : memref<4x128xi32, #tpu.memory_space<hbm>>) dst(%arg6 : memref<4x128xi32, #tpu.memory_space<vmem>>)
    %dma_wait3A_95 = arith.constant 0 : i32
    %dma_wait3A_96 = arith.constant 0 : i32
    %dma_wait3A_97 = arith.constant 0 : i32
    %dma_wait3A_98 = tpu.memref_slice %arg2[%dma_wait3A_96, %dma_wait3A_95, %dma_wait3A_97] : memref<2500x2x128xi32, #tpu.memory_space<hbm>> -> memref<4x1x128xi32, #tpu.memory_space<hbm>>
    %dma_wait3A_99 = tpu.memref_squeeze %dma_wait3A_98 : memref<4x1x128xi32, #tpu.memory_space<hbm>> -> memref<4x128xi32, #tpu.memory_space<hbm>>
    %dma_wait3A_100 = arith.constant 0 : i32
    %dma_wait3A_101 = arith.constant 0 : i32
    %dma_wait3A_102 = tpu.memref_slice %arg2[%dma_wait3A_100, %dma_wait3A_95, %dma_wait3A_101] : memref<2500x2x128xi32, #tpu.memory_space<hbm>> -> memref<4x1x128xi32, #tpu.memory_space<hbm>>
    %dma_wait3A_103 = tpu.memref_squeeze %dma_wait3A_102 : memref<4x1x128xi32, #tpu.memory_space<hbm>> -> memref<4x128xi32, #tpu.memory_space<hbm>>
    tpu.wait_dma2 semaphore(%arg18 : memref<!tpu.dma_semaphore, #tpu.memory_space<semaphore_mem>>) src(%dma_wait3A_103 : memref<4x128xi32, #tpu.memory_space<hbm>>) dst(%arg7 : memref<4x128xi32, #tpu.memory_space<vmem>>)
    %dma_start3A_104 = arith.constant 0 : i32
    %dma_start3A_105 = arith.constant 0 : i32
    %dma_start3A_106 = arith.constant 0 : i32
    %dma_start3A_107 = tpu.memref_slice %arg10[%dma_start3A_105, %dma_start3A_106] : memref<512x16xf32, #tpu.memory_space<vmem>> -> memref<128x16xf32, #tpu.memory_space<vmem>>
    %dma_start3A_108 = arith.constant 0 : i32
    %dma_start3A_109 = tpu.memref_slice %arg6[%dma_start3A_104, %dma_start3A_108] : memref<4x128xi32, #tpu.memory_space<vmem>> -> memref<1x128xi32, #tpu.memory_space<vmem>>
    %dma_start3A_110 = tpu.memref_squeeze %dma_start3A_109 : memref<1x128xi32, #tpu.memory_space<vmem>> -> memref<128xi32, #tpu.memory_space<vmem>>
    %dma_start3A_111 = arith.constant 0 : i32
    %dma_start3A_112 = arith.constant 0 : i32
    %dma_start3A_113 = tpu.memref_slice %arg16[%dma_start3A_111, %dma_start3A_112] : memref<10240x16xf32, #tpu.memory_space<vmem_shared>> -> memref<10240x16xf32, #tpu.memory_space<vmem_shared>>
    tpu.enqueue_indirect_dma source(%dma_start3A_113 : memref<10240x16xf32, #tpu.memory_space<vmem_shared>>) target(%dma_start3A_107 : memref<128x16xf32, #tpu.memory_space<vmem>>) offsets(%dma_start3A_110 : memref<128xi32, #tpu.memory_space<vmem>>) semaphore(%arg20 : memref<!tpu.dma_semaphore, #tpu.memory_space<semaphore_mem>>)
    %dma_start3A_114 = arith.constant 0 : i32
    %dma_start3A_115 = arith.constant 0 : i32
    %dma_start3A_116 = arith.constant 0 : i32
    %dma_start3A_117 = tpu.memref_slice %arg11[%dma_start3A_115, %dma_start3A_116] : memref<512x16xf32, #tpu.memory_space<vmem>> -> memref<128x16xf32, #tpu.memory_space<vmem>>
    %dma_start3A_118 = arith.constant 0 : i32
    %dma_start3A_119 = tpu.memref_slice %arg7[%dma_start3A_114, %dma_start3A_118] : memref<4x128xi32, #tpu.memory_space<vmem>> -> memref<1x128xi32, #tpu.memory_space<vmem>>
    %dma_start3A_120 = tpu.memref_squeeze %dma_start3A_119 : memref<1x128xi32, #tpu.memory_space<vmem>> -> memref<128xi32, #tpu.memory_space<vmem>>
    %dma_start3A_121 = arith.constant 0 : i32
    %dma_start3A_122 = arith.constant 0 : i32
    %dma_start3A_123 = tpu.memref_slice %arg17[%dma_start3A_121, %dma_start3A_122] : memref<10240x16xf32, #tpu.memory_space<vmem_shared>> -> memref<10240x16xf32, #tpu.memory_space<vmem_shared>>
    tpu.enqueue_indirect_dma source(%dma_start3A_123 : memref<10240x16xf32, #tpu.memory_space<vmem_shared>>) target(%dma_start3A_117 : memref<128x16xf32, #tpu.memory_space<vmem>>) offsets(%dma_start3A_120 : memref<128xi32, #tpu.memory_space<vmem>>) semaphore(%arg20 : memref<!tpu.dma_semaphore, #tpu.memory_space<semaphore_mem>>)
    %dma_start3A_124 = arith.constant 1 : i32
    %dma_start3A_125 = arith.constant 128 : i32
    %dma_start3A_126 = arith.constant 0 : i32
    %dma_start3A_127 = tpu.memref_slice %arg10[%dma_start3A_125, %dma_start3A_126] : memref<512x16xf32, #tpu.memory_space<vmem>> -> memref<128x16xf32, #tpu.memory_space<vmem>>
    %dma_start3A_128 = arith.constant 0 : i32
    %dma_start3A_129 = tpu.memref_slice %arg6[%dma_start3A_124, %dma_start3A_128] : memref<4x128xi32, #tpu.memory_space<vmem>> -> memref<1x128xi32, #tpu.memory_space<vmem>>
    %dma_start3A_130 = tpu.memref_squeeze %dma_start3A_129 : memref<1x128xi32, #tpu.memory_space<vmem>> -> memref<128xi32, #tpu.memory_space<vmem>>
    %dma_start3A_131 = arith.constant 0 : i32
    %dma_start3A_132 = arith.constant 0 : i32
    %dma_start3A_133 = tpu.memref_slice %arg16[%dma_start3A_131, %dma_start3A_132] : memref<10240x16xf32, #tpu.memory_space<vmem_shared>> -> memref<10240x16xf32, #tpu.memory_space<vmem_shared>>
    tpu.enqueue_indirect_dma source(%dma_start3A_133 : memref<10240x16xf32, #tpu.memory_space<vmem_shared>>) target(%dma_start3A_127 : memref<128x16xf32, #tpu.memory_space<vmem>>) offsets(%dma_start3A_130 : memref<128xi32, #tpu.memory_space<vmem>>) semaphore(%arg20 : memref<!tpu.dma_semaphore, #tpu.memory_space<semaphore_mem>>)
    %dma_start3A_134 = arith.constant 1 : i32
    %dma_start3A_135 = arith.constant 128 : i32
    %dma_start3A_136 = arith.constant 0 : i32
    %dma_start3A_137 = tpu.memref_slice %arg11[%dma_start3A_135, %dma_start3A_136] : memref<512x16xf32, #tpu.memory_space<vmem>> -> memref<128x16xf32, #tpu.memory_space<vmem>>
    %dma_start3A_138 = arith.constant 0 : i32
    %dma_start3A_139 = tpu.memref_slice %arg7[%dma_start3A_134, %dma_start3A_138] : memref<4x128xi32, #tpu.memory_space<vmem>> -> memref<1x128xi32, #tpu.memory_space<vmem>>
    %dma_start3A_140 = tpu.memref_squeeze %dma_start3A_139 : memref<1x128xi32, #tpu.memory_space<vmem>> -> memref<128xi32, #tpu.memory_space<vmem>>
    %dma_start3A_141 = arith.constant 0 : i32
    %dma_start3A_142 = arith.constant 0 : i32
    %dma_start3A_143 = tpu.memref_slice %arg17[%dma_start3A_141, %dma_start3A_142] : memref<10240x16xf32, #tpu.memory_space<vmem_shared>> -> memref<10240x16xf32, #tpu.memory_space<vmem_shared>>
    tpu.enqueue_indirect_dma source(%dma_start3A_143 : memref<10240x16xf32, #tpu.memory_space<vmem_shared>>) target(%dma_start3A_137 : memref<128x16xf32, #tpu.memory_space<vmem>>) offsets(%dma_start3A_140 : memref<128xi32, #tpu.memory_space<vmem>>) semaphore(%arg20 : memref<!tpu.dma_semaphore, #tpu.memory_space<semaphore_mem>>)
    %dma_start3A_144 = arith.constant 2 : i32
    %dma_start3A_145 = arith.constant 256 : i32
    %dma_start3A_146 = arith.constant 0 : i32
    %dma_start3A_147 = tpu.memref_slice %arg10[%dma_start3A_145, %dma_start3A_146] : memref<512x16xf32, #tpu.memory_space<vmem>> -> memref<128x16xf32, #tpu.memory_space<vmem>>
    %dma_start3A_148 = arith.constant 0 : i32
    %dma_start3A_149 = tpu.memref_slice %arg6[%dma_start3A_144, %dma_start3A_148] : memref<4x128xi32, #tpu.memory_space<vmem>> -> memref<1x128xi32, #tpu.memory_space<vmem>>
    %dma_start3A_150 = tpu.memref_squeeze %dma_start3A_149 : memref<1x128xi32, #tpu.memory_space<vmem>> -> memref<128xi32, #tpu.memory_space<vmem>>
    %dma_start3A_151 = arith.constant 0 : i32
    %dma_start3A_152 = arith.constant 0 : i32
    %dma_start3A_153 = tpu.memref_slice %arg16[%dma_start3A_151, %dma_start3A_152] : memref<10240x16xf32, #tpu.memory_space<vmem_shared>> -> memref<10240x16xf32, #tpu.memory_space<vmem_shared>>
    tpu.enqueue_indirect_dma source(%dma_start3A_153 : memref<10240x16xf32, #tpu.memory_space<vmem_shared>>) target(%dma_start3A_147 : memref<128x16xf32, #tpu.memory_space<vmem>>) offsets(%dma_start3A_150 : memref<128xi32, #tpu.memory_space<vmem>>) semaphore(%arg20 : memref<!tpu.dma_semaphore, #tpu.memory_space<semaphore_mem>>)
    %dma_start3A_154 = arith.constant 2 : i32
    %dma_start3A_155 = arith.constant 256 : i32
    %dma_start3A_156 = arith.constant 0 : i32
    %dma_start3A_157 = tpu.memref_slice %arg11[%dma_start3A_155, %dma_start3A_156] : memref<512x16xf32, #tpu.memory_space<vmem>> -> memref<128x16xf32, #tpu.memory_space<vmem>>
    %dma_start3A_158 = arith.constant 0 : i32
    %dma_start3A_159 = tpu.memref_slice %arg7[%dma_start3A_154, %dma_start3A_158] : memref<4x128xi32, #tpu.memory_space<vmem>> -> memref<1x128xi32, #tpu.memory_space<vmem>>
    %dma_start3A_160 = tpu.memref_squeeze %dma_start3A_159 : memref<1x128xi32, #tpu.memory_space<vmem>> -> memref<128xi32, #tpu.memory_space<vmem>>
    %dma_start3A_161 = arith.constant 0 : i32
    %dma_start3A_162 = arith.constant 0 : i32
    %dma_start3A_163 = tpu.memref_slice %arg17[%dma_start3A_161, %dma_start3A_162] : memref<10240x16xf32, #tpu.memory_space<vmem_shared>> -> memref<10240x16xf32, #tpu.memory_space<vmem_shared>>
    tpu.enqueue_indirect_dma source(%dma_start3A_163 : memref<10240x16xf32, #tpu.memory_space<vmem_shared>>) target(%dma_start3A_157 : memref<128x16xf32, #tpu.memory_space<vmem>>) offsets(%dma_start3A_160 : memref<128xi32, #tpu.memory_space<vmem>>) semaphore(%arg20 : memref<!tpu.dma_semaphore, #tpu.memory_space<semaphore_mem>>)
    %dma_start3A_164 = arith.constant 3 : i32
    %dma_start3A_165 = arith.constant 384 : i32
    %dma_start3A_166 = arith.constant 0 : i32
    %dma_start3A_167 = tpu.memref_slice %arg10[%dma_start3A_165, %dma_start3A_166] : memref<512x16xf32, #tpu.memory_space<vmem>> -> memref<128x16xf32, #tpu.memory_space<vmem>>
    %dma_start3A_168 = arith.constant 0 : i32
    %dma_start3A_169 = tpu.memref_slice %arg6[%dma_start3A_164, %dma_start3A_168] : memref<4x128xi32, #tpu.memory_space<vmem>> -> memref<1x128xi32, #tpu.memory_space<vmem>>
    %dma_start3A_170 = tpu.memref_squeeze %dma_start3A_169 : memref<1x128xi32, #tpu.memory_space<vmem>> -> memref<128xi32, #tpu.memory_space<vmem>>
    %dma_start3A_171 = arith.constant 0 : i32
    %dma_start3A_172 = arith.constant 0 : i32
    %dma_start3A_173 = tpu.memref_slice %arg16[%dma_start3A_171, %dma_start3A_172] : memref<10240x16xf32, #tpu.memory_space<vmem_shared>> -> memref<10240x16xf32, #tpu.memory_space<vmem_shared>>
    tpu.enqueue_indirect_dma source(%dma_start3A_173 : memref<10240x16xf32, #tpu.memory_space<vmem_shared>>) target(%dma_start3A_167 : memref<128x16xf32, #tpu.memory_space<vmem>>) offsets(%dma_start3A_170 : memref<128xi32, #tpu.memory_space<vmem>>) semaphore(%arg20 : memref<!tpu.dma_semaphore, #tpu.memory_space<semaphore_mem>>)
    %dma_start3A_174 = arith.constant 3 : i32
    %dma_start3A_175 = arith.constant 384 : i32
    %dma_start3A_176 = arith.constant 0 : i32
    %dma_start3A_177 = tpu.memref_slice %arg11[%dma_start3A_175, %dma_start3A_176] : memref<512x16xf32, #tpu.memory_space<vmem>> -> memref<128x16xf32, #tpu.memory_space<vmem>>
    %dma_start3A_178 = arith.constant 0 : i32
    %dma_start3A_179 = tpu.memref_slice %arg7[%dma_start3A_174, %dma_start3A_178] : memref<4x128xi32, #tpu.memory_space<vmem>> -> memref<1x128xi32, #tpu.memory_space<vmem>>
    %dma_start3A_180 = tpu.memref_squeeze %dma_start3A_179 : memref<1x128xi32, #tpu.memory_space<vmem>> -> memref<128xi32, #tpu.memory_space<vmem>>
    %dma_start3A_181 = arith.constant 0 : i32
    %dma_start3A_182 = arith.constant 0 : i32
    %dma_start3A_183 = tpu.memref_slice %arg17[%dma_start3A_181, %dma_start3A_182] : memref<10240x16xf32, #tpu.memory_space<vmem_shared>> -> memref<10240x16xf32, #tpu.memory_space<vmem_shared>>
    tpu.enqueue_indirect_dma source(%dma_start3A_183 : memref<10240x16xf32, #tpu.memory_space<vmem_shared>>) target(%dma_start3A_177 : memref<128x16xf32, #tpu.memory_space<vmem>>) offsets(%dma_start3A_180 : memref<128xi32, #tpu.memory_space<vmem>>) semaphore(%arg20 : memref<!tpu.dma_semaphore, #tpu.memory_space<semaphore_mem>>)
    %scan3A = arith.constant 0 : i32
    %scan3A_184 = arith.constant 0 : i32
    %scan3A_185 = arith.constant 10 : i32
    %scan3A_186 = arith.addi %scan3A_184, %scan3A_185 : i32
    %scan3A_187 = arith.constant 1 : i32
    scf.for %scan3A_201 = %scan3A_184 to %scan3A_186 step %scan3A_187  : i32 {
      %mul3A_202 = arith.constant 2 : i32
      %mul3A_203 = arith.muli %mul3A_202, %scan3A_201 : i32
      %add3A_204 = arith.constant 1 : i32
      %add3A_205 = arith.addi %mul3A_203, %add3A_204 : i32
      %dma_wait3A_206 = arith.constant 1 : i32
      %dma_wait3A_207 = arith.constant 0 : i32
      %dma_wait3A_208 = arith.constant 0 : i32
      %dma_wait3A_209 = tpu.memref_slice %arg2[%dma_wait3A_207, %dma_wait3A_206, %dma_wait3A_208] : memref<2500x2x128xi32, #tpu.memory_space<hbm>> -> memref<4x1x128xi32, #tpu.memory_space<hbm>>
      %dma_wait3A_210 = tpu.memref_squeeze %dma_wait3A_209 : memref<4x1x128xi32, #tpu.memory_space<hbm>> -> memref<4x128xi32, #tpu.memory_space<hbm>>
      %dma_wait3A_211 = arith.constant 0 : i32
      %dma_wait3A_212 = arith.constant 0 : i32
      %dma_wait3A_213 = tpu.memref_slice %arg2[%dma_wait3A_211, %dma_wait3A_206, %dma_wait3A_212] : memref<2500x2x128xi32, #tpu.memory_space<hbm>> -> memref<4x1x128xi32, #tpu.memory_space<hbm>>
      %dma_wait3A_214 = tpu.memref_squeeze %dma_wait3A_213 : memref<4x1x128xi32, #tpu.memory_space<hbm>> -> memref<4x128xi32, #tpu.memory_space<hbm>>
      tpu.wait_dma2 semaphore(%arg19 : memref<!tpu.dma_semaphore, #tpu.memory_space<semaphore_mem>>) src(%dma_wait3A_214 : memref<4x128xi32, #tpu.memory_space<hbm>>) dst(%arg8 : memref<4x128xi32, #tpu.memory_space<vmem>>)
      %dma_wait3A_215 = arith.constant 0 : i32
      %dma_wait3A_216 = arith.constant 0 : i32
      %dma_wait3A_217 = arith.constant 0 : i32
      %dma_wait3A_218 = tpu.memref_slice %arg2[%dma_wait3A_216, %dma_wait3A_215, %dma_wait3A_217] : memref<2500x2x128xi32, #tpu.memory_space<hbm>> -> memref<4x1x128xi32, #tpu.memory_space<hbm>>
      %dma_wait3A_219 = tpu.memref_squeeze %dma_wait3A_218 : memref<4x1x128xi32, #tpu.memory_space<hbm>> -> memref<4x128xi32, #tpu.memory_space<hbm>>
      %dma_wait3A_220 = arith.constant 0 : i32
      %dma_wait3A_221 = arith.constant 0 : i32
      %dma_wait3A_222 = tpu.memref_slice %arg2[%dma_wait3A_220, %dma_wait3A_215, %dma_wait3A_221] : memref<2500x2x128xi32, #tpu.memory_space<hbm>> -> memref<4x1x128xi32, #tpu.memory_space<hbm>>
      %dma_wait3A_223 = tpu.memref_squeeze %dma_wait3A_222 : memref<4x1x128xi32, #tpu.memory_space<hbm>> -> memref<4x128xi32, #tpu.memory_space<hbm>>
      tpu.wait_dma2 semaphore(%arg19 : memref<!tpu.dma_semaphore, #tpu.memory_space<semaphore_mem>>) src(%dma_wait3A_223 : memref<4x128xi32, #tpu.memory_space<hbm>>) dst(%arg9 : memref<4x128xi32, #tpu.memory_space<vmem>>)
      %dma_start3A_224 = arith.constant 0 : i32
      %dma_start3A_225 = arith.constant 0 : i32
      %dma_start3A_226 = arith.constant 0 : i32
      %dma_start3A_227 = tpu.memref_slice %arg12[%dma_start3A_225, %dma_start3A_226] : memref<512x16xf32, #tpu.memory_space<vmem>> -> memref<128x16xf32, #tpu.memory_space<vmem>>
      %dma_start3A_228 = arith.constant 0 : i32
      %dma_start3A_229 = tpu.memref_slice %arg8[%dma_start3A_224, %dma_start3A_228] : memref<4x128xi32, #tpu.memory_space<vmem>> -> memref<1x128xi32, #tpu.memory_space<vmem>>
      %dma_start3A_230 = tpu.memref_squeeze %dma_start3A_229 : memref<1x128xi32, #tpu.memory_space<vmem>> -> memref<128xi32, #tpu.memory_space<vmem>>
      %dma_start3A_231 = arith.constant 0 : i32
      %dma_start3A_232 = arith.constant 0 : i32
      %dma_start3A_233 = tpu.memref_slice %arg16[%dma_start3A_231, %dma_start3A_232] : memref<10240x16xf32, #tpu.memory_space<vmem_shared>> -> memref<10240x16xf32, #tpu.memory_space<vmem_shared>>
      tpu.enqueue_indirect_dma source(%dma_start3A_233 : memref<10240x16xf32, #tpu.memory_space<vmem_shared>>) target(%dma_start3A_227 : memref<128x16xf32, #tpu.memory_space<vmem>>) offsets(%dma_start3A_230 : memref<128xi32, #tpu.memory_space<vmem>>) semaphore(%arg21 : memref<!tpu.dma_semaphore, #tpu.memory_space<semaphore_mem>>)
      %dma_start3A_234 = arith.constant 0 : i32
      %dma_start3A_235 = arith.constant 0 : i32
      %dma_start3A_236 = arith.constant 0 : i32
      %dma_start3A_237 = tpu.memref_slice %arg13[%dma_start3A_235, %dma_start3A_236] : memref<512x16xf32, #tpu.memory_space<vmem>> -> memref<128x16xf32, #tpu.memory_space<vmem>>
      %dma_start3A_238 = arith.constant 0 : i32
      %dma_start3A_239 = tpu.memref_slice %arg9[%dma_start3A_234, %dma_start3A_238] : memref<4x128xi32, #tpu.memory_space<vmem>> -> memref<1x128xi32, #tpu.memory_space<vmem>>
      %dma_start3A_240 = tpu.memref_squeeze %dma_start3A_239 : memref<1x128xi32, #tpu.memory_space<vmem>> -> memref<128xi32, #tpu.memory_space<vmem>>
      %dma_start3A_241 = arith.constant 0 : i32
      %dma_start3A_242 = arith.constant 0 : i32
      %dma_start3A_243 = tpu.memref_slice %arg17[%dma_start3A_241, %dma_start3A_242] : memref<10240x16xf32, #tpu.memory_space<vmem_shared>> -> memref<10240x16xf32, #tpu.memory_space<vmem_shared>>
      tpu.enqueue_indirect_dma source(%dma_start3A_243 : memref<10240x16xf32, #tpu.memory_space<vmem_shared>>) target(%dma_start3A_237 : memref<128x16xf32, #tpu.memory_space<vmem>>) offsets(%dma_start3A_240 : memref<128xi32, #tpu.memory_space<vmem>>) semaphore(%arg21 : memref<!tpu.dma_semaphore, #tpu.memory_space<semaphore_mem>>)
      %dma_start3A_244 = arith.constant 1 : i32
      %dma_start3A_245 = arith.constant 128 : i32
      %dma_start3A_246 = arith.constant 0 : i32
      %dma_start3A_247 = tpu.memref_slice %arg12[%dma_start3A_245, %dma_start3A_246] : memref<512x16xf32, #tpu.memory_space<vmem>> -> memref<128x16xf32, #tpu.memory_space<vmem>>
      %dma_start3A_248 = arith.constant 0 : i32
      %dma_start3A_249 = tpu.memref_slice %arg8[%dma_start3A_244, %dma_start3A_248] : memref<4x128xi32, #tpu.memory_space<vmem>> -> memref<1x128xi32, #tpu.memory_space<vmem>>
      %dma_start3A_250 = tpu.memref_squeeze %dma_start3A_249 : memref<1x128xi32, #tpu.memory_space<vmem>> -> memref<128xi32, #tpu.memory_space<vmem>>
      %dma_start3A_251 = arith.constant 0 : i32
      %dma_start3A_252 = arith.constant 0 : i32
      %dma_start3A_253 = tpu.memref_slice %arg16[%dma_start3A_251, %dma_start3A_252] : memref<10240x16xf32, #tpu.memory_space<vmem_shared>> -> memref<10240x16xf32, #tpu.memory_space<vmem_shared>>
      tpu.enqueue_indirect_dma source(%dma_start3A_253 : memref<10240x16xf32, #tpu.memory_space<vmem_shared>>) target(%dma_start3A_247 : memref<128x16xf32, #tpu.memory_space<vmem>>) offsets(%dma_start3A_250 : memref<128xi32, #tpu.memory_space<vmem>>) semaphore(%arg21 : memref<!tpu.dma_semaphore, #tpu.memory_space<semaphore_mem>>)
      %dma_start3A_254 = arith.constant 1 : i32
      %dma_start3A_255 = arith.constant 128 : i32
      %dma_start3A_256 = arith.constant 0 : i32
      %dma_start3A_257 = tpu.memref_slice %arg13[%dma_start3A_255, %dma_start3A_256] : memref<512x16xf32, #tpu.memory_space<vmem>> -> memref<128x16xf32, #tpu.memory_space<vmem>>
      %dma_start3A_258 = arith.constant 0 : i32
      %dma_start3A_259 = tpu.memref_slice %arg9[%dma_start3A_254, %dma_start3A_258] : memref<4x128xi32, #tpu.memory_space<vmem>> -> memref<1x128xi32, #tpu.memory_space<vmem>>
      %dma_start3A_260 = tpu.memref_squeeze %dma_start3A_259 : memref<1x128xi32, #tpu.memory_space<vmem>> -> memref<128xi32, #tpu.memory_space<vmem>>
      %dma_start3A_261 = arith.constant 0 : i32
      %dma_start3A_262 = arith.constant 0 : i32
      %dma_start3A_263 = tpu.memref_slice %arg17[%dma_start3A_261, %dma_start3A_262] : memref<10240x16xf32, #tpu.memory_space<vmem_shared>> -> memref<10240x16xf32, #tpu.memory_space<vmem_shared>>
      tpu.enqueue_indirect_dma source(%dma_start3A_263 : memref<10240x16xf32, #tpu.memory_space<vmem_shared>>) target(%dma_start3A_257 : memref<128x16xf32, #tpu.memory_space<vmem>>) offsets(%dma_start3A_260 : memref<128xi32, #tpu.memory_space<vmem>>) semaphore(%arg21 : memref<!tpu.dma_semaphore, #tpu.memory_space<semaphore_mem>>)
      %dma_start3A_264 = arith.constant 2 : i32
      %dma_start3A_265 = arith.constant 256 : i32
      %dma_start3A_266 = arith.constant 0 : i32
      %dma_start3A_267 = tpu.memref_slice %arg12[%dma_start3A_265, %dma_start3A_266] : memref<512x16xf32, #tpu.memory_space<vmem>> -> memref<128x16xf32, #tpu.memory_space<vmem>>
      %dma_start3A_268 = arith.constant 0 : i32
      %dma_start3A_269 = tpu.memref_slice %arg8[%dma_start3A_264, %dma_start3A_268] : memref<4x128xi32, #tpu.memory_space<vmem>> -> memref<1x128xi32, #tpu.memory_space<vmem>>
      %dma_start3A_270 = tpu.memref_squeeze %dma_start3A_269 : memref<1x128xi32, #tpu.memory_space<vmem>> -> memref<128xi32, #tpu.memory_space<vmem>>
      %dma_start3A_271 = arith.constant 0 : i32
      %dma_start3A_272 = arith.constant 0 : i32
      %dma_start3A_273 = tpu.memref_slice %arg16[%dma_start3A_271, %dma_start3A_272] : memref<10240x16xf32, #tpu.memory_space<vmem_shared>> -> memref<10240x16xf32, #tpu.memory_space<vmem_shared>>
      tpu.enqueue_indirect_dma source(%dma_start3A_273 : memref<10240x16xf32, #tpu.memory_space<vmem_shared>>) target(%dma_start3A_267 : memref<128x16xf32, #tpu.memory_space<vmem>>) offsets(%dma_start3A_270 : memref<128xi32, #tpu.memory_space<vmem>>) semaphore(%arg21 : memref<!tpu.dma_semaphore, #tpu.memory_space<semaphore_mem>>)
      %dma_start3A_274 = arith.constant 2 : i32
      %dma_start3A_275 = arith.constant 256 : i32
      %dma_start3A_276 = arith.constant 0 : i32
      %dma_start3A_277 = tpu.memref_slice %arg13[%dma_start3A_275, %dma_start3A_276] : memref<512x16xf32, #tpu.memory_space<vmem>> -> memref<128x16xf32, #tpu.memory_space<vmem>>
      %dma_start3A_278 = arith.constant 0 : i32
      %dma_start3A_279 = tpu.memref_slice %arg9[%dma_start3A_274, %dma_start3A_278] : memref<4x128xi32, #tpu.memory_space<vmem>> -> memref<1x128xi32, #tpu.memory_space<vmem>>
      %dma_start3A_280 = tpu.memref_squeeze %dma_start3A_279 : memref<1x128xi32, #tpu.memory_space<vmem>> -> memref<128xi32, #tpu.memory_space<vmem>>
      %dma_start3A_281 = arith.constant 0 : i32
      %dma_start3A_282 = arith.constant 0 : i32
      %dma_start3A_283 = tpu.memref_slice %arg17[%dma_start3A_281, %dma_start3A_282] : memref<10240x16xf32, #tpu.memory_space<vmem_shared>> -> memref<10240x16xf32, #tpu.memory_space<vmem_shared>>
      tpu.enqueue_indirect_dma source(%dma_start3A_283 : memref<10240x16xf32, #tpu.memory_space<vmem_shared>>) target(%dma_start3A_277 : memref<128x16xf32, #tpu.memory_space<vmem>>) offsets(%dma_start3A_280 : memref<128xi32, #tpu.memory_space<vmem>>) semaphore(%arg21 : memref<!tpu.dma_semaphore, #tpu.memory_space<semaphore_mem>>)
      %dma_start3A_284 = arith.constant 3 : i32
      %dma_start3A_285 = arith.constant 384 : i32
      %dma_start3A_286 = arith.constant 0 : i32
      %dma_start3A_287 = tpu.memref_slice %arg12[%dma_start3A_285, %dma_start3A_286] : memref<512x16xf32, #tpu.memory_space<vmem>> -> memref<128x16xf32, #tpu.memory_space<vmem>>
      %dma_start3A_288 = arith.constant 0 : i32
      %dma_start3A_289 = tpu.memref_slice %arg8[%dma_start3A_284, %dma_start3A_288] : memref<4x128xi32, #tpu.memory_space<vmem>> -> memref<1x128xi32, #tpu.memory_space<vmem>>
      %dma_start3A_290 = tpu.memref_squeeze %dma_start3A_289 : memref<1x128xi32, #tpu.memory_space<vmem>> -> memref<128xi32, #tpu.memory_space<vmem>>
      %dma_start3A_291 = arith.constant 0 : i32
      %dma_start3A_292 = arith.constant 0 : i32
      %dma_start3A_293 = tpu.memref_slice %arg16[%dma_start3A_291, %dma_start3A_292] : memref<10240x16xf32, #tpu.memory_space<vmem_shared>> -> memref<10240x16xf32, #tpu.memory_space<vmem_shared>>
      tpu.enqueue_indirect_dma source(%dma_start3A_293 : memref<10240x16xf32, #tpu.memory_space<vmem_shared>>) target(%dma_start3A_287 : memref<128x16xf32, #tpu.memory_space<vmem>>) offsets(%dma_start3A_290 : memref<128xi32, #tpu.memory_space<vmem>>) semaphore(%arg21 : memref<!tpu.dma_semaphore, #tpu.memory_space<semaphore_mem>>)
      %dma_start3A_294 = arith.constant 3 : i32
      %dma_start3A_295 = arith.constant 384 : i32
      %dma_start3A_296 = arith.constant 0 : i32
      %dma_start3A_297 = tpu.memref_slice %arg13[%dma_start3A_295, %dma_start3A_296] : memref<512x16xf32, #tpu.memory_space<vmem>> -> memref<128x16xf32, #tpu.memory_space<vmem>>
      %dma_start3A_298 = arith.constant 0 : i32
      %dma_start3A_299 = tpu.memref_slice %arg9[%dma_start3A_294, %dma_start3A_298] : memref<4x128xi32, #tpu.memory_space<vmem>> -> memref<1x128xi32, #tpu.memory_space<vmem>>
      %dma_start3A_300 = tpu.memref_squeeze %dma_start3A_299 : memref<1x128xi32, #tpu.memory_space<vmem>> -> memref<128xi32, #tpu.memory_space<vmem>>
      %dma_start3A_301 = arith.constant 0 : i32
      %dma_start3A_302 = arith.constant 0 : i32
      %dma_start3A_303 = tpu.memref_slice %arg17[%dma_start3A_301, %dma_start3A_302] : memref<10240x16xf32, #tpu.memory_space<vmem_shared>> -> memref<10240x16xf32, #tpu.memory_space<vmem_shared>>
      tpu.enqueue_indirect_dma source(%dma_start3A_303 : memref<10240x16xf32, #tpu.memory_space<vmem_shared>>) target(%dma_start3A_297 : memref<128x16xf32, #tpu.memory_space<vmem>>) offsets(%dma_start3A_300 : memref<128xi32, #tpu.memory_space<vmem>>) semaphore(%arg21 : memref<!tpu.dma_semaphore, #tpu.memory_space<semaphore_mem>>)
      %dma_wait3A_304 = arith.constant 0 : i32
      %dma_wait3A_305 = arith.constant 0 : i32
      %dma_wait3A_306 = arith.constant 0 : i32
      %dma_wait3A_307 = tpu.memref_slice %arg10[%dma_wait3A_305, %dma_wait3A_306] : memref<512x16xf32, #tpu.memory_space<vmem>> -> memref<128x16xf32, #tpu.memory_space<vmem>>
      %dma_wait3A_308 = arith.constant 0 : i32
      %dma_wait3A_309 = tpu.memref_slice %arg6[%dma_wait3A_304, %dma_wait3A_308] : memref<4x128xi32, #tpu.memory_space<vmem>> -> memref<1x128xi32, #tpu.memory_space<vmem>>
      %dma_wait3A_310 = tpu.memref_squeeze %dma_wait3A_309 : memref<1x128xi32, #tpu.memory_space<vmem>> -> memref<128xi32, #tpu.memory_space<vmem>>
      %dma_wait3A_311 = arith.constant 0 : i32
      %dma_wait3A_312 = arith.constant 0 : i32
      %dma_wait3A_313 = tpu.memref_slice %arg16[%dma_wait3A_311, %dma_wait3A_312] : memref<10240x16xf32, #tpu.memory_space<vmem_shared>> -> memref<10240x16xf32, #tpu.memory_space<vmem_shared>>
      tpu.wait_indirect_dma semaphore(%arg20 : memref<!tpu.dma_semaphore, #tpu.memory_space<semaphore_mem>>) src(%dma_wait3A_313 : memref<10240x16xf32, #tpu.memory_space<vmem_shared>>) dst(%dma_wait3A_307 : memref<128x16xf32, #tpu.memory_space<vmem>>)
      %dma_wait3A_314 = arith.constant 0 : i32
      %dma_wait3A_315 = arith.constant 0 : i32
      %dma_wait3A_316 = arith.constant 0 : i32
      %dma_wait3A_317 = tpu.memref_slice %arg11[%dma_wait3A_315, %dma_wait3A_316] : memref<512x16xf32, #tpu.memory_space<vmem>> -> memref<128x16xf32, #tpu.memory_space<vmem>>
      %dma_wait3A_318 = arith.constant 0 : i32
      %dma_wait3A_319 = tpu.memref_slice %arg7[%dma_wait3A_314, %dma_wait3A_318] : memref<4x128xi32, #tpu.memory_space<vmem>> -> memref<1x128xi32, #tpu.memory_space<vmem>>
      %dma_wait3A_320 = tpu.memref_squeeze %dma_wait3A_319 : memref<1x128xi32, #tpu.memory_space<vmem>> -> memref<128xi32, #tpu.memory_space<vmem>>
      %dma_wait3A_321 = arith.constant 0 : i32
      %dma_wait3A_322 = arith.constant 0 : i32
      %dma_wait3A_323 = tpu.memref_slice %arg17[%dma_wait3A_321, %dma_wait3A_322] : memref<10240x16xf32, #tpu.memory_space<vmem_shared>> -> memref<10240x16xf32, #tpu.memory_space<vmem_shared>>
      tpu.wait_indirect_dma semaphore(%arg20 : memref<!tpu.dma_semaphore, #tpu.memory_space<semaphore_mem>>) src(%dma_wait3A_323 : memref<10240x16xf32, #tpu.memory_space<vmem_shared>>) dst(%dma_wait3A_317 : memref<128x16xf32, #tpu.memory_space<vmem>>)
      %dma_wait3A_324 = arith.constant 1 : i32
      %dma_wait3A_325 = arith.constant 128 : i32
      %dma_wait3A_326 = arith.constant 0 : i32
      %dma_wait3A_327 = tpu.memref_slice %arg10[%dma_wait3A_325, %dma_wait3A_326] : memref<512x16xf32, #tpu.memory_space<vmem>> -> memref<128x16xf32, #tpu.memory_space<vmem>>
      %dma_wait3A_328 = arith.constant 0 : i32
      %dma_wait3A_329 = tpu.memref_slice %arg6[%dma_wait3A_324, %dma_wait3A_328] : memref<4x128xi32, #tpu.memory_space<vmem>> -> memref<1x128xi32, #tpu.memory_space<vmem>>
      %dma_wait3A_330 = tpu.memref_squeeze %dma_wait3A_329 : memref<1x128xi32, #tpu.memory_space<vmem>> -> memref<128xi32, #tpu.memory_space<vmem>>
      %dma_wait3A_331 = arith.constant 0 : i32
      %dma_wait3A_332 = arith.constant 0 : i32
      %dma_wait3A_333 = tpu.memref_slice %arg16[%dma_wait3A_331, %dma_wait3A_332] : memref<10240x16xf32, #tpu.memory_space<vmem_shared>> -> memref<10240x16xf32, #tpu.memory_space<vmem_shared>>
      tpu.wait_indirect_dma semaphore(%arg20 : memref<!tpu.dma_semaphore, #tpu.memory_space<semaphore_mem>>) src(%dma_wait3A_333 : memref<10240x16xf32, #tpu.memory_space<vmem_shared>>) dst(%dma_wait3A_327 : memref<128x16xf32, #tpu.memory_space<vmem>>)
      %dma_wait3A_334 = arith.constant 1 : i32
      %dma_wait3A_335 = arith.constant 128 : i32
      %dma_wait3A_336 = arith.constant 0 : i32
      %dma_wait3A_337 = tpu.memref_slice %arg11[%dma_wait3A_335, %dma_wait3A_336] : memref<512x16xf32, #tpu.memory_space<vmem>> -> memref<128x16xf32, #tpu.memory_space<vmem>>
      %dma_wait3A_338 = arith.constant 0 : i32
      %dma_wait3A_339 = tpu.memref_slice %arg7[%dma_wait3A_334, %dma_wait3A_338] : memref<4x128xi32, #tpu.memory_space<vmem>> -> memref<1x128xi32, #tpu.memory_space<vmem>>
      %dma_wait3A_340 = tpu.memref_squeeze %dma_wait3A_339 : memref<1x128xi32, #tpu.memory_space<vmem>> -> memref<128xi32, #tpu.memory_space<vmem>>
      %dma_wait3A_341 = arith.constant 0 : i32
      %dma_wait3A_342 = arith.constant 0 : i32
      %dma_wait3A_343 = tpu.memref_slice %arg17[%dma_wait3A_341, %dma_wait3A_342] : memref<10240x16xf32, #tpu.memory_space<vmem_shared>> -> memref<10240x16xf32, #tpu.memory_space<vmem_shared>>
      tpu.wait_indirect_dma semaphore(%arg20 : memref<!tpu.dma_semaphore, #tpu.memory_space<semaphore_mem>>) src(%dma_wait3A_343 : memref<10240x16xf32, #tpu.memory_space<vmem_shared>>) dst(%dma_wait3A_337 : memref<128x16xf32, #tpu.memory_space<vmem>>)
      %dma_wait3A_344 = arith.constant 2 : i32
      %dma_wait3A_345 = arith.constant 256 : i32
      %dma_wait3A_346 = arith.constant 0 : i32
      %dma_wait3A_347 = tpu.memref_slice %arg10[%dma_wait3A_345, %dma_wait3A_346] : memref<512x16xf32, #tpu.memory_space<vmem>> -> memref<128x16xf32, #tpu.memory_space<vmem>>
      %dma_wait3A_348 = arith.constant 0 : i32
      %dma_wait3A_349 = tpu.memref_slice %arg6[%dma_wait3A_344, %dma_wait3A_348] : memref<4x128xi32, #tpu.memory_space<vmem>> -> memref<1x128xi32, #tpu.memory_space<vmem>>
      %dma_wait3A_350 = tpu.memref_squeeze %dma_wait3A_349 : memref<1x128xi32, #tpu.memory_space<vmem>> -> memref<128xi32, #tpu.memory_space<vmem>>
      %dma_wait3A_351 = arith.constant 0 : i32
      %dma_wait3A_352 = arith.constant 0 : i32
      %dma_wait3A_353 = tpu.memref_slice %arg16[%dma_wait3A_351, %dma_wait3A_352] : memref<10240x16xf32, #tpu.memory_space<vmem_shared>> -> memref<10240x16xf32, #tpu.memory_space<vmem_shared>>
      tpu.wait_indirect_dma semaphore(%arg20 : memref<!tpu.dma_semaphore, #tpu.memory_space<semaphore_mem>>) src(%dma_wait3A_353 : memref<10240x16xf32, #tpu.memory_space<vmem_shared>>) dst(%dma_wait3A_347 : memref<128x16xf32, #tpu.memory_space<vmem>>)
      %dma_wait3A_354 = arith.constant 2 : i32
      %dma_wait3A_355 = arith.constant 256 : i32
      %dma_wait3A_356 = arith.constant 0 : i32
      %dma_wait3A_357 = tpu.memref_slice %arg11[%dma_wait3A_355, %dma_wait3A_356] : memref<512x16xf32, #tpu.memory_space<vmem>> -> memref<128x16xf32, #tpu.memory_space<vmem>>
      %dma_wait3A_358 = arith.constant 0 : i32
      %dma_wait3A_359 = tpu.memref_slice %arg7[%dma_wait3A_354, %dma_wait3A_358] : memref<4x128xi32, #tpu.memory_space<vmem>> -> memref<1x128xi32, #tpu.memory_space<vmem>>
      %dma_wait3A_360 = tpu.memref_squeeze %dma_wait3A_359 : memref<1x128xi32, #tpu.memory_space<vmem>> -> memref<128xi32, #tpu.memory_space<vmem>>
      %dma_wait3A_361 = arith.constant 0 : i32
      %dma_wait3A_362 = arith.constant 0 : i32
      %dma_wait3A_363 = tpu.memref_slice %arg17[%dma_wait3A_361, %dma_wait3A_362] : memref<10240x16xf32, #tpu.memory_space<vmem_shared>> -> memref<10240x16xf32, #tpu.memory_space<vmem_shared>>
      tpu.wait_indirect_dma semaphore(%arg20 : memref<!tpu.dma_semaphore, #tpu.memory_space<semaphore_mem>>) src(%dma_wait3A_363 : memref<10240x16xf32, #tpu.memory_space<vmem_shared>>) dst(%dma_wait3A_357 : memref<128x16xf32, #tpu.memory_space<vmem>>)
      %dma_wait3A_364 = arith.constant 3 : i32
      %dma_wait3A_365 = arith.constant 384 : i32
      %dma_wait3A_366 = arith.constant 0 : i32
      %dma_wait3A_367 = tpu.memref_slice %arg10[%dma_wait3A_365, %dma_wait3A_366] : memref<512x16xf32, #tpu.memory_space<vmem>> -> memref<128x16xf32, #tpu.memory_space<vmem>>
      %dma_wait3A_368 = arith.constant 0 : i32
      %dma_wait3A_369 = tpu.memref_slice %arg6[%dma_wait3A_364, %dma_wait3A_368] : memref<4x128xi32, #tpu.memory_space<vmem>> -> memref<1x128xi32, #tpu.memory_space<vmem>>
      %dma_wait3A_370 = tpu.memref_squeeze %dma_wait3A_369 : memref<1x128xi32, #tpu.memory_space<vmem>> -> memref<128xi32, #tpu.memory_space<vmem>>
      %dma_wait3A_371 = arith.constant 0 : i32
      %dma_wait3A_372 = arith.constant 0 : i32
      %dma_wait3A_373 = tpu.memref_slice %arg16[%dma_wait3A_371, %dma_wait3A_372] : memref<10240x16xf32, #tpu.memory_space<vmem_shared>> -> memref<10240x16xf32, #tpu.memory_space<vmem_shared>>
      tpu.wait_indirect_dma semaphore(%arg20 : memref<!tpu.dma_semaphore, #tpu.memory_space<semaphore_mem>>) src(%dma_wait3A_373 : memref<10240x16xf32, #tpu.memory_space<vmem_shared>>) dst(%dma_wait3A_367 : memref<128x16xf32, #tpu.memory_space<vmem>>)
      %dma_wait3A_374 = arith.constant 3 : i32
      %dma_wait3A_375 = arith.constant 384 : i32
      %dma_wait3A_376 = arith.constant 0 : i32
      %dma_wait3A_377 = tpu.memref_slice %arg11[%dma_wait3A_375, %dma_wait3A_376] : memref<512x16xf32, #tpu.memory_space<vmem>> -> memref<128x16xf32, #tpu.memory_space<vmem>>
      %dma_wait3A_378 = arith.constant 0 : i32
      %dma_wait3A_379 = tpu.memref_slice %arg7[%dma_wait3A_374, %dma_wait3A_378] : memref<4x128xi32, #tpu.memory_space<vmem>> -> memref<1x128xi32, #tpu.memory_space<vmem>>
      %dma_wait3A_380 = tpu.memref_squeeze %dma_wait3A_379 : memref<1x128xi32, #tpu.memory_space<vmem>> -> memref<128xi32, #tpu.memory_space<vmem>>
      %dma_wait3A_381 = arith.constant 0 : i32
      %dma_wait3A_382 = arith.constant 0 : i32
      %dma_wait3A_383 = tpu.memref_slice %arg17[%dma_wait3A_381, %dma_wait3A_382] : memref<10240x16xf32, #tpu.memory_space<vmem_shared>> -> memref<10240x16xf32, #tpu.memory_space<vmem_shared>>
      tpu.wait_indirect_dma semaphore(%arg20 : memref<!tpu.dma_semaphore, #tpu.memory_space<semaphore_mem>>) src(%dma_wait3A_383 : memref<10240x16xf32, #tpu.memory_space<vmem_shared>>) dst(%dma_wait3A_377 : memref<128x16xf32, #tpu.memory_space<vmem>>)
      %add3A_384 = arith.constant 2 : i32
      %add3A_385 = arith.addi %mul3A_203, %add3A_384 : i32
      %lt3A = arith.constant 20 : i32
      %lt3A_386 = arith.cmpi slt, %add3A_385, %lt3A : i32
      %convert_element_type3A = arith.extui %lt3A_386 : i1 to i32
      %cond3A = arith.constant 0 : i32
      %cond3A_387 = arith.cmpi ne, %convert_element_type3A, %cond3A : i32
      scf.if %cond3A_387 {
        %add3A_529 = arith.constant 2 : i32
        %add3A_530 = arith.addi %mul3A_203, %add3A_529 : i32
        %mul3A_531 = arith.constant 512 : i32
        %mul3A_532 = arith.muli %add3A_530, %mul3A_531 : i32
        %add3A_533 = arith.addi %mul3A_2, %mul3A_532 : i32
        %min3A_534 = arith.constant 319488 : i32
        %min3A_535 = arith.minsi %add3A_533, %min3A_534 : i32
        %jit3A_536 = arith.constant 128 : i32
        %div3A_537 = arith.divsi %min3A_535, %jit3A_536 : i32
        %sign3A_538 = arith.constant 0 : i32
        %sign3A_539 = arith.cmpi sgt, %min3A_535, %sign3A_538 : i32
        %sign3A_540 = arith.extui %sign3A_539 : i1 to i32
        %sign3A_541 = arith.constant 0 : i32
        %sign3A_542 = arith.cmpi slt, %min3A_535, %sign3A_541 : i32
        %sign3A_543 = arith.extui %sign3A_542 : i1 to i32
        %sign3A_544 = arith.subi %sign3A_540, %sign3A_543 : i32
        %sign3A_545 = arith.constant 0 : i32
        %sign3A_546 = arith.cmpi sgt, %jit3A_536, %sign3A_545 : i32
        %sign3A_547 = arith.extui %sign3A_546 : i1 to i32
        %sign3A_548 = arith.constant 0 : i32
        %sign3A_549 = arith.cmpi slt, %jit3A_536, %sign3A_548 : i32
        %sign3A_550 = arith.extui %sign3A_549 : i1 to i32
        %sign3A_551 = arith.subi %sign3A_547, %sign3A_550 : i32
        %ne3A_552 = arith.cmpi ne, %sign3A_544, %sign3A_551 : i32
        %rem3A_553 = arith.remsi %min3A_535, %jit3A_536 : i32
        %ne3A_554 = arith.constant 0 : i32
        %ne3A_555 = arith.cmpi ne, %rem3A_553, %ne3A_554 : i32
        %and3A_556 = arith.andi %ne3A_552, %ne3A_555 : i1
        %sub3A_557 = arith.constant 1 : i32
        %sub3A_558 = arith.subi %div3A_537, %sub3A_557 : i32
        %select_n3A_559 = arith.select %and3A_556, %sub3A_558, %div3A_537 : i32
        %dma_start3A_560 = arith.constant 1 : i32
        %dma_start3A_561 = arith.constant 0 : i32
        %dma_start3A_562 = tpu.memref_slice %arg2[%select_n3A_559, %dma_start3A_560, %dma_start3A_561] : memref<2500x2x128xi32, #tpu.memory_space<hbm>> -> memref<4x1x128xi32, #tpu.memory_space<hbm>>
        %dma_start3A_563 = tpu.memref_squeeze %dma_start3A_562 : memref<4x1x128xi32, #tpu.memory_space<hbm>> -> memref<4x128xi32, #tpu.memory_space<hbm>>
        %dma_start3A_564 = arith.constant 0 : i32
        %dma_start3A_565 = tpu.memref_slice %arg2[%select_n3A_559, %dma_start3A_560, %dma_start3A_564] : memref<2500x2x128xi32, #tpu.memory_space<hbm>> -> memref<4x1x128xi32, #tpu.memory_space<hbm>>
        %dma_start3A_566 = tpu.memref_squeeze %dma_start3A_565 : memref<4x1x128xi32, #tpu.memory_space<hbm>> -> memref<4x128xi32, #tpu.memory_space<hbm>>
        tpu.enqueue_dma source(%dma_start3A_566 : memref<4x128xi32, #tpu.memory_space<hbm>>) target(%arg6 : memref<4x128xi32, #tpu.memory_space<vmem>>) target_semaphore(%arg18 : memref<!tpu.dma_semaphore, #tpu.memory_space<semaphore_mem>>)
        %dma_start3A_567 = arith.constant 0 : i32
        %dma_start3A_568 = arith.constant 0 : i32
        %dma_start3A_569 = tpu.memref_slice %arg2[%select_n3A_559, %dma_start3A_567, %dma_start3A_568] : memref<2500x2x128xi32, #tpu.memory_space<hbm>> -> memref<4x1x128xi32, #tpu.memory_space<hbm>>
        %dma_start3A_570 = tpu.memref_squeeze %dma_start3A_569 : memref<4x1x128xi32, #tpu.memory_space<hbm>> -> memref<4x128xi32, #tpu.memory_space<hbm>>
        %dma_start3A_571 = arith.constant 0 : i32
        %dma_start3A_572 = tpu.memref_slice %arg2[%select_n3A_559, %dma_start3A_567, %dma_start3A_571] : memref<2500x2x128xi32, #tpu.memory_space<hbm>> -> memref<4x1x128xi32, #tpu.memory_space<hbm>>
        %dma_start3A_573 = tpu.memref_squeeze %dma_start3A_572 : memref<4x1x128xi32, #tpu.memory_space<hbm>> -> memref<4x128xi32, #tpu.memory_space<hbm>>
        tpu.enqueue_dma source(%dma_start3A_573 : memref<4x128xi32, #tpu.memory_space<hbm>>) target(%arg7 : memref<4x128xi32, #tpu.memory_space<vmem>>) target_semaphore(%arg18 : memref<!tpu.dma_semaphore, #tpu.memory_space<semaphore_mem>>)
      } else {
      }
      %mul3A_388 = arith.constant 512 : i32
      %mul3A_389 = arith.muli %mul3A_203, %mul3A_388 : i32
      %add3A_390 = arith.addi %mul3A_2, %mul3A_389 : i32
      %min3A_391 = arith.constant 319488 : i32
      %min3A_392 = arith.minsi %add3A_390, %min3A_391 : i32
      %sub3A_393 = arith.subi %add3A_390, %min3A_392 : i32
      %scan3A_394 = arith.constant 0 : i32
      %scan3A_395 = arith.constant 0 : i32
      %scan3A_396 = arith.constant 16 : i32
      %scan3A_397 = arith.addi %scan3A_395, %scan3A_396 : i32
      %scan3A_398 = arith.constant 1 : i32
      scf.for %scan3A_529 = %scan3A_395 to %scan3A_397 step %scan3A_398  : i32 {
        %mul3A_530 = arith.constant 32 : i32
        %mul3A_531 = arith.muli %scan3A_529, %mul3A_530 : i32
        %add3A_532 = arith.addi %mul3A_531, %sub3A_393 : i32
        %min3A_533 = arith.constant 480 : i32
        %min3A_534 = arith.minsi %add3A_532, %min3A_533 : i32
        %get3A = arith.index_cast %min3A_534 : i32 to index
        %get3A_535 = arith.constant 0 : index
        %get3A_536 = tpu.vector_load %arg10[%get3A, %get3A_535] {strides = array<i32>} : memref<512x16xf32, #tpu.memory_space<vmem>>, vector<1x16xf32>,
        %get3A_537 = vector.shape_cast %get3A_536 : vector<1x16xf32> to vector<16xf32>
        %get3A_538 = arith.index_cast %min3A_534 : i32 to index
        %get3A_539 = arith.constant 0 : index
        %get3A_540 = tpu.vector_load %arg11[%get3A_538, %get3A_539] {strides = array<i32>} : memref<512x16xf32, #tpu.memory_space<vmem>>, vector<1x16xf32>,
        %get3A_541 = vector.shape_cast %get3A_540 : vector<1x16xf32> to vector<16xf32>
        %mul3A_542 = arith.mulf %get3A_537, %get3A_541 : vector<16xf32>
        %add3A_543 = arith.constant 1 : i32
        %add3A_544 = arith.addi %min3A_534, %add3A_543 : i32
        %get3A_545 = arith.index_cast %add3A_544 : i32 to index
        %get3A_546 = arith.constant 0 : index
        %get3A_547 = tpu.vector_load %arg10[%get3A_545, %get3A_546] {strides = array<i32>} : memref<512x16xf32, #tpu.memory_space<vmem>>, vector<1x16xf32>,
        %get3A_548 = vector.shape_cast %get3A_547 : vector<1x16xf32> to vector<16xf32>
        %add3A_549 = arith.constant 1 : i32
        %add3A_550 = arith.addi %min3A_534, %add3A_549 : i32
        %get3A_551 = arith.index_cast %add3A_550 : i32 to index
        %get3A_552 = arith.constant 0 : index
        %get3A_553 = tpu.vector_load %arg11[%get3A_551, %get3A_552] {strides = array<i32>} : memref<512x16xf32, #tpu.memory_space<vmem>>, vector<1x16xf32>,
        %get3A_554 = vector.shape_cast %get3A_553 : vector<1x16xf32> to vector<16xf32>
        %mul3A_555 = arith.mulf %get3A_548, %get3A_554 : vector<16xf32>
        %add3A_556 = arith.addf %mul3A_542, %mul3A_555 : vector<16xf32>
        %add3A_557 = arith.constant 2 : i32
        %add3A_558 = arith.addi %min3A_534, %add3A_557 : i32
        %get3A_559 = arith.index_cast %add3A_558 : i32 to index
        %get3A_560 = arith.constant 0 : index
        %get3A_561 = tpu.vector_load %arg10[%get3A_559, %get3A_560] {strides = array<i32>} : memref<512x16xf32, #tpu.memory_space<vmem>>, vector<1x16xf32>,
        %get3A_562 = vector.shape_cast %get3A_561 : vector<1x16xf32> to vector<16xf32>
        %add3A_563 = arith.constant 2 : i32
        %add3A_564 = arith.addi %min3A_534, %add3A_563 : i32
        %get3A_565 = arith.index_cast %add3A_564 : i32 to index
        %get3A_566 = arith.constant 0 : index
        %get3A_567 = tpu.vector_load %arg11[%get3A_565, %get3A_566] {strides = array<i32>} : memref<512x16xf32, #tpu.memory_space<vmem>>, vector<1x16xf32>,
        %get3A_568 = vector.shape_cast %get3A_567 : vector<1x16xf32> to vector<16xf32>
        %mul3A_569 = arith.mulf %get3A_562, %get3A_568 : vector<16xf32>
        %add3A_570 = arith.addf %add3A_556, %mul3A_569 : vector<16xf32>
        %add3A_571 = arith.constant 3 : i32
        %add3A_572 = arith.addi %min3A_534, %add3A_571 : i32
        %get3A_573 = arith.index_cast %add3A_572 : i32 to index
        %get3A_574 = arith.constant 0 : index
        %get3A_575 = tpu.vector_load %arg10[%get3A_573, %get3A_574] {strides = array<i32>} : memref<512x16xf32, #tpu.memory_space<vmem>>, vector<1x16xf32>,
        %get3A_576 = vector.shape_cast %get3A_575 : vector<1x16xf32> to vector<16xf32>
        %add3A_577 = arith.constant 3 : i32
        %add3A_578 = arith.addi %min3A_534, %add3A_577 : i32
        %get3A_579 = arith.index_cast %add3A_578 : i32 to index
        %get3A_580 = arith.constant 0 : index
        %get3A_581 = tpu.vector_load %arg11[%get3A_579, %get3A_580] {strides = array<i32>} : memref<512x16xf32, #tpu.memory_space<vmem>>, vector<1x16xf32>,
        %get3A_582 = vector.shape_cast %get3A_581 : vector<1x16xf32> to vector<16xf32>
        %mul3A_583 = arith.mulf %get3A_576, %get3A_582 : vector<16xf32>
        %add3A_584 = arith.addf %add3A_570, %mul3A_583 : vector<16xf32>
        %add3A_585 = arith.constant 4 : i32
        %add3A_586 = arith.addi %min3A_534, %add3A_585 : i32
        %get3A_587 = arith.index_cast %add3A_586 : i32 to index
        %get3A_588 = arith.constant 0 : index
        %get3A_589 = tpu.vector_load %arg10[%get3A_587, %get3A_588] {strides = array<i32>} : memref<512x16xf32, #tpu.memory_space<vmem>>, vector<1x16xf32>,
        %get3A_590 = vector.shape_cast %get3A_589 : vector<1x16xf32> to vector<16xf32>
        %add3A_591 = arith.constant 4 : i32
        %add3A_592 = arith.addi %min3A_534, %add3A_591 : i32
        %get3A_593 = arith.index_cast %add3A_592 : i32 to index
        %get3A_594 = arith.constant 0 : index
        %get3A_595 = tpu.vector_load %arg11[%get3A_593, %get3A_594] {strides = array<i32>} : memref<512x16xf32, #tpu.memory_space<vmem>>, vector<1x16xf32>,
        %get3A_596 = vector.shape_cast %get3A_595 : vector<1x16xf32> to vector<16xf32>
        %mul3A_597 = arith.mulf %get3A_590, %get3A_596 : vector<16xf32>
        %add3A_598 = arith.addf %add3A_584, %mul3A_597 : vector<16xf32>
        %add3A_599 = arith.constant 5 : i32
        %add3A_600 = arith.addi %min3A_534, %add3A_599 : i32
        %get3A_601 = arith.index_cast %add3A_600 : i32 to index
        %get3A_602 = arith.constant 0 : index
        %get3A_603 = tpu.vector_load %arg10[%get3A_601, %get3A_602] {strides = array<i32>} : memref<512x16xf32, #tpu.memory_space<vmem>>, vector<1x16xf32>,
        %get3A_604 = vector.shape_cast %get3A_603 : vector<1x16xf32> to vector<16xf32>
        %add3A_605 = arith.constant 5 : i32
        %add3A_606 = arith.addi %min3A_534, %add3A_605 : i32
        %get3A_607 = arith.index_cast %add3A_606 : i32 to index
        %get3A_608 = arith.constant 0 : index
        %get3A_609 = tpu.vector_load %arg11[%get3A_607, %get3A_608] {strides = array<i32>} : memref<512x16xf32, #tpu.memory_space<vmem>>, vector<1x16xf32>,
        %get3A_610 = vector.shape_cast %get3A_609 : vector<1x16xf32> to vector<16xf32>
        %mul3A_611 = arith.mulf %get3A_604, %get3A_610 : vector<16xf32>
        %add3A_612 = arith.addf %add3A_598, %mul3A_611 : vector<16xf32>
        %add3A_613 = arith.constant 6 : i32
        %add3A_614 = arith.addi %min3A_534, %add3A_613 : i32
        %get3A_615 = arith.index_cast %add3A_614 : i32 to index
        %get3A_616 = arith.constant 0 : index
        %get3A_617 = tpu.vector_load %arg10[%get3A_615, %get3A_616] {strides = array<i32>} : memref<512x16xf32, #tpu.memory_space<vmem>>, vector<1x16xf32>,
        %get3A_618 = vector.shape_cast %get3A_617 : vector<1x16xf32> to vector<16xf32>
        %add3A_619 = arith.constant 6 : i32
        %add3A_620 = arith.addi %min3A_534, %add3A_619 : i32
        %get3A_621 = arith.index_cast %add3A_620 : i32 to index
        %get3A_622 = arith.constant 0 : index
        %get3A_623 = tpu.vector_load %arg11[%get3A_621, %get3A_622] {strides = array<i32>} : memref<512x16xf32, #tpu.memory_space<vmem>>, vector<1x16xf32>,
        %get3A_624 = vector.shape_cast %get3A_623 : vector<1x16xf32> to vector<16xf32>
        %mul3A_625 = arith.mulf %get3A_618, %get3A_624 : vector<16xf32>
        %add3A_626 = arith.addf %add3A_612, %mul3A_625 : vector<16xf32>
        %add3A_627 = arith.constant 7 : i32
        %add3A_628 = arith.addi %min3A_534, %add3A_627 : i32
        %get3A_629 = arith.index_cast %add3A_628 : i32 to index
        %get3A_630 = arith.constant 0 : index
        %get3A_631 = tpu.vector_load %arg10[%get3A_629, %get3A_630] {strides = array<i32>} : memref<512x16xf32, #tpu.memory_space<vmem>>, vector<1x16xf32>,
        %get3A_632 = vector.shape_cast %get3A_631 : vector<1x16xf32> to vector<16xf32>
        %add3A_633 = arith.constant 7 : i32
        %add3A_634 = arith.addi %min3A_534, %add3A_633 : i32
        %get3A_635 = arith.index_cast %add3A_634 : i32 to index
        %get3A_636 = arith.constant 0 : index
        %get3A_637 = tpu.vector_load %arg11[%get3A_635, %get3A_636] {strides = array<i32>} : memref<512x16xf32, #tpu.memory_space<vmem>>, vector<1x16xf32>,
        %get3A_638 = vector.shape_cast %get3A_637 : vector<1x16xf32> to vector<16xf32>
        %mul3A_639 = arith.mulf %get3A_632, %get3A_638 : vector<16xf32>
        %add3A_640 = arith.addf %add3A_626, %mul3A_639 : vector<16xf32>
        %add3A_641 = arith.constant 8 : i32
        %add3A_642 = arith.addi %min3A_534, %add3A_641 : i32
        %get3A_643 = arith.index_cast %add3A_642 : i32 to index
        %get3A_644 = arith.constant 0 : index
        %get3A_645 = tpu.vector_load %arg10[%get3A_643, %get3A_644] {strides = array<i32>} : memref<512x16xf32, #tpu.memory_space<vmem>>, vector<1x16xf32>,
        %get3A_646 = vector.shape_cast %get3A_645 : vector<1x16xf32> to vector<16xf32>
        %add3A_647 = arith.constant 8 : i32
        %add3A_648 = arith.addi %min3A_534, %add3A_647 : i32
        %get3A_649 = arith.index_cast %add3A_648 : i32 to index
        %get3A_650 = arith.constant 0 : index
        %get3A_651 = tpu.vector_load %arg11[%get3A_649, %get3A_650] {strides = array<i32>} : memref<512x16xf32, #tpu.memory_space<vmem>>, vector<1x16xf32>,
        %get3A_652 = vector.shape_cast %get3A_651 : vector<1x16xf32> to vector<16xf32>
        %mul3A_653 = arith.mulf %get3A_646, %get3A_652 : vector<16xf32>
        %add3A_654 = arith.addf %add3A_640, %mul3A_653 : vector<16xf32>
        %add3A_655 = arith.constant 9 : i32
        %add3A_656 = arith.addi %min3A_534, %add3A_655 : i32
        %get3A_657 = arith.index_cast %add3A_656 : i32 to index
        %get3A_658 = arith.constant 0 : index
        %get3A_659 = tpu.vector_load %arg10[%get3A_657, %get3A_658] {strides = array<i32>} : memref<512x16xf32, #tpu.memory_space<vmem>>, vector<1x16xf32>,
        %get3A_660 = vector.shape_cast %get3A_659 : vector<1x16xf32> to vector<16xf32>
        %add3A_661 = arith.constant 9 : i32
        %add3A_662 = arith.addi %min3A_534, %add3A_661 : i32
        %get3A_663 = arith.index_cast %add3A_662 : i32 to index
        %get3A_664 = arith.constant 0 : index
        %get3A_665 = tpu.vector_load %arg11[%get3A_663, %get3A_664] {strides = array<i32>} : memref<512x16xf32, #tpu.memory_space<vmem>>, vector<1x16xf32>,
        %get3A_666 = vector.shape_cast %get3A_665 : vector<1x16xf32> to vector<16xf32>
        %mul3A_667 = arith.mulf %get3A_660, %get3A_666 : vector<16xf32>
        %add3A_668 = arith.addf %add3A_654, %mul3A_667 : vector<16xf32>
        %add3A_669 = arith.constant 10 : i32
        %add3A_670 = arith.addi %min3A_534, %add3A_669 : i32
        %get3A_671 = arith.index_cast %add3A_670 : i32 to index
        %get3A_672 = arith.constant 0 : index
        %get3A_673 = tpu.vector_load %arg10[%get3A_671, %get3A_672] {strides = array<i32>} : memref<512x16xf32, #tpu.memory_space<vmem>>, vector<1x16xf32>,
        %get3A_674 = vector.shape_cast %get3A_673 : vector<1x16xf32> to vector<16xf32>
        %add3A_675 = arith.constant 10 : i32
        %add3A_676 = arith.addi %min3A_534, %add3A_675 : i32
        %get3A_677 = arith.index_cast %add3A_676 : i32 to index
        %get3A_678 = arith.constant 0 : index
        %get3A_679 = tpu.vector_load %arg11[%get3A_677, %get3A_678] {strides = array<i32>} : memref<512x16xf32, #tpu.memory_space<vmem>>, vector<1x16xf32>,
        %get3A_680 = vector.shape_cast %get3A_679 : vector<1x16xf32> to vector<16xf32>
        %mul3A_681 = arith.mulf %get3A_674, %get3A_680 : vector<16xf32>
        %add3A_682 = arith.addf %add3A_668, %mul3A_681 : vector<16xf32>
        %add3A_683 = arith.constant 11 : i32
        %add3A_684 = arith.addi %min3A_534, %add3A_683 : i32
        %get3A_685 = arith.index_cast %add3A_684 : i32 to index
        %get3A_686 = arith.constant 0 : index
        %get3A_687 = tpu.vector_load %arg10[%get3A_685, %get3A_686] {strides = array<i32>} : memref<512x16xf32, #tpu.memory_space<vmem>>, vector<1x16xf32>,
        %get3A_688 = vector.shape_cast %get3A_687 : vector<1x16xf32> to vector<16xf32>
        %add3A_689 = arith.constant 11 : i32
        %add3A_690 = arith.addi %min3A_534, %add3A_689 : i32
        %get3A_691 = arith.index_cast %add3A_690 : i32 to index
        %get3A_692 = arith.constant 0 : index
        %get3A_693 = tpu.vector_load %arg11[%get3A_691, %get3A_692] {strides = array<i32>} : memref<512x16xf32, #tpu.memory_space<vmem>>, vector<1x16xf32>,
        %get3A_694 = vector.shape_cast %get3A_693 : vector<1x16xf32> to vector<16xf32>
        %mul3A_695 = arith.mulf %get3A_688, %get3A_694 : vector<16xf32>
        %add3A_696 = arith.addf %add3A_682, %mul3A_695 : vector<16xf32>
        %add3A_697 = arith.constant 12 : i32
        %add3A_698 = arith.addi %min3A_534, %add3A_697 : i32
        %get3A_699 = arith.index_cast %add3A_698 : i32 to index
        %get3A_700 = arith.constant 0 : index
        %get3A_701 = tpu.vector_load %arg10[%get3A_699, %get3A_700] {strides = array<i32>} : memref<512x16xf32, #tpu.memory_space<vmem>>, vector<1x16xf32>,
        %get3A_702 = vector.shape_cast %get3A_701 : vector<1x16xf32> to vector<16xf32>
        %add3A_703 = arith.constant 12 : i32
        %add3A_704 = arith.addi %min3A_534, %add3A_703 : i32
        %get3A_705 = arith.index_cast %add3A_704 : i32 to index
        %get3A_706 = arith.constant 0 : index
        %get3A_707 = tpu.vector_load %arg11[%get3A_705, %get3A_706] {strides = array<i32>} : memref<512x16xf32, #tpu.memory_space<vmem>>, vector<1x16xf32>,
        %get3A_708 = vector.shape_cast %get3A_707 : vector<1x16xf32> to vector<16xf32>
        %mul3A_709 = arith.mulf %get3A_702, %get3A_708 : vector<16xf32>
        %add3A_710 = arith.addf %add3A_696, %mul3A_709 : vector<16xf32>
        %add3A_711 = arith.constant 13 : i32
        %add3A_712 = arith.addi %min3A_534, %add3A_711 : i32
        %get3A_713 = arith.index_cast %add3A_712 : i32 to index
        %get3A_714 = arith.constant 0 : index
        %get3A_715 = tpu.vector_load %arg10[%get3A_713, %get3A_714] {strides = array<i32>} : memref<512x16xf32, #tpu.memory_space<vmem>>, vector<1x16xf32>,
        %get3A_716 = vector.shape_cast %get3A_715 : vector<1x16xf32> to vector<16xf32>
        %add3A_717 = arith.constant 13 : i32
        %add3A_718 = arith.addi %min3A_534, %add3A_717 : i32
        %get3A_719 = arith.index_cast %add3A_718 : i32 to index
        %get3A_720 = arith.constant 0 : index
        %get3A_721 = tpu.vector_load %arg11[%get3A_719, %get3A_720] {strides = array<i32>} : memref<512x16xf32, #tpu.memory_space<vmem>>, vector<1x16xf32>,
        %get3A_722 = vector.shape_cast %get3A_721 : vector<1x16xf32> to vector<16xf32>
        %mul3A_723 = arith.mulf %get3A_716, %get3A_722 : vector<16xf32>
        %add3A_724 = arith.addf %add3A_710, %mul3A_723 : vector<16xf32>
        %add3A_725 = arith.constant 14 : i32
        %add3A_726 = arith.addi %min3A_534, %add3A_725 : i32
        %get3A_727 = arith.index_cast %add3A_726 : i32 to index
        %get3A_728 = arith.constant 0 : index
        %get3A_729 = tpu.vector_load %arg10[%get3A_727, %get3A_728] {strides = array<i32>} : memref<512x16xf32, #tpu.memory_space<vmem>>, vector<1x16xf32>,
        %get3A_730 = vector.shape_cast %get3A_729 : vector<1x16xf32> to vector<16xf32>
        %add3A_731 = arith.constant 14 : i32
        %add3A_732 = arith.addi %min3A_534, %add3A_731 : i32
        %get3A_733 = arith.index_cast %add3A_732 : i32 to index
        %get3A_734 = arith.constant 0 : index
        %get3A_735 = tpu.vector_load %arg11[%get3A_733, %get3A_734] {strides = array<i32>} : memref<512x16xf32, #tpu.memory_space<vmem>>, vector<1x16xf32>,
        %get3A_736 = vector.shape_cast %get3A_735 : vector<1x16xf32> to vector<16xf32>
        %mul3A_737 = arith.mulf %get3A_730, %get3A_736 : vector<16xf32>
        %add3A_738 = arith.addf %add3A_724, %mul3A_737 : vector<16xf32>
        %add3A_739 = arith.constant 15 : i32
        %add3A_740 = arith.addi %min3A_534, %add3A_739 : i32
        %get3A_741 = arith.index_cast %add3A_740 : i32 to index
        %get3A_742 = arith.constant 0 : index
        %get3A_743 = tpu.vector_load %arg10[%get3A_741, %get3A_742] {strides = array<i32>} : memref<512x16xf32, #tpu.memory_space<vmem>>, vector<1x16xf32>,
        %get3A_744 = vector.shape_cast %get3A_743 : vector<1x16xf32> to vector<16xf32>
        %add3A_745 = arith.constant 15 : i32
        %add3A_746 = arith.addi %min3A_534, %add3A_745 : i32
        %get3A_747 = arith.index_cast %add3A_746 : i32 to index
        %get3A_748 = arith.constant 0 : index
        %get3A_749 = tpu.vector_load %arg11[%get3A_747, %get3A_748] {strides = array<i32>} : memref<512x16xf32, #tpu.memory_space<vmem>>, vector<1x16xf32>,
        %get3A_750 = vector.shape_cast %get3A_749 : vector<1x16xf32> to vector<16xf32>
        %mul3A_751 = arith.mulf %get3A_744, %get3A_750 : vector<16xf32>
        %add3A_752 = arith.addf %add3A_738, %mul3A_751 : vector<16xf32>
        %add3A_753 = arith.constant 16 : i32
        %add3A_754 = arith.addi %min3A_534, %add3A_753 : i32
        %get3A_755 = arith.index_cast %add3A_754 : i32 to index
        %get3A_756 = arith.constant 0 : index
        %get3A_757 = tpu.vector_load %arg10[%get3A_755, %get3A_756] {strides = array<i32>} : memref<512x16xf32, #tpu.memory_space<vmem>>, vector<1x16xf32>,
        %get3A_758 = vector.shape_cast %get3A_757 : vector<1x16xf32> to vector<16xf32>
        %add3A_759 = arith.constant 16 : i32
        %add3A_760 = arith.addi %min3A_534, %add3A_759 : i32
        %get3A_761 = arith.index_cast %add3A_760 : i32 to index
        %get3A_762 = arith.constant 0 : index
        %get3A_763 = tpu.vector_load %arg11[%get3A_761, %get3A_762] {strides = array<i32>} : memref<512x16xf32, #tpu.memory_space<vmem>>, vector<1x16xf32>,
        %get3A_764 = vector.shape_cast %get3A_763 : vector<1x16xf32> to vector<16xf32>
        %mul3A_765 = arith.mulf %get3A_758, %get3A_764 : vector<16xf32>
        %add3A_766 = arith.addf %add3A_752, %mul3A_765 : vector<16xf32>
        %add3A_767 = arith.constant 17 : i32
        %add3A_768 = arith.addi %min3A_534, %add3A_767 : i32
        %get3A_769 = arith.index_cast %add3A_768 : i32 to index
        %get3A_770 = arith.constant 0 : index
        %get3A_771 = tpu.vector_load %arg10[%get3A_769, %get3A_770] {strides = array<i32>} : memref<512x16xf32, #tpu.memory_space<vmem>>, vector<1x16xf32>,
        %get3A_772 = vector.shape_cast %get3A_771 : vector<1x16xf32> to vector<16xf32>
        %add3A_773 = arith.constant 17 : i32
        %add3A_774 = arith.addi %min3A_534, %add3A_773 : i32
        %get3A_775 = arith.index_cast %add3A_774 : i32 to index
        %get3A_776 = arith.constant 0 : index
        %get3A_777 = tpu.vector_load %arg11[%get3A_775, %get3A_776] {strides = array<i32>} : memref<512x16xf32, #tpu.memory_space<vmem>>, vector<1x16xf32>,
        %get3A_778 = vector.shape_cast %get3A_777 : vector<1x16xf32> to vector<16xf32>
        %mul3A_779 = arith.mulf %get3A_772, %get3A_778 : vector<16xf32>
        %add3A_780 = arith.addf %add3A_766, %mul3A_779 : vector<16xf32>
        %add3A_781 = arith.constant 18 : i32
        %add3A_782 = arith.addi %min3A_534, %add3A_781 : i32
        %get3A_783 = arith.index_cast %add3A_782 : i32 to index
        %get3A_784 = arith.constant 0 : index
        %get3A_785 = tpu.vector_load %arg10[%get3A_783, %get3A_784] {strides = array<i32>} : memref<512x16xf32, #tpu.memory_space<vmem>>, vector<1x16xf32>,
        %get3A_786 = vector.shape_cast %get3A_785 : vector<1x16xf32> to vector<16xf32>
        %add3A_787 = arith.constant 18 : i32
        %add3A_788 = arith.addi %min3A_534, %add3A_787 : i32
        %get3A_789 = arith.index_cast %add3A_788 : i32 to index
        %get3A_790 = arith.constant 0 : index
        %get3A_791 = tpu.vector_load %arg11[%get3A_789, %get3A_790] {strides = array<i32>} : memref<512x16xf32, #tpu.memory_space<vmem>>, vector<1x16xf32>,
        %get3A_792 = vector.shape_cast %get3A_791 : vector<1x16xf32> to vector<16xf32>
        %mul3A_793 = arith.mulf %get3A_786, %get3A_792 : vector<16xf32>
        %add3A_794 = arith.addf %add3A_780, %mul3A_793 : vector<16xf32>
        %add3A_795 = arith.constant 19 : i32
        %add3A_796 = arith.addi %min3A_534, %add3A_795 : i32
        %get3A_797 = arith.index_cast %add3A_796 : i32 to index
        %get3A_798 = arith.constant 0 : index
        %get3A_799 = tpu.vector_load %arg10[%get3A_797, %get3A_798] {strides = array<i32>} : memref<512x16xf32, #tpu.memory_space<vmem>>, vector<1x16xf32>,
        %get3A_800 = vector.shape_cast %get3A_799 : vector<1x16xf32> to vector<16xf32>
        %add3A_801 = arith.constant 19 : i32
        %add3A_802 = arith.addi %min3A_534, %add3A_801 : i32
        %get3A_803 = arith.index_cast %add3A_802 : i32 to index
        %get3A_804 = arith.constant 0 : index
        %get3A_805 = tpu.vector_load %arg11[%get3A_803, %get3A_804] {strides = array<i32>} : memref<512x16xf32, #tpu.memory_space<vmem>>, vector<1x16xf32>,
        %get3A_806 = vector.shape_cast %get3A_805 : vector<1x16xf32> to vector<16xf32>
        %mul3A_807 = arith.mulf %get3A_800, %get3A_806 : vector<16xf32>
        %add3A_808 = arith.addf %add3A_794, %mul3A_807 : vector<16xf32>
        %add3A_809 = arith.constant 20 : i32
        %add3A_810 = arith.addi %min3A_534, %add3A_809 : i32
        %get3A_811 = arith.index_cast %add3A_810 : i32 to index
        %get3A_812 = arith.constant 0 : index
        %get3A_813 = tpu.vector_load %arg10[%get3A_811, %get3A_812] {strides = array<i32>} : memref<512x16xf32, #tpu.memory_space<vmem>>, vector<1x16xf32>,
        %get3A_814 = vector.shape_cast %get3A_813 : vector<1x16xf32> to vector<16xf32>
        %add3A_815 = arith.constant 20 : i32
        %add3A_816 = arith.addi %min3A_534, %add3A_815 : i32
        %get3A_817 = arith.index_cast %add3A_816 : i32 to index
        %get3A_818 = arith.constant 0 : index
        %get3A_819 = tpu.vector_load %arg11[%get3A_817, %get3A_818] {strides = array<i32>} : memref<512x16xf32, #tpu.memory_space<vmem>>, vector<1x16xf32>,
        %get3A_820 = vector.shape_cast %get3A_819 : vector<1x16xf32> to vector<16xf32>
        %mul3A_821 = arith.mulf %get3A_814, %get3A_820 : vector<16xf32>
        %add3A_822 = arith.addf %add3A_808, %mul3A_821 : vector<16xf32>
        %add3A_823 = arith.constant 21 : i32
        %add3A_824 = arith.addi %min3A_534, %add3A_823 : i32
        %get3A_825 = arith.index_cast %add3A_824 : i32 to index
        %get3A_826 = arith.constant 0 : index
        %get3A_827 = tpu.vector_load %arg10[%get3A_825, %get3A_826] {strides = array<i32>} : memref<512x16xf32, #tpu.memory_space<vmem>>, vector<1x16xf32>,
        %get3A_828 = vector.shape_cast %get3A_827 : vector<1x16xf32> to vector<16xf32>
        %add3A_829 = arith.constant 21 : i32
        %add3A_830 = arith.addi %min3A_534, %add3A_829 : i32
        %get3A_831 = arith.index_cast %add3A_830 : i32 to index
        %get3A_832 = arith.constant 0 : index
        %get3A_833 = tpu.vector_load %arg11[%get3A_831, %get3A_832] {strides = array<i32>} : memref<512x16xf32, #tpu.memory_space<vmem>>, vector<1x16xf32>,
        %get3A_834 = vector.shape_cast %get3A_833 : vector<1x16xf32> to vector<16xf32>
        %mul3A_835 = arith.mulf %get3A_828, %get3A_834 : vector<16xf32>
        %add3A_836 = arith.addf %add3A_822, %mul3A_835 : vector<16xf32>
        %add3A_837 = arith.constant 22 : i32
        %add3A_838 = arith.addi %min3A_534, %add3A_837 : i32
        %get3A_839 = arith.index_cast %add3A_838 : i32 to index
        %get3A_840 = arith.constant 0 : index
        %get3A_841 = tpu.vector_load %arg10[%get3A_839, %get3A_840] {strides = array<i32>} : memref<512x16xf32, #tpu.memory_space<vmem>>, vector<1x16xf32>,
        %get3A_842 = vector.shape_cast %get3A_841 : vector<1x16xf32> to vector<16xf32>
        %add3A_843 = arith.constant 22 : i32
        %add3A_844 = arith.addi %min3A_534, %add3A_843 : i32
        %get3A_845 = arith.index_cast %add3A_844 : i32 to index
        %get3A_846 = arith.constant 0 : index
        %get3A_847 = tpu.vector_load %arg11[%get3A_845, %get3A_846] {strides = array<i32>} : memref<512x16xf32, #tpu.memory_space<vmem>>, vector<1x16xf32>,
        %get3A_848 = vector.shape_cast %get3A_847 : vector<1x16xf32> to vector<16xf32>
        %mul3A_849 = arith.mulf %get3A_842, %get3A_848 : vector<16xf32>
        %add3A_850 = arith.addf %add3A_836, %mul3A_849 : vector<16xf32>
        %add3A_851 = arith.constant 23 : i32
        %add3A_852 = arith.addi %min3A_534, %add3A_851 : i32
        %get3A_853 = arith.index_cast %add3A_852 : i32 to index
        %get3A_854 = arith.constant 0 : index
        %get3A_855 = tpu.vector_load %arg10[%get3A_853, %get3A_854] {strides = array<i32>} : memref<512x16xf32, #tpu.memory_space<vmem>>, vector<1x16xf32>,
        %get3A_856 = vector.shape_cast %get3A_855 : vector<1x16xf32> to vector<16xf32>
        %add3A_857 = arith.constant 23 : i32
        %add3A_858 = arith.addi %min3A_534, %add3A_857 : i32
        %get3A_859 = arith.index_cast %add3A_858 : i32 to index
        %get3A_860 = arith.constant 0 : index
        %get3A_861 = tpu.vector_load %arg11[%get3A_859, %get3A_860] {strides = array<i32>} : memref<512x16xf32, #tpu.memory_space<vmem>>, vector<1x16xf32>,
        %get3A_862 = vector.shape_cast %get3A_861 : vector<1x16xf32> to vector<16xf32>
        %mul3A_863 = arith.mulf %get3A_856, %get3A_862 : vector<16xf32>
        %add3A_864 = arith.addf %add3A_850, %mul3A_863 : vector<16xf32>
        %add3A_865 = arith.constant 24 : i32
        %add3A_866 = arith.addi %min3A_534, %add3A_865 : i32
        %get3A_867 = arith.index_cast %add3A_866 : i32 to index
        %get3A_868 = arith.constant 0 : index
        %get3A_869 = tpu.vector_load %arg10[%get3A_867, %get3A_868] {strides = array<i32>} : memref<512x16xf32, #tpu.memory_space<vmem>>, vector<1x16xf32>,
        %get3A_870 = vector.shape_cast %get3A_869 : vector<1x16xf32> to vector<16xf32>
        %add3A_871 = arith.constant 24 : i32
        %add3A_872 = arith.addi %min3A_534, %add3A_871 : i32
        %get3A_873 = arith.index_cast %add3A_872 : i32 to index
        %get3A_874 = arith.constant 0 : index
        %get3A_875 = tpu.vector_load %arg11[%get3A_873, %get3A_874] {strides = array<i32>} : memref<512x16xf32, #tpu.memory_space<vmem>>, vector<1x16xf32>,
        %get3A_876 = vector.shape_cast %get3A_875 : vector<1x16xf32> to vector<16xf32>
        %mul3A_877 = arith.mulf %get3A_870, %get3A_876 : vector<16xf32>
        %add3A_878 = arith.addf %add3A_864, %mul3A_877 : vector<16xf32>
        %add3A_879 = arith.constant 25 : i32
        %add3A_880 = arith.addi %min3A_534, %add3A_879 : i32
        %get3A_881 = arith.index_cast %add3A_880 : i32 to index
        %get3A_882 = arith.constant 0 : index
        %get3A_883 = tpu.vector_load %arg10[%get3A_881, %get3A_882] {strides = array<i32>} : memref<512x16xf32, #tpu.memory_space<vmem>>, vector<1x16xf32>,
        %get3A_884 = vector.shape_cast %get3A_883 : vector<1x16xf32> to vector<16xf32>
        %add3A_885 = arith.constant 25 : i32
        %add3A_886 = arith.addi %min3A_534, %add3A_885 : i32
        %get3A_887 = arith.index_cast %add3A_886 : i32 to index
        %get3A_888 = arith.constant 0 : index
        %get3A_889 = tpu.vector_load %arg11[%get3A_887, %get3A_888] {strides = array<i32>} : memref<512x16xf32, #tpu.memory_space<vmem>>, vector<1x16xf32>,
        %get3A_890 = vector.shape_cast %get3A_889 : vector<1x16xf32> to vector<16xf32>
        %mul3A_891 = arith.mulf %get3A_884, %get3A_890 : vector<16xf32>
        %add3A_892 = arith.addf %add3A_878, %mul3A_891 : vector<16xf32>
        %add3A_893 = arith.constant 26 : i32
        %add3A_894 = arith.addi %min3A_534, %add3A_893 : i32
        %get3A_895 = arith.index_cast %add3A_894 : i32 to index
        %get3A_896 = arith.constant 0 : index
        %get3A_897 = tpu.vector_load %arg10[%get3A_895, %get3A_896] {strides = array<i32>} : memref<512x16xf32, #tpu.memory_space<vmem>>, vector<1x16xf32>,
        %get3A_898 = vector.shape_cast %get3A_897 : vector<1x16xf32> to vector<16xf32>
        %add3A_899 = arith.constant 26 : i32
        %add3A_900 = arith.addi %min3A_534, %add3A_899 : i32
        %get3A_901 = arith.index_cast %add3A_900 : i32 to index
        %get3A_902 = arith.constant 0 : index
        %get3A_903 = tpu.vector_load %arg11[%get3A_901, %get3A_902] {strides = array<i32>} : memref<512x16xf32, #tpu.memory_space<vmem>>, vector<1x16xf32>,
        %get3A_904 = vector.shape_cast %get3A_903 : vector<1x16xf32> to vector<16xf32>
        %mul3A_905 = arith.mulf %get3A_898, %get3A_904 : vector<16xf32>
        %add3A_906 = arith.addf %add3A_892, %mul3A_905 : vector<16xf32>
        %add3A_907 = arith.constant 27 : i32
        %add3A_908 = arith.addi %min3A_534, %add3A_907 : i32
        %get3A_909 = arith.index_cast %add3A_908 : i32 to index
        %get3A_910 = arith.constant 0 : index
        %get3A_911 = tpu.vector_load %arg10[%get3A_909, %get3A_910] {strides = array<i32>} : memref<512x16xf32, #tpu.memory_space<vmem>>, vector<1x16xf32>,
        %get3A_912 = vector.shape_cast %get3A_911 : vector<1x16xf32> to vector<16xf32>
        %add3A_913 = arith.constant 27 : i32
        %add3A_914 = arith.addi %min3A_534, %add3A_913 : i32
        %get3A_915 = arith.index_cast %add3A_914 : i32 to index
        %get3A_916 = arith.constant 0 : index
        %get3A_917 = tpu.vector_load %arg11[%get3A_915, %get3A_916] {strides = array<i32>} : memref<512x16xf32, #tpu.memory_space<vmem>>, vector<1x16xf32>,
        %get3A_918 = vector.shape_cast %get3A_917 : vector<1x16xf32> to vector<16xf32>
        %mul3A_919 = arith.mulf %get3A_912, %get3A_918 : vector<16xf32>
        %add3A_920 = arith.addf %add3A_906, %mul3A_919 : vector<16xf32>
        %add3A_921 = arith.constant 28 : i32
        %add3A_922 = arith.addi %min3A_534, %add3A_921 : i32
        %get3A_923 = arith.index_cast %add3A_922 : i32 to index
        %get3A_924 = arith.constant 0 : index
        %get3A_925 = tpu.vector_load %arg10[%get3A_923, %get3A_924] {strides = array<i32>} : memref<512x16xf32, #tpu.memory_space<vmem>>, vector<1x16xf32>,
        %get3A_926 = vector.shape_cast %get3A_925 : vector<1x16xf32> to vector<16xf32>
        %add3A_927 = arith.constant 28 : i32
        %add3A_928 = arith.addi %min3A_534, %add3A_927 : i32
        %get3A_929 = arith.index_cast %add3A_928 : i32 to index
        %get3A_930 = arith.constant 0 : index
        %get3A_931 = tpu.vector_load %arg11[%get3A_929, %get3A_930] {strides = array<i32>} : memref<512x16xf32, #tpu.memory_space<vmem>>, vector<1x16xf32>,
        %get3A_932 = vector.shape_cast %get3A_931 : vector<1x16xf32> to vector<16xf32>
        %mul3A_933 = arith.mulf %get3A_926, %get3A_932 : vector<16xf32>
        %add3A_934 = arith.addf %add3A_920, %mul3A_933 : vector<16xf32>
        %add3A_935 = arith.constant 29 : i32
        %add3A_936 = arith.addi %min3A_534, %add3A_935 : i32
        %get3A_937 = arith.index_cast %add3A_936 : i32 to index
        %get3A_938 = arith.constant 0 : index
        %get3A_939 = tpu.vector_load %arg10[%get3A_937, %get3A_938] {strides = array<i32>} : memref<512x16xf32, #tpu.memory_space<vmem>>, vector<1x16xf32>,
        %get3A_940 = vector.shape_cast %get3A_939 : vector<1x16xf32> to vector<16xf32>
        %add3A_941 = arith.constant 29 : i32
        %add3A_942 = arith.addi %min3A_534, %add3A_941 : i32
        %get3A_943 = arith.index_cast %add3A_942 : i32 to index
        %get3A_944 = arith.constant 0 : index
        %get3A_945 = tpu.vector_load %arg11[%get3A_943, %get3A_944] {strides = array<i32>} : memref<512x16xf32, #tpu.memory_space<vmem>>, vector<1x16xf32>,
        %get3A_946 = vector.shape_cast %get3A_945 : vector<1x16xf32> to vector<16xf32>
        %mul3A_947 = arith.mulf %get3A_940, %get3A_946 : vector<16xf32>
        %add3A_948 = arith.addf %add3A_934, %mul3A_947 : vector<16xf32>
        %add3A_949 = arith.constant 30 : i32
        %add3A_950 = arith.addi %min3A_534, %add3A_949 : i32
        %get3A_951 = arith.index_cast %add3A_950 : i32 to index
        %get3A_952 = arith.constant 0 : index
        %get3A_953 = tpu.vector_load %arg10[%get3A_951, %get3A_952] {strides = array<i32>} : memref<512x16xf32, #tpu.memory_space<vmem>>, vector<1x16xf32>,
        %get3A_954 = vector.shape_cast %get3A_953 : vector<1x16xf32> to vector<16xf32>
        %add3A_955 = arith.constant 30 : i32
        %add3A_956 = arith.addi %min3A_534, %add3A_955 : i32
        %get3A_957 = arith.index_cast %add3A_956 : i32 to index
        %get3A_958 = arith.constant 0 : index
        %get3A_959 = tpu.vector_load %arg11[%get3A_957, %get3A_958] {strides = array<i32>} : memref<512x16xf32, #tpu.memory_space<vmem>>, vector<1x16xf32>,
        %get3A_960 = vector.shape_cast %get3A_959 : vector<1x16xf32> to vector<16xf32>
        %mul3A_961 = arith.mulf %get3A_954, %get3A_960 : vector<16xf32>
        %add3A_962 = arith.addf %add3A_948, %mul3A_961 : vector<16xf32>
        %add3A_963 = arith.constant 31 : i32
        %add3A_964 = arith.addi %min3A_534, %add3A_963 : i32
        %get3A_965 = arith.index_cast %add3A_964 : i32 to index
        %get3A_966 = arith.constant 0 : index
        %get3A_967 = tpu.vector_load %arg10[%get3A_965, %get3A_966] {strides = array<i32>} : memref<512x16xf32, #tpu.memory_space<vmem>>, vector<1x16xf32>,
        %get3A_968 = vector.shape_cast %get3A_967 : vector<1x16xf32> to vector<16xf32>
        %add3A_969 = arith.constant 31 : i32
        %add3A_970 = arith.addi %min3A_534, %add3A_969 : i32
        %get3A_971 = arith.index_cast %add3A_970 : i32 to index
        %get3A_972 = arith.constant 0 : index
        %get3A_973 = tpu.vector_load %arg11[%get3A_971, %get3A_972] {strides = array<i32>} : memref<512x16xf32, #tpu.memory_space<vmem>>, vector<1x16xf32>,
        %get3A_974 = vector.shape_cast %get3A_973 : vector<1x16xf32> to vector<16xf32>
        %mul3A_975 = arith.mulf %get3A_968, %get3A_974 : vector<16xf32>
        %add3A_976 = arith.addf %add3A_962, %mul3A_975 : vector<16xf32>
        %swap3A = arith.index_cast %scan3A_529 : i32 to index
        %swap3A_977 = arith.constant 0 : index
        %swap3A_978 = tpu.vector_load %arg14[%swap3A, %swap3A_977] {strides = array<i32>} : memref<16x16xf32, #tpu.memory_space<vmem>>, vector<1x16xf32>,
        %swap3A_979 = vector.shape_cast %swap3A_978 : vector<1x16xf32> to vector<16xf32>
        %swap3A_980 = vector.shape_cast %add3A_976 : vector<16xf32> to vector<1x16xf32>
        tpu.vector_store %arg14[%swap3A, %swap3A_977], %swap3A_980 {strides = array<i32>} : memref<16x16xf32, #tpu.memory_space<vmem>>, vector<1x16xf32>,
      }
      %scan3A_399 = arith.constant 16 : i32
      %gt3A = arith.constant 0 : i32
      %gt3A_400 = arith.cmpi sgt, %scan3A_201, %gt3A : i32
      %convert_element_type3A_401 = arith.extui %gt3A_400 : i1 to i32
      %cond3A_402 = arith.constant 0 : i32
      %cond3A_403 = arith.cmpi ne, %convert_element_type3A_401, %cond3A_402 : i32
      scf.if %cond3A_403 {
        %dma_wait3A_529 = arith.constant 0 : i32
        %dma_wait3A_530 = arith.constant 0 : i32
        %dma_wait3A_531 = tpu.memref_slice %arg5[%dma_wait3A_529, %dma_wait3A_530] : memref<10240x16xf32, #tpu.memory_space<hbm>> -> memref<16x16xf32, #tpu.memory_space<hbm>>
        %dma_wait3A_532 = arith.constant 0 : i32
        %dma_wait3A_533 = arith.constant 0 : i32
        %dma_wait3A_534 = tpu.memref_slice %arg5[%dma_wait3A_532, %dma_wait3A_533] : memref<10240x16xf32, #tpu.memory_space<hbm>> -> memref<16x16xf32, #tpu.memory_space<hbm>>
        tpu.wait_dma2 semaphore(%arg22 : memref<!tpu.dma_semaphore, #tpu.memory_space<semaphore_mem>>) src(%arg14 : memref<16x16xf32, #tpu.memory_space<vmem>>) dst(%dma_wait3A_534 : memref<16x16xf32, #tpu.memory_space<hbm>>)
      } else {
      }
      %mul3A_404 = arith.constant 16 : i32
      %mul3A_405 = arith.muli %mul3A_203, %mul3A_404 : i32
      %add3A_406 = arith.addi %mul3A_4, %mul3A_405 : i32
      %dma_start3A_407 = arith.constant 0 : i32
      %dma_start3A_408 = tpu.memref_slice %arg5[%add3A_406, %dma_start3A_407] : memref<10240x16xf32, #tpu.memory_space<hbm>> -> memref<16x16xf32, #tpu.memory_space<hbm>>
      %dma_start3A_409 = arith.constant 0 : i32
      %dma_start3A_410 = tpu.memref_slice %arg5[%add3A_406, %dma_start3A_409] : memref<10240x16xf32, #tpu.memory_space<hbm>> -> memref<16x16xf32, #tpu.memory_space<hbm>>
      tpu.enqueue_dma source(%arg14 : memref<16x16xf32, #tpu.memory_space<vmem>>) target(%dma_start3A_410 : memref<16x16xf32, #tpu.memory_space<hbm>>) target_semaphore(%arg22 : memref<!tpu.dma_semaphore, #tpu.memory_space<semaphore_mem>>)
      %add3A_411 = arith.constant 2 : i32
      %add3A_412 = arith.addi %mul3A_203, %add3A_411 : i32
      %lt3A_413 = arith.constant 20 : i32
      %lt3A_414 = arith.cmpi slt, %add3A_412, %lt3A_413 : i32
      %convert_element_type3A_415 = arith.extui %lt3A_414 : i1 to i32
      %cond3A_416 = arith.constant 0 : i32
      %cond3A_417 = arith.cmpi ne, %convert_element_type3A_415, %cond3A_416 : i32
      scf.if %cond3A_417 {
        %dma_wait3A_529 = arith.constant 1 : i32
        %dma_wait3A_530 = arith.constant 0 : i32
        %dma_wait3A_531 = arith.constant 0 : i32
        %dma_wait3A_532 = tpu.memref_slice %arg2[%dma_wait3A_530, %dma_wait3A_529, %dma_wait3A_531] : memref<2500x2x128xi32, #tpu.memory_space<hbm>> -> memref<4x1x128xi32, #tpu.memory_space<hbm>>
        %dma_wait3A_533 = tpu.memref_squeeze %dma_wait3A_532 : memref<4x1x128xi32, #tpu.memory_space<hbm>> -> memref<4x128xi32, #tpu.memory_space<hbm>>
        %dma_wait3A_534 = arith.constant 0 : i32
        %dma_wait3A_535 = arith.constant 0 : i32
        %dma_wait3A_536 = tpu.memref_slice %arg2[%dma_wait3A_534, %dma_wait3A_529, %dma_wait3A_535] : memref<2500x2x128xi32, #tpu.memory_space<hbm>> -> memref<4x1x128xi32, #tpu.memory_space<hbm>>
        %dma_wait3A_537 = tpu.memref_squeeze %dma_wait3A_536 : memref<4x1x128xi32, #tpu.memory_space<hbm>> -> memref<4x128xi32, #tpu.memory_space<hbm>>
        tpu.wait_dma2 semaphore(%arg18 : memref<!tpu.dma_semaphore, #tpu.memory_space<semaphore_mem>>) src(%dma_wait3A_537 : memref<4x128xi32, #tpu.memory_space<hbm>>) dst(%arg6 : memref<4x128xi32, #tpu.memory_space<vmem>>)
        %dma_wait3A_538 = arith.constant 0 : i32
        %dma_wait3A_539 = arith.constant 0 : i32
        %dma_wait3A_540 = arith.constant 0 : i32
        %dma_wait3A_541 = tpu.memref_slice %arg2[%dma_wait3A_539, %dma_wait3A_538, %dma_wait3A_540] : memref<2500x2x128xi32, #tpu.memory_space<hbm>> -> memref<4x1x128xi32, #tpu.memory_space<hbm>>
        %dma_wait3A_542 = tpu.memref_squeeze %dma_wait3A_541 : memref<4x1x128xi32, #tpu.memory_space<hbm>> -> memref<4x128xi32, #tpu.memory_space<hbm>>
        %dma_wait3A_543 = arith.constant 0 : i32
        %dma_wait3A_544 = arith.constant 0 : i32
        %dma_wait3A_545 = tpu.memref_slice %arg2[%dma_wait3A_543, %dma_wait3A_538, %dma_wait3A_544] : memref<2500x2x128xi32, #tpu.memory_space<hbm>> -> memref<4x1x128xi32, #tpu.memory_space<hbm>>
        %dma_wait3A_546 = tpu.memref_squeeze %dma_wait3A_545 : memref<4x1x128xi32, #tpu.memory_space<hbm>> -> memref<4x128xi32, #tpu.memory_space<hbm>>
        tpu.wait_dma2 semaphore(%arg18 : memref<!tpu.dma_semaphore, #tpu.memory_space<semaphore_mem>>) src(%dma_wait3A_546 : memref<4x128xi32, #tpu.memory_space<hbm>>) dst(%arg7 : memref<4x128xi32, #tpu.memory_space<vmem>>)
        %dma_start3A_547 = arith.constant 0 : i32
        %dma_start3A_548 = arith.constant 0 : i32
        %dma_start3A_549 = arith.constant 0 : i32
        %dma_start3A_550 = tpu.memref_slice %arg10[%dma_start3A_548, %dma_start3A_549] : memref<512x16xf32, #tpu.memory_space<vmem>> -> memref<128x16xf32, #tpu.memory_space<vmem>>
        %dma_start3A_551 = arith.constant 0 : i32
        %dma_start3A_552 = tpu.memref_slice %arg6[%dma_start3A_547, %dma_start3A_551] : memref<4x128xi32, #tpu.memory_space<vmem>> -> memref<1x128xi32, #tpu.memory_space<vmem>>
        %dma_start3A_553 = tpu.memref_squeeze %dma_start3A_552 : memref<1x128xi32, #tpu.memory_space<vmem>> -> memref<128xi32, #tpu.memory_space<vmem>>
        %dma_start3A_554 = arith.constant 0 : i32
        %dma_start3A_555 = arith.constant 0 : i32
        %dma_start3A_556 = tpu.memref_slice %arg16[%dma_start3A_554, %dma_start3A_555] : memref<10240x16xf32, #tpu.memory_space<vmem_shared>> -> memref<10240x16xf32, #tpu.memory_space<vmem_shared>>
        tpu.enqueue_indirect_dma source(%dma_start3A_556 : memref<10240x16xf32, #tpu.memory_space<vmem_shared>>) target(%dma_start3A_550 : memref<128x16xf32, #tpu.memory_space<vmem>>) offsets(%dma_start3A_553 : memref<128xi32, #tpu.memory_space<vmem>>) semaphore(%arg20 : memref<!tpu.dma_semaphore, #tpu.memory_space<semaphore_mem>>)
        %dma_start3A_557 = arith.constant 0 : i32
        %dma_start3A_558 = arith.constant 0 : i32
        %dma_start3A_559 = arith.constant 0 : i32
        %dma_start3A_560 = tpu.memref_slice %arg11[%dma_start3A_558, %dma_start3A_559] : memref<512x16xf32, #tpu.memory_space<vmem>> -> memref<128x16xf32, #tpu.memory_space<vmem>>
        %dma_start3A_561 = arith.constant 0 : i32
        %dma_start3A_562 = tpu.memref_slice %arg7[%dma_start3A_557, %dma_start3A_561] : memref<4x128xi32, #tpu.memory_space<vmem>> -> memref<1x128xi32, #tpu.memory_space<vmem>>
        %dma_start3A_563 = tpu.memref_squeeze %dma_start3A_562 : memref<1x128xi32, #tpu.memory_space<vmem>> -> memref<128xi32, #tpu.memory_space<vmem>>
        %dma_start3A_564 = arith.constant 0 : i32
        %dma_start3A_565 = arith.constant 0 : i32
        %dma_start3A_566 = tpu.memref_slice %arg17[%dma_start3A_564, %dma_start3A_565] : memref<10240x16xf32, #tpu.memory_space<vmem_shared>> -> memref<10240x16xf32, #tpu.memory_space<vmem_shared>>
        tpu.enqueue_indirect_dma source(%dma_start3A_566 : memref<10240x16xf32, #tpu.memory_space<vmem_shared>>) target(%dma_start3A_560 : memref<128x16xf32, #tpu.memory_space<vmem>>) offsets(%dma_start3A_563 : memref<128xi32, #tpu.memory_space<vmem>>) semaphore(%arg20 : memref<!tpu.dma_semaphore, #tpu.memory_space<semaphore_mem>>)
        %dma_start3A_567 = arith.constant 1 : i32
        %dma_start3A_568 = arith.constant 128 : i32
        %dma_start3A_569 = arith.constant 0 : i32
        %dma_start3A_570 = tpu.memref_slice %arg10[%dma_start3A_568, %dma_start3A_569] : memref<512x16xf32, #tpu.memory_space<vmem>> -> memref<128x16xf32, #tpu.memory_space<vmem>>
        %dma_start3A_571 = arith.constant 0 : i32
        %dma_start3A_572 = tpu.memref_slice %arg6[%dma_start3A_567, %dma_start3A_571] : memref<4x128xi32, #tpu.memory_space<vmem>> -> memref<1x128xi32, #tpu.memory_space<vmem>>
        %dma_start3A_573 = tpu.memref_squeeze %dma_start3A_572 : memref<1x128xi32, #tpu.memory_space<vmem>> -> memref<128xi32, #tpu.memory_space<vmem>>
        %dma_start3A_574 = arith.constant 0 : i32
        %dma_start3A_575 = arith.constant 0 : i32
        %dma_start3A_576 = tpu.memref_slice %arg16[%dma_start3A_574, %dma_start3A_575] : memref<10240x16xf32, #tpu.memory_space<vmem_shared>> -> memref<10240x16xf32, #tpu.memory_space<vmem_shared>>
        tpu.enqueue_indirect_dma source(%dma_start3A_576 : memref<10240x16xf32, #tpu.memory_space<vmem_shared>>) target(%dma_start3A_570 : memref<128x16xf32, #tpu.memory_space<vmem>>) offsets(%dma_start3A_573 : memref<128xi32, #tpu.memory_space<vmem>>) semaphore(%arg20 : memref<!tpu.dma_semaphore, #tpu.memory_space<semaphore_mem>>)
        %dma_start3A_577 = arith.constant 1 : i32
        %dma_start3A_578 = arith.constant 128 : i32
        %dma_start3A_579 = arith.constant 0 : i32
        %dma_start3A_580 = tpu.memref_slice %arg11[%dma_start3A_578, %dma_start3A_579] : memref<512x16xf32, #tpu.memory_space<vmem>> -> memref<128x16xf32, #tpu.memory_space<vmem>>
        %dma_start3A_581 = arith.constant 0 : i32
        %dma_start3A_582 = tpu.memref_slice %arg7[%dma_start3A_577, %dma_start3A_581] : memref<4x128xi32, #tpu.memory_space<vmem>> -> memref<1x128xi32, #tpu.memory_space<vmem>>
        %dma_start3A_583 = tpu.memref_squeeze %dma_start3A_582 : memref<1x128xi32, #tpu.memory_space<vmem>> -> memref<128xi32, #tpu.memory_space<vmem>>
        %dma_start3A_584 = arith.constant 0 : i32
        %dma_start3A_585 = arith.constant 0 : i32
        %dma_start3A_586 = tpu.memref_slice %arg17[%dma_start3A_584, %dma_start3A_585] : memref<10240x16xf32, #tpu.memory_space<vmem_shared>> -> memref<10240x16xf32, #tpu.memory_space<vmem_shared>>
        tpu.enqueue_indirect_dma source(%dma_start3A_586 : memref<10240x16xf32, #tpu.memory_space<vmem_shared>>) target(%dma_start3A_580 : memref<128x16xf32, #tpu.memory_space<vmem>>) offsets(%dma_start3A_583 : memref<128xi32, #tpu.memory_space<vmem>>) semaphore(%arg20 : memref<!tpu.dma_semaphore, #tpu.memory_space<semaphore_mem>>)
        %dma_start3A_587 = arith.constant 2 : i32
        %dma_start3A_588 = arith.constant 256 : i32
        %dma_start3A_589 = arith.constant 0 : i32
        %dma_start3A_590 = tpu.memref_slice %arg10[%dma_start3A_588, %dma_start3A_589] : memref<512x16xf32, #tpu.memory_space<vmem>> -> memref<128x16xf32, #tpu.memory_space<vmem>>
        %dma_start3A_591 = arith.constant 0 : i32
        %dma_start3A_592 = tpu.memref_slice %arg6[%dma_start3A_587, %dma_start3A_591] : memref<4x128xi32, #tpu.memory_space<vmem>> -> memref<1x128xi32, #tpu.memory_space<vmem>>
        %dma_start3A_593 = tpu.memref_squeeze %dma_start3A_592 : memref<1x128xi32, #tpu.memory_space<vmem>> -> memref<128xi32, #tpu.memory_space<vmem>>
        %dma_start3A_594 = arith.constant 0 : i32
        %dma_start3A_595 = arith.constant 0 : i32
        %dma_start3A_596 = tpu.memref_slice %arg16[%dma_start3A_594, %dma_start3A_595] : memref<10240x16xf32, #tpu.memory_space<vmem_shared>> -> memref<10240x16xf32, #tpu.memory_space<vmem_shared>>
        tpu.enqueue_indirect_dma source(%dma_start3A_596 : memref<10240x16xf32, #tpu.memory_space<vmem_shared>>) target(%dma_start3A_590 : memref<128x16xf32, #tpu.memory_space<vmem>>) offsets(%dma_start3A_593 : memref<128xi32, #tpu.memory_space<vmem>>) semaphore(%arg20 : memref<!tpu.dma_semaphore, #tpu.memory_space<semaphore_mem>>)
        %dma_start3A_597 = arith.constant 2 : i32
        %dma_start3A_598 = arith.constant 256 : i32
        %dma_start3A_599 = arith.constant 0 : i32
        %dma_start3A_600 = tpu.memref_slice %arg11[%dma_start3A_598, %dma_start3A_599] : memref<512x16xf32, #tpu.memory_space<vmem>> -> memref<128x16xf32, #tpu.memory_space<vmem>>
        %dma_start3A_601 = arith.constant 0 : i32
        %dma_start3A_602 = tpu.memref_slice %arg7[%dma_start3A_597, %dma_start3A_601] : memref<4x128xi32, #tpu.memory_space<vmem>> -> memref<1x128xi32, #tpu.memory_space<vmem>>
        %dma_start3A_603 = tpu.memref_squeeze %dma_start3A_602 : memref<1x128xi32, #tpu.memory_space<vmem>> -> memref<128xi32, #tpu.memory_space<vmem>>
        %dma_start3A_604 = arith.constant 0 : i32
        %dma_start3A_605 = arith.constant 0 : i32
        %dma_start3A_606 = tpu.memref_slice %arg17[%dma_start3A_604, %dma_start3A_605] : memref<10240x16xf32, #tpu.memory_space<vmem_shared>> -> memref<10240x16xf32, #tpu.memory_space<vmem_shared>>
        tpu.enqueue_indirect_dma source(%dma_start3A_606 : memref<10240x16xf32, #tpu.memory_space<vmem_shared>>) target(%dma_start3A_600 : memref<128x16xf32, #tpu.memory_space<vmem>>) offsets(%dma_start3A_603 : memref<128xi32, #tpu.memory_space<vmem>>) semaphore(%arg20 : memref<!tpu.dma_semaphore, #tpu.memory_space<semaphore_mem>>)
        %dma_start3A_607 = arith.constant 3 : i32
        %dma_start3A_608 = arith.constant 384 : i32
        %dma_start3A_609 = arith.constant 0 : i32
        %dma_start3A_610 = tpu.memref_slice %arg10[%dma_start3A_608, %dma_start3A_609] : memref<512x16xf32, #tpu.memory_space<vmem>> -> memref<128x16xf32, #tpu.memory_space<vmem>>
        %dma_start3A_611 = arith.constant 0 : i32
        %dma_start3A_612 = tpu.memref_slice %arg6[%dma_start3A_607, %dma_start3A_611] : memref<4x128xi32, #tpu.memory_space<vmem>> -> memref<1x128xi32, #tpu.memory_space<vmem>>
        %dma_start3A_613 = tpu.memref_squeeze %dma_start3A_612 : memref<1x128xi32, #tpu.memory_space<vmem>> -> memref<128xi32, #tpu.memory_space<vmem>>
        %dma_start3A_614 = arith.constant 0 : i32
        %dma_start3A_615 = arith.constant 0 : i32
        %dma_start3A_616 = tpu.memref_slice %arg16[%dma_start3A_614, %dma_start3A_615] : memref<10240x16xf32, #tpu.memory_space<vmem_shared>> -> memref<10240x16xf32, #tpu.memory_space<vmem_shared>>
        tpu.enqueue_indirect_dma source(%dma_start3A_616 : memref<10240x16xf32, #tpu.memory_space<vmem_shared>>) target(%dma_start3A_610 : memref<128x16xf32, #tpu.memory_space<vmem>>) offsets(%dma_start3A_613 : memref<128xi32, #tpu.memory_space<vmem>>) semaphore(%arg20 : memref<!tpu.dma_semaphore, #tpu.memory_space<semaphore_mem>>)
        %dma_start3A_617 = arith.constant 3 : i32
        %dma_start3A_618 = arith.constant 384 : i32
        %dma_start3A_619 = arith.constant 0 : i32
        %dma_start3A_620 = tpu.memref_slice %arg11[%dma_start3A_618, %dma_start3A_619] : memref<512x16xf32, #tpu.memory_space<vmem>> -> memref<128x16xf32, #tpu.memory_space<vmem>>
        %dma_start3A_621 = arith.constant 0 : i32
        %dma_start3A_622 = tpu.memref_slice %arg7[%dma_start3A_617, %dma_start3A_621] : memref<4x128xi32, #tpu.memory_space<vmem>> -> memref<1x128xi32, #tpu.memory_space<vmem>>
        %dma_start3A_623 = tpu.memref_squeeze %dma_start3A_622 : memref<1x128xi32, #tpu.memory_space<vmem>> -> memref<128xi32, #tpu.memory_space<vmem>>
        %dma_start3A_624 = arith.constant 0 : i32
        %dma_start3A_625 = arith.constant 0 : i32
        %dma_start3A_626 = tpu.memref_slice %arg17[%dma_start3A_624, %dma_start3A_625] : memref<10240x16xf32, #tpu.memory_space<vmem_shared>> -> memref<10240x16xf32, #tpu.memory_space<vmem_shared>>
        tpu.enqueue_indirect_dma source(%dma_start3A_626 : memref<10240x16xf32, #tpu.memory_space<vmem_shared>>) target(%dma_start3A_620 : memref<128x16xf32, #tpu.memory_space<vmem>>) offsets(%dma_start3A_623 : memref<128xi32, #tpu.memory_space<vmem>>) semaphore(%arg20 : memref<!tpu.dma_semaphore, #tpu.memory_space<semaphore_mem>>)
      } else {
      }
      %dma_wait3A_418 = arith.constant 0 : i32
      %dma_wait3A_419 = arith.constant 0 : i32
      %dma_wait3A_420 = arith.constant 0 : i32
      %dma_wait3A_421 = tpu.memref_slice %arg12[%dma_wait3A_419, %dma_wait3A_420] : memref<512x16xf32, #tpu.memory_space<vmem>> -> memref<128x16xf32, #tpu.memory_space<vmem>>
      %dma_wait3A_422 = arith.constant 0 : i32
      %dma_wait3A_423 = tpu.memref_slice %arg8[%dma_wait3A_418, %dma_wait3A_422] : memref<4x128xi32, #tpu.memory_space<vmem>> -> memref<1x128xi32, #tpu.memory_space<vmem>>
      %dma_wait3A_424 = tpu.memref_squeeze %dma_wait3A_423 : memref<1x128xi32, #tpu.memory_space<vmem>> -> memref<128xi32, #tpu.memory_space<vmem>>
      %dma_wait3A_425 = arith.constant 0 : i32
      %dma_wait3A_426 = arith.constant 0 : i32
      %dma_wait3A_427 = tpu.memref_slice %arg16[%dma_wait3A_425, %dma_wait3A_426] : memref<10240x16xf32, #tpu.memory_space<vmem_shared>> -> memref<10240x16xf32, #tpu.memory_space<vmem_shared>>
      tpu.wait_indirect_dma semaphore(%arg21 : memref<!tpu.dma_semaphore, #tpu.memory_space<semaphore_mem>>) src(%dma_wait3A_427 : memref<10240x16xf32, #tpu.memory_space<vmem_shared>>) dst(%dma_wait3A_421 : memref<128x16xf32, #tpu.memory_space<vmem>>)
      %dma_wait3A_428 = arith.constant 0 : i32
      %dma_wait3A_429 = arith.constant 0 : i32
      %dma_wait3A_430 = arith.constant 0 : i32
      %dma_wait3A_431 = tpu.memref_slice %arg13[%dma_wait3A_429, %dma_wait3A_430] : memref<512x16xf32, #tpu.memory_space<vmem>> -> memref<128x16xf32, #tpu.memory_space<vmem>>
      %dma_wait3A_432 = arith.constant 0 : i32
      %dma_wait3A_433 = tpu.memref_slice %arg9[%dma_wait3A_428, %dma_wait3A_432] : memref<4x128xi32, #tpu.memory_space<vmem>> -> memref<1x128xi32, #tpu.memory_space<vmem>>
      %dma_wait3A_434 = tpu.memref_squeeze %dma_wait3A_433 : memref<1x128xi32, #tpu.memory_space<vmem>> -> memref<128xi32, #tpu.memory_space<vmem>>
      %dma_wait3A_435 = arith.constant 0 : i32
      %dma_wait3A_436 = arith.constant 0 : i32
      %dma_wait3A_437 = tpu.memref_slice %arg17[%dma_wait3A_435, %dma_wait3A_436] : memref<10240x16xf32, #tpu.memory_space<vmem_shared>> -> memref<10240x16xf32, #tpu.memory_space<vmem_shared>>
      tpu.wait_indirect_dma semaphore(%arg21 : memref<!tpu.dma_semaphore, #tpu.memory_space<semaphore_mem>>) src(%dma_wait3A_437 : memref<10240x16xf32, #tpu.memory_space<vmem_shared>>) dst(%dma_wait3A_431 : memref<128x16xf32, #tpu.memory_space<vmem>>)
      %dma_wait3A_438 = arith.constant 1 : i32
      %dma_wait3A_439 = arith.constant 128 : i32
      %dma_wait3A_440 = arith.constant 0 : i32
      %dma_wait3A_441 = tpu.memref_slice %arg12[%dma_wait3A_439, %dma_wait3A_440] : memref<512x16xf32, #tpu.memory_space<vmem>> -> memref<128x16xf32, #tpu.memory_space<vmem>>
      %dma_wait3A_442 = arith.constant 0 : i32
      %dma_wait3A_443 = tpu.memref_slice %arg8[%dma_wait3A_438, %dma_wait3A_442] : memref<4x128xi32, #tpu.memory_space<vmem>> -> memref<1x128xi32, #tpu.memory_space<vmem>>
      %dma_wait3A_444 = tpu.memref_squeeze %dma_wait3A_443 : memref<1x128xi32, #tpu.memory_space<vmem>> -> memref<128xi32, #tpu.memory_space<vmem>>
      %dma_wait3A_445 = arith.constant 0 : i32
      %dma_wait3A_446 = arith.constant 0 : i32
      %dma_wait3A_447 = tpu.memref_slice %arg16[%dma_wait3A_445, %dma_wait3A_446] : memref<10240x16xf32, #tpu.memory_space<vmem_shared>> -> memref<10240x16xf32, #tpu.memory_space<vmem_shared>>
      tpu.wait_indirect_dma semaphore(%arg21 : memref<!tpu.dma_semaphore, #tpu.memory_space<semaphore_mem>>) src(%dma_wait3A_447 : memref<10240x16xf32, #tpu.memory_space<vmem_shared>>) dst(%dma_wait3A_441 : memref<128x16xf32, #tpu.memory_space<vmem>>)
      %dma_wait3A_448 = arith.constant 1 : i32
      %dma_wait3A_449 = arith.constant 128 : i32
      %dma_wait3A_450 = arith.constant 0 : i32
      %dma_wait3A_451 = tpu.memref_slice %arg13[%dma_wait3A_449, %dma_wait3A_450] : memref<512x16xf32, #tpu.memory_space<vmem>> -> memref<128x16xf32, #tpu.memory_space<vmem>>
      %dma_wait3A_452 = arith.constant 0 : i32
      %dma_wait3A_453 = tpu.memref_slice %arg9[%dma_wait3A_448, %dma_wait3A_452] : memref<4x128xi32, #tpu.memory_space<vmem>> -> memref<1x128xi32, #tpu.memory_space<vmem>>
      %dma_wait3A_454 = tpu.memref_squeeze %dma_wait3A_453 : memref<1x128xi32, #tpu.memory_space<vmem>> -> memref<128xi32, #tpu.memory_space<vmem>>
      %dma_wait3A_455 = arith.constant 0 : i32
      %dma_wait3A_456 = arith.constant 0 : i32
      %dma_wait3A_457 = tpu.memref_slice %arg17[%dma_wait3A_455, %dma_wait3A_456] : memref<10240x16xf32, #tpu.memory_space<vmem_shared>> -> memref<10240x16xf32, #tpu.memory_space<vmem_shared>>
      tpu.wait_indirect_dma semaphore(%arg21 : memref<!tpu.dma_semaphore, #tpu.memory_space<semaphore_mem>>) src(%dma_wait3A_457 : memref<10240x16xf32, #tpu.memory_space<vmem_shared>>) dst(%dma_wait3A_451 : memref<128x16xf32, #tpu.memory_space<vmem>>)
      %dma_wait3A_458 = arith.constant 2 : i32
      %dma_wait3A_459 = arith.constant 256 : i32
      %dma_wait3A_460 = arith.constant 0 : i32
      %dma_wait3A_461 = tpu.memref_slice %arg12[%dma_wait3A_459, %dma_wait3A_460] : memref<512x16xf32, #tpu.memory_space<vmem>> -> memref<128x16xf32, #tpu.memory_space<vmem>>
      %dma_wait3A_462 = arith.constant 0 : i32
      %dma_wait3A_463 = tpu.memref_slice %arg8[%dma_wait3A_458, %dma_wait3A_462] : memref<4x128xi32, #tpu.memory_space<vmem>> -> memref<1x128xi32, #tpu.memory_space<vmem>>
      %dma_wait3A_464 = tpu.memref_squeeze %dma_wait3A_463 : memref<1x128xi32, #tpu.memory_space<vmem>> -> memref<128xi32, #tpu.memory_space<vmem>>
      %dma_wait3A_465 = arith.constant 0 : i32
      %dma_wait3A_466 = arith.constant 0 : i32
      %dma_wait3A_467 = tpu.memref_slice %arg16[%dma_wait3A_465, %dma_wait3A_466] : memref<10240x16xf32, #tpu.memory_space<vmem_shared>> -> memref<10240x16xf32, #tpu.memory_space<vmem_shared>>
      tpu.wait_indirect_dma semaphore(%arg21 : memref<!tpu.dma_semaphore, #tpu.memory_space<semaphore_mem>>) src(%dma_wait3A_467 : memref<10240x16xf32, #tpu.memory_space<vmem_shared>>) dst(%dma_wait3A_461 : memref<128x16xf32, #tpu.memory_space<vmem>>)
      %dma_wait3A_468 = arith.constant 2 : i32
      %dma_wait3A_469 = arith.constant 256 : i32
      %dma_wait3A_470 = arith.constant 0 : i32
      %dma_wait3A_471 = tpu.memref_slice %arg13[%dma_wait3A_469, %dma_wait3A_470] : memref<512x16xf32, #tpu.memory_space<vmem>> -> memref<128x16xf32, #tpu.memory_space<vmem>>
      %dma_wait3A_472 = arith.constant 0 : i32
      %dma_wait3A_473 = tpu.memref_slice %arg9[%dma_wait3A_468, %dma_wait3A_472] : memref<4x128xi32, #tpu.memory_space<vmem>> -> memref<1x128xi32, #tpu.memory_space<vmem>>
      %dma_wait3A_474 = tpu.memref_squeeze %dma_wait3A_473 : memref<1x128xi32, #tpu.memory_space<vmem>> -> memref<128xi32, #tpu.memory_space<vmem>>
      %dma_wait3A_475 = arith.constant 0 : i32
      %dma_wait3A_476 = arith.constant 0 : i32
      %dma_wait3A_477 = tpu.memref_slice %arg17[%dma_wait3A_475, %dma_wait3A_476] : memref<10240x16xf32, #tpu.memory_space<vmem_shared>> -> memref<10240x16xf32, #tpu.memory_space<vmem_shared>>
      tpu.wait_indirect_dma semaphore(%arg21 : memref<!tpu.dma_semaphore, #tpu.memory_space<semaphore_mem>>) src(%dma_wait3A_477 : memref<10240x16xf32, #tpu.memory_space<vmem_shared>>) dst(%dma_wait3A_471 : memref<128x16xf32, #tpu.memory_space<vmem>>)
      %dma_wait3A_478 = arith.constant 3 : i32
      %dma_wait3A_479 = arith.constant 384 : i32
      %dma_wait3A_480 = arith.constant 0 : i32
      %dma_wait3A_481 = tpu.memref_slice %arg12[%dma_wait3A_479, %dma_wait3A_480] : memref<512x16xf32, #tpu.memory_space<vmem>> -> memref<128x16xf32, #tpu.memory_space<vmem>>
      %dma_wait3A_482 = arith.constant 0 : i32
      %dma_wait3A_483 = tpu.memref_slice %arg8[%dma_wait3A_478, %dma_wait3A_482] : memref<4x128xi32, #tpu.memory_space<vmem>> -> memref<1x128xi32, #tpu.memory_space<vmem>>
      %dma_wait3A_484 = tpu.memref_squeeze %dma_wait3A_483 : memref<1x128xi32, #tpu.memory_space<vmem>> -> memref<128xi32, #tpu.memory_space<vmem>>
      %dma_wait3A_485 = arith.constant 0 : i32
      %dma_wait3A_486 = arith.constant 0 : i32
      %dma_wait3A_487 = tpu.memref_slice %arg16[%dma_wait3A_485, %dma_wait3A_486] : memref<10240x16xf32, #tpu.memory_space<vmem_shared>> -> memref<10240x16xf32, #tpu.memory_space<vmem_shared>>
      tpu.wait_indirect_dma semaphore(%arg21 : memref<!tpu.dma_semaphore, #tpu.memory_space<semaphore_mem>>) src(%dma_wait3A_487 : memref<10240x16xf32, #tpu.memory_space<vmem_shared>>) dst(%dma_wait3A_481 : memref<128x16xf32, #tpu.memory_space<vmem>>)
      %dma_wait3A_488 = arith.constant 3 : i32
      %dma_wait3A_489 = arith.constant 384 : i32
      %dma_wait3A_490 = arith.constant 0 : i32
      %dma_wait3A_491 = tpu.memref_slice %arg13[%dma_wait3A_489, %dma_wait3A_490] : memref<512x16xf32, #tpu.memory_space<vmem>> -> memref<128x16xf32, #tpu.memory_space<vmem>>
      %dma_wait3A_492 = arith.constant 0 : i32
      %dma_wait3A_493 = tpu.memref_slice %arg9[%dma_wait3A_488, %dma_wait3A_492] : memref<4x128xi32, #tpu.memory_space<vmem>> -> memref<1x128xi32, #tpu.memory_space<vmem>>
      %dma_wait3A_494 = tpu.memref_squeeze %dma_wait3A_493 : memref<1x128xi32, #tpu.memory_space<vmem>> -> memref<128xi32, #tpu.memory_space<vmem>>
      %dma_wait3A_495 = arith.constant 0 : i32
      %dma_wait3A_496 = arith.constant 0 : i32
      %dma_wait3A_497 = tpu.memref_slice %arg17[%dma_wait3A_495, %dma_wait3A_496] : memref<10240x16xf32, #tpu.memory_space<vmem_shared>> -> memref<10240x16xf32, #tpu.memory_space<vmem_shared>>
      tpu.wait_indirect_dma semaphore(%arg21 : memref<!tpu.dma_semaphore, #tpu.memory_space<semaphore_mem>>) src(%dma_wait3A_497 : memref<10240x16xf32, #tpu.memory_space<vmem_shared>>) dst(%dma_wait3A_491 : memref<128x16xf32, #tpu.memory_space<vmem>>)
      %add3A_498 = arith.constant 2 : i32
      %add3A_499 = arith.addi %add3A_205, %add3A_498 : i32
      %lt3A_500 = arith.constant 20 : i32
      %lt3A_501 = arith.cmpi slt, %add3A_499, %lt3A_500 : i32
      %convert_element_type3A_502 = arith.extui %lt3A_501 : i1 to i32
      %cond3A_503 = arith.constant 0 : i32
      %cond3A_504 = arith.cmpi ne, %convert_element_type3A_502, %cond3A_503 : i32
      scf.if %cond3A_504 {
        %add3A_529 = arith.constant 2 : i32
        %add3A_530 = arith.addi %add3A_205, %add3A_529 : i32
        %mul3A_531 = arith.constant 512 : i32
        %mul3A_532 = arith.muli %add3A_530, %mul3A_531 : i32
        %add3A_533 = arith.addi %mul3A_2, %mul3A_532 : i32
        %min3A_534 = arith.constant 319488 : i32
        %min3A_535 = arith.minsi %add3A_533, %min3A_534 : i32
        %jit3A_536 = arith.constant 128 : i32
        %div3A_537 = arith.divsi %min3A_535, %jit3A_536 : i32
        %sign3A_538 = arith.constant 0 : i32
        %sign3A_539 = arith.cmpi sgt, %min3A_535, %sign3A_538 : i32
        %sign3A_540 = arith.extui %sign3A_539 : i1 to i32
        %sign3A_541 = arith.constant 0 : i32
        %sign3A_542 = arith.cmpi slt, %min3A_535, %sign3A_541 : i32
        %sign3A_543 = arith.extui %sign3A_542 : i1 to i32
        %sign3A_544 = arith.subi %sign3A_540, %sign3A_543 : i32
        %sign3A_545 = arith.constant 0 : i32
        %sign3A_546 = arith.cmpi sgt, %jit3A_536, %sign3A_545 : i32
        %sign3A_547 = arith.extui %sign3A_546 : i1 to i32
        %sign3A_548 = arith.constant 0 : i32
        %sign3A_549 = arith.cmpi slt, %jit3A_536, %sign3A_548 : i32
        %sign3A_550 = arith.extui %sign3A_549 : i1 to i32
        %sign3A_551 = arith.subi %sign3A_547, %sign3A_550 : i32
        %ne3A_552 = arith.cmpi ne, %sign3A_544, %sign3A_551 : i32
        %rem3A_553 = arith.remsi %min3A_535, %jit3A_536 : i32
        %ne3A_554 = arith.constant 0 : i32
        %ne3A_555 = arith.cmpi ne, %rem3A_553, %ne3A_554 : i32
        %and3A_556 = arith.andi %ne3A_552, %ne3A_555 : i1
        %sub3A_557 = arith.constant 1 : i32
        %sub3A_558 = arith.subi %div3A_537, %sub3A_557 : i32
        %select_n3A_559 = arith.select %and3A_556, %sub3A_558, %div3A_537 : i32
        %dma_start3A_560 = arith.constant 1 : i32
        %dma_start3A_561 = arith.constant 0 : i32
        %dma_start3A_562 = tpu.memref_slice %arg2[%select_n3A_559, %dma_start3A_560, %dma_start3A_561] : memref<2500x2x128xi32, #tpu.memory_space<hbm>> -> memref<4x1x128xi32, #tpu.memory_space<hbm>>
        %dma_start3A_563 = tpu.memref_squeeze %dma_start3A_562 : memref<4x1x128xi32, #tpu.memory_space<hbm>> -> memref<4x128xi32, #tpu.memory_space<hbm>>
        %dma_start3A_564 = arith.constant 0 : i32
        %dma_start3A_565 = tpu.memref_slice %arg2[%select_n3A_559, %dma_start3A_560, %dma_start3A_564] : memref<2500x2x128xi32, #tpu.memory_space<hbm>> -> memref<4x1x128xi32, #tpu.memory_space<hbm>>
        %dma_start3A_566 = tpu.memref_squeeze %dma_start3A_565 : memref<4x1x128xi32, #tpu.memory_space<hbm>> -> memref<4x128xi32, #tpu.memory_space<hbm>>
        tpu.enqueue_dma source(%dma_start3A_566 : memref<4x128xi32, #tpu.memory_space<hbm>>) target(%arg8 : memref<4x128xi32, #tpu.memory_space<vmem>>) target_semaphore(%arg19 : memref<!tpu.dma_semaphore, #tpu.memory_space<semaphore_mem>>)
        %dma_start3A_567 = arith.constant 0 : i32
        %dma_start3A_568 = arith.constant 0 : i32
        %dma_start3A_569 = tpu.memref_slice %arg2[%select_n3A_559, %dma_start3A_567, %dma_start3A_568] : memref<2500x2x128xi32, #tpu.memory_space<hbm>> -> memref<4x1x128xi32, #tpu.memory_space<hbm>>
        %dma_start3A_570 = tpu.memref_squeeze %dma_start3A_569 : memref<4x1x128xi32, #tpu.memory_space<hbm>> -> memref<4x128xi32, #tpu.memory_space<hbm>>
        %dma_start3A_571 = arith.constant 0 : i32
        %dma_start3A_572 = tpu.memref_slice %arg2[%select_n3A_559, %dma_start3A_567, %dma_start3A_571] : memref<2500x2x128xi32, #tpu.memory_space<hbm>> -> memref<4x1x128xi32, #tpu.memory_space<hbm>>
        %dma_start3A_573 = tpu.memref_squeeze %dma_start3A_572 : memref<4x1x128xi32, #tpu.memory_space<hbm>> -> memref<4x128xi32, #tpu.memory_space<hbm>>
        tpu.enqueue_dma source(%dma_start3A_573 : memref<4x128xi32, #tpu.memory_space<hbm>>) target(%arg9 : memref<4x128xi32, #tpu.memory_space<vmem>>) target_semaphore(%arg19 : memref<!tpu.dma_semaphore, #tpu.memory_space<semaphore_mem>>)
      } else {
      }
      %mul3A_505 = arith.constant 512 : i32
      %mul3A_506 = arith.muli %add3A_205, %mul3A_505 : i32
      %add3A_507 = arith.addi %mul3A_2, %mul3A_506 : i32
      %min3A_508 = arith.constant 319488 : i32
      %min3A_509 = arith.minsi %add3A_507, %min3A_508 : i32
      %sub3A_510 = arith.subi %add3A_507, %min3A_509 : i32
      %scan3A_511 = arith.constant 0 : i32
      %scan3A_512 = arith.constant 0 : i32
      %scan3A_513 = arith.constant 16 : i32
      %scan3A_514 = arith.addi %scan3A_512, %scan3A_513 : i32
      %scan3A_515 = arith.constant 1 : i32
      scf.for %scan3A_529 = %scan3A_512 to %scan3A_514 step %scan3A_515  : i32 {
        %mul3A_530 = arith.constant 32 : i32
        %mul3A_531 = arith.muli %scan3A_529, %mul3A_530 : i32
        %add3A_532 = arith.addi %mul3A_531, %sub3A_510 : i32
        %min3A_533 = arith.constant 480 : i32
        %min3A_534 = arith.minsi %add3A_532, %min3A_533 : i32
        %get3A = arith.index_cast %min3A_534 : i32 to index
        %get3A_535 = arith.constant 0 : index
        %get3A_536 = tpu.vector_load %arg12[%get3A, %get3A_535] {strides = array<i32>} : memref<512x16xf32, #tpu.memory_space<vmem>>, vector<1x16xf32>,
        %get3A_537 = vector.shape_cast %get3A_536 : vector<1x16xf32> to vector<16xf32>
        %get3A_538 = arith.index_cast %min3A_534 : i32 to index
        %get3A_539 = arith.constant 0 : index
        %get3A_540 = tpu.vector_load %arg13[%get3A_538, %get3A_539] {strides = array<i32>} : memref<512x16xf32, #tpu.memory_space<vmem>>, vector<1x16xf32>,
        %get3A_541 = vector.shape_cast %get3A_540 : vector<1x16xf32> to vector<16xf32>
        %mul3A_542 = arith.mulf %get3A_537, %get3A_541 : vector<16xf32>
        %add3A_543 = arith.constant 1 : i32
        %add3A_544 = arith.addi %min3A_534, %add3A_543 : i32
        %get3A_545 = arith.index_cast %add3A_544 : i32 to index
        %get3A_546 = arith.constant 0 : index
        %get3A_547 = tpu.vector_load %arg12[%get3A_545, %get3A_546] {strides = array<i32>} : memref<512x16xf32, #tpu.memory_space<vmem>>, vector<1x16xf32>,
        %get3A_548 = vector.shape_cast %get3A_547 : vector<1x16xf32> to vector<16xf32>
        %add3A_549 = arith.constant 1 : i32
        %add3A_550 = arith.addi %min3A_534, %add3A_549 : i32
        %get3A_551 = arith.index_cast %add3A_550 : i32 to index
        %get3A_552 = arith.constant 0 : index
        %get3A_553 = tpu.vector_load %arg13[%get3A_551, %get3A_552] {strides = array<i32>} : memref<512x16xf32, #tpu.memory_space<vmem>>, vector<1x16xf32>,
        %get3A_554 = vector.shape_cast %get3A_553 : vector<1x16xf32> to vector<16xf32>
        %mul3A_555 = arith.mulf %get3A_548, %get3A_554 : vector<16xf32>
        %add3A_556 = arith.addf %mul3A_542, %mul3A_555 : vector<16xf32>
        %add3A_557 = arith.constant 2 : i32
        %add3A_558 = arith.addi %min3A_534, %add3A_557 : i32
        %get3A_559 = arith.index_cast %add3A_558 : i32 to index
        %get3A_560 = arith.constant 0 : index
        %get3A_561 = tpu.vector_load %arg12[%get3A_559, %get3A_560] {strides = array<i32>} : memref<512x16xf32, #tpu.memory_space<vmem>>, vector<1x16xf32>,
        %get3A_562 = vector.shape_cast %get3A_561 : vector<1x16xf32> to vector<16xf32>
        %add3A_563 = arith.constant 2 : i32
        %add3A_564 = arith.addi %min3A_534, %add3A_563 : i32
        %get3A_565 = arith.index_cast %add3A_564 : i32 to index
        %get3A_566 = arith.constant 0 : index
        %get3A_567 = tpu.vector_load %arg13[%get3A_565, %get3A_566] {strides = array<i32>} : memref<512x16xf32, #tpu.memory_space<vmem>>, vector<1x16xf32>,
        %get3A_568 = vector.shape_cast %get3A_567 : vector<1x16xf32> to vector<16xf32>
        %mul3A_569 = arith.mulf %get3A_562, %get3A_568 : vector<16xf32>
        %add3A_570 = arith.addf %add3A_556, %mul3A_569 : vector<16xf32>
        %add3A_571 = arith.constant 3 : i32
        %add3A_572 = arith.addi %min3A_534, %add3A_571 : i32
        %get3A_573 = arith.index_cast %add3A_572 : i32 to index
        %get3A_574 = arith.constant 0 : index
        %get3A_575 = tpu.vector_load %arg12[%get3A_573, %get3A_574] {strides = array<i32>} : memref<512x16xf32, #tpu.memory_space<vmem>>, vector<1x16xf32>,
        %get3A_576 = vector.shape_cast %get3A_575 : vector<1x16xf32> to vector<16xf32>
        %add3A_577 = arith.constant 3 : i32
        %add3A_578 = arith.addi %min3A_534, %add3A_577 : i32
        %get3A_579 = arith.index_cast %add3A_578 : i32 to index
        %get3A_580 = arith.constant 0 : index
        %get3A_581 = tpu.vector_load %arg13[%get3A_579, %get3A_580] {strides = array<i32>} : memref<512x16xf32, #tpu.memory_space<vmem>>, vector<1x16xf32>,
        %get3A_582 = vector.shape_cast %get3A_581 : vector<1x16xf32> to vector<16xf32>
        %mul3A_583 = arith.mulf %get3A_576, %get3A_582 : vector<16xf32>
        %add3A_584 = arith.addf %add3A_570, %mul3A_583 : vector<16xf32>
        %add3A_585 = arith.constant 4 : i32
        %add3A_586 = arith.addi %min3A_534, %add3A_585 : i32
        %get3A_587 = arith.index_cast %add3A_586 : i32 to index
        %get3A_588 = arith.constant 0 : index
        %get3A_589 = tpu.vector_load %arg12[%get3A_587, %get3A_588] {strides = array<i32>} : memref<512x16xf32, #tpu.memory_space<vmem>>, vector<1x16xf32>,
        %get3A_590 = vector.shape_cast %get3A_589 : vector<1x16xf32> to vector<16xf32>
        %add3A_591 = arith.constant 4 : i32
        %add3A_592 = arith.addi %min3A_534, %add3A_591 : i32
        %get3A_593 = arith.index_cast %add3A_592 : i32 to index
        %get3A_594 = arith.constant 0 : index
        %get3A_595 = tpu.vector_load %arg13[%get3A_593, %get3A_594] {strides = array<i32>} : memref<512x16xf32, #tpu.memory_space<vmem>>, vector<1x16xf32>,
        %get3A_596 = vector.shape_cast %get3A_595 : vector<1x16xf32> to vector<16xf32>
        %mul3A_597 = arith.mulf %get3A_590, %get3A_596 : vector<16xf32>
        %add3A_598 = arith.addf %add3A_584, %mul3A_597 : vector<16xf32>
        %add3A_599 = arith.constant 5 : i32
        %add3A_600 = arith.addi %min3A_534, %add3A_599 : i32
        %get3A_601 = arith.index_cast %add3A_600 : i32 to index
        %get3A_602 = arith.constant 0 : index
        %get3A_603 = tpu.vector_load %arg12[%get3A_601, %get3A_602] {strides = array<i32>} : memref<512x16xf32, #tpu.memory_space<vmem>>, vector<1x16xf32>,
        %get3A_604 = vector.shape_cast %get3A_603 : vector<1x16xf32> to vector<16xf32>
        %add3A_605 = arith.constant 5 : i32
        %add3A_606 = arith.addi %min3A_534, %add3A_605 : i32
        %get3A_607 = arith.index_cast %add3A_606 : i32 to index
        %get3A_608 = arith.constant 0 : index
        %get3A_609 = tpu.vector_load %arg13[%get3A_607, %get3A_608] {strides = array<i32>} : memref<512x16xf32, #tpu.memory_space<vmem>>, vector<1x16xf32>,
        %get3A_610 = vector.shape_cast %get3A_609 : vector<1x16xf32> to vector<16xf32>
        %mul3A_611 = arith.mulf %get3A_604, %get3A_610 : vector<16xf32>
        %add3A_612 = arith.addf %add3A_598, %mul3A_611 : vector<16xf32>
        %add3A_613 = arith.constant 6 : i32
        %add3A_614 = arith.addi %min3A_534, %add3A_613 : i32
        %get3A_615 = arith.index_cast %add3A_614 : i32 to index
        %get3A_616 = arith.constant 0 : index
        %get3A_617 = tpu.vector_load %arg12[%get3A_615, %get3A_616] {strides = array<i32>} : memref<512x16xf32, #tpu.memory_space<vmem>>, vector<1x16xf32>,
        %get3A_618 = vector.shape_cast %get3A_617 : vector<1x16xf32> to vector<16xf32>
        %add3A_619 = arith.constant 6 : i32
        %add3A_620 = arith.addi %min3A_534, %add3A_619 : i32
        %get3A_621 = arith.index_cast %add3A_620 : i32 to index
        %get3A_622 = arith.constant 0 : index
        %get3A_623 = tpu.vector_load %arg13[%get3A_621, %get3A_622] {strides = array<i32>} : memref<512x16xf32, #tpu.memory_space<vmem>>, vector<1x16xf32>,
        %get3A_624 = vector.shape_cast %get3A_623 : vector<1x16xf32> to vector<16xf32>
        %mul3A_625 = arith.mulf %get3A_618, %get3A_624 : vector<16xf32>
        %add3A_626 = arith.addf %add3A_612, %mul3A_625 : vector<16xf32>
        %add3A_627 = arith.constant 7 : i32
        %add3A_628 = arith.addi %min3A_534, %add3A_627 : i32
        %get3A_629 = arith.index_cast %add3A_628 : i32 to index
        %get3A_630 = arith.constant 0 : index
        %get3A_631 = tpu.vector_load %arg12[%get3A_629, %get3A_630] {strides = array<i32>} : memref<512x16xf32, #tpu.memory_space<vmem>>, vector<1x16xf32>,
        %get3A_632 = vector.shape_cast %get3A_631 : vector<1x16xf32> to vector<16xf32>
        %add3A_633 = arith.constant 7 : i32
        %add3A_634 = arith.addi %min3A_534, %add3A_633 : i32
        %get3A_635 = arith.index_cast %add3A_634 : i32 to index
        %get3A_636 = arith.constant 0 : index
        %get3A_637 = tpu.vector_load %arg13[%get3A_635, %get3A_636] {strides = array<i32>} : memref<512x16xf32, #tpu.memory_space<vmem>>, vector<1x16xf32>,
        %get3A_638 = vector.shape_cast %get3A_637 : vector<1x16xf32> to vector<16xf32>
        %mul3A_639 = arith.mulf %get3A_632, %get3A_638 : vector<16xf32>
        %add3A_640 = arith.addf %add3A_626, %mul3A_639 : vector<16xf32>
        %add3A_641 = arith.constant 8 : i32
        %add3A_642 = arith.addi %min3A_534, %add3A_641 : i32
        %get3A_643 = arith.index_cast %add3A_642 : i32 to index
        %get3A_644 = arith.constant 0 : index
        %get3A_645 = tpu.vector_load %arg12[%get3A_643, %get3A_644] {strides = array<i32>} : memref<512x16xf32, #tpu.memory_space<vmem>>, vector<1x16xf32>,
        %get3A_646 = vector.shape_cast %get3A_645 : vector<1x16xf32> to vector<16xf32>
        %add3A_647 = arith.constant 8 : i32
        %add3A_648 = arith.addi %min3A_534, %add3A_647 : i32
        %get3A_649 = arith.index_cast %add3A_648 : i32 to index
        %get3A_650 = arith.constant 0 : index
        %get3A_651 = tpu.vector_load %arg13[%get3A_649, %get3A_650] {strides = array<i32>} : memref<512x16xf32, #tpu.memory_space<vmem>>, vector<1x16xf32>,
        %get3A_652 = vector.shape_cast %get3A_651 : vector<1x16xf32> to vector<16xf32>
        %mul3A_653 = arith.mulf %get3A_646, %get3A_652 : vector<16xf32>
        %add3A_654 = arith.addf %add3A_640, %mul3A_653 : vector<16xf32>
        %add3A_655 = arith.constant 9 : i32
        %add3A_656 = arith.addi %min3A_534, %add3A_655 : i32
        %get3A_657 = arith.index_cast %add3A_656 : i32 to index
        %get3A_658 = arith.constant 0 : index
        %get3A_659 = tpu.vector_load %arg12[%get3A_657, %get3A_658] {strides = array<i32>} : memref<512x16xf32, #tpu.memory_space<vmem>>, vector<1x16xf32>,
        %get3A_660 = vector.shape_cast %get3A_659 : vector<1x16xf32> to vector<16xf32>
        %add3A_661 = arith.constant 9 : i32
        %add3A_662 = arith.addi %min3A_534, %add3A_661 : i32
        %get3A_663 = arith.index_cast %add3A_662 : i32 to index
        %get3A_664 = arith.constant 0 : index
        %get3A_665 = tpu.vector_load %arg13[%get3A_663, %get3A_664] {strides = array<i32>} : memref<512x16xf32, #tpu.memory_space<vmem>>, vector<1x16xf32>,
        %get3A_666 = vector.shape_cast %get3A_665 : vector<1x16xf32> to vector<16xf32>
        %mul3A_667 = arith.mulf %get3A_660, %get3A_666 : vector<16xf32>
        %add3A_668 = arith.addf %add3A_654, %mul3A_667 : vector<16xf32>
        %add3A_669 = arith.constant 10 : i32
        %add3A_670 = arith.addi %min3A_534, %add3A_669 : i32
        %get3A_671 = arith.index_cast %add3A_670 : i32 to index
        %get3A_672 = arith.constant 0 : index
        %get3A_673 = tpu.vector_load %arg12[%get3A_671, %get3A_672] {strides = array<i32>} : memref<512x16xf32, #tpu.memory_space<vmem>>, vector<1x16xf32>,
        %get3A_674 = vector.shape_cast %get3A_673 : vector<1x16xf32> to vector<16xf32>
        %add3A_675 = arith.constant 10 : i32
        %add3A_676 = arith.addi %min3A_534, %add3A_675 : i32
        %get3A_677 = arith.index_cast %add3A_676 : i32 to index
        %get3A_678 = arith.constant 0 : index
        %get3A_679 = tpu.vector_load %arg13[%get3A_677, %get3A_678] {strides = array<i32>} : memref<512x16xf32, #tpu.memory_space<vmem>>, vector<1x16xf32>,
        %get3A_680 = vector.shape_cast %get3A_679 : vector<1x16xf32> to vector<16xf32>
        %mul3A_681 = arith.mulf %get3A_674, %get3A_680 : vector<16xf32>
        %add3A_682 = arith.addf %add3A_668, %mul3A_681 : vector<16xf32>
        %add3A_683 = arith.constant 11 : i32
        %add3A_684 = arith.addi %min3A_534, %add3A_683 : i32
        %get3A_685 = arith.index_cast %add3A_684 : i32 to index
        %get3A_686 = arith.constant 0 : index
        %get3A_687 = tpu.vector_load %arg12[%get3A_685, %get3A_686] {strides = array<i32>} : memref<512x16xf32, #tpu.memory_space<vmem>>, vector<1x16xf32>,
        %get3A_688 = vector.shape_cast %get3A_687 : vector<1x16xf32> to vector<16xf32>
        %add3A_689 = arith.constant 11 : i32
        %add3A_690 = arith.addi %min3A_534, %add3A_689 : i32
        %get3A_691 = arith.index_cast %add3A_690 : i32 to index
        %get3A_692 = arith.constant 0 : index
        %get3A_693 = tpu.vector_load %arg13[%get3A_691, %get3A_692] {strides = array<i32>} : memref<512x16xf32, #tpu.memory_space<vmem>>, vector<1x16xf32>,
        %get3A_694 = vector.shape_cast %get3A_693 : vector<1x16xf32> to vector<16xf32>
        %mul3A_695 = arith.mulf %get3A_688, %get3A_694 : vector<16xf32>
        %add3A_696 = arith.addf %add3A_682, %mul3A_695 : vector<16xf32>
        %add3A_697 = arith.constant 12 : i32
        %add3A_698 = arith.addi %min3A_534, %add3A_697 : i32
        %get3A_699 = arith.index_cast %add3A_698 : i32 to index
        %get3A_700 = arith.constant 0 : index
        %get3A_701 = tpu.vector_load %arg12[%get3A_699, %get3A_700] {strides = array<i32>} : memref<512x16xf32, #tpu.memory_space<vmem>>, vector<1x16xf32>,
        %get3A_702 = vector.shape_cast %get3A_701 : vector<1x16xf32> to vector<16xf32>
        %add3A_703 = arith.constant 12 : i32
        %add3A_704 = arith.addi %min3A_534, %add3A_703 : i32
        %get3A_705 = arith.index_cast %add3A_704 : i32 to index
        %get3A_706 = arith.constant 0 : index
        %get3A_707 = tpu.vector_load %arg13[%get3A_705, %get3A_706] {strides = array<i32>} : memref<512x16xf32, #tpu.memory_space<vmem>>, vector<1x16xf32>,
        %get3A_708 = vector.shape_cast %get3A_707 : vector<1x16xf32> to vector<16xf32>
        %mul3A_709 = arith.mulf %get3A_702, %get3A_708 : vector<16xf32>
        %add3A_710 = arith.addf %add3A_696, %mul3A_709 : vector<16xf32>
        %add3A_711 = arith.constant 13 : i32
        %add3A_712 = arith.addi %min3A_534, %add3A_711 : i32
        %get3A_713 = arith.index_cast %add3A_712 : i32 to index
        %get3A_714 = arith.constant 0 : index
        %get3A_715 = tpu.vector_load %arg12[%get3A_713, %get3A_714] {strides = array<i32>} : memref<512x16xf32, #tpu.memory_space<vmem>>, vector<1x16xf32>,
        %get3A_716 = vector.shape_cast %get3A_715 : vector<1x16xf32> to vector<16xf32>
        %add3A_717 = arith.constant 13 : i32
        %add3A_718 = arith.addi %min3A_534, %add3A_717 : i32
        %get3A_719 = arith.index_cast %add3A_718 : i32 to index
        %get3A_720 = arith.constant 0 : index
        %get3A_721 = tpu.vector_load %arg13[%get3A_719, %get3A_720] {strides = array<i32>} : memref<512x16xf32, #tpu.memory_space<vmem>>, vector<1x16xf32>,
        %get3A_722 = vector.shape_cast %get3A_721 : vector<1x16xf32> to vector<16xf32>
        %mul3A_723 = arith.mulf %get3A_716, %get3A_722 : vector<16xf32>
        %add3A_724 = arith.addf %add3A_710, %mul3A_723 : vector<16xf32>
        %add3A_725 = arith.constant 14 : i32
        %add3A_726 = arith.addi %min3A_534, %add3A_725 : i32
        %get3A_727 = arith.index_cast %add3A_726 : i32 to index
        %get3A_728 = arith.constant 0 : index
        %get3A_729 = tpu.vector_load %arg12[%get3A_727, %get3A_728] {strides = array<i32>} : memref<512x16xf32, #tpu.memory_space<vmem>>, vector<1x16xf32>,
        %get3A_730 = vector.shape_cast %get3A_729 : vector<1x16xf32> to vector<16xf32>
        %add3A_731 = arith.constant 14 : i32
        %add3A_732 = arith.addi %min3A_534, %add3A_731 : i32
        %get3A_733 = arith.index_cast %add3A_732 : i32 to index
        %get3A_734 = arith.constant 0 : index
        %get3A_735 = tpu.vector_load %arg13[%get3A_733, %get3A_734] {strides = array<i32>} : memref<512x16xf32, #tpu.memory_space<vmem>>, vector<1x16xf32>,
        %get3A_736 = vector.shape_cast %get3A_735 : vector<1x16xf32> to vector<16xf32>
        %mul3A_737 = arith.mulf %get3A_730, %get3A_736 : vector<16xf32>
        %add3A_738 = arith.addf %add3A_724, %mul3A_737 : vector<16xf32>
        %add3A_739 = arith.constant 15 : i32
        %add3A_740 = arith.addi %min3A_534, %add3A_739 : i32
        %get3A_741 = arith.index_cast %add3A_740 : i32 to index
        %get3A_742 = arith.constant 0 : index
        %get3A_743 = tpu.vector_load %arg12[%get3A_741, %get3A_742] {strides = array<i32>} : memref<512x16xf32, #tpu.memory_space<vmem>>, vector<1x16xf32>,
        %get3A_744 = vector.shape_cast %get3A_743 : vector<1x16xf32> to vector<16xf32>
        %add3A_745 = arith.constant 15 : i32
        %add3A_746 = arith.addi %min3A_534, %add3A_745 : i32
        %get3A_747 = arith.index_cast %add3A_746 : i32 to index
        %get3A_748 = arith.constant 0 : index
        %get3A_749 = tpu.vector_load %arg13[%get3A_747, %get3A_748] {strides = array<i32>} : memref<512x16xf32, #tpu.memory_space<vmem>>, vector<1x16xf32>,
        %get3A_750 = vector.shape_cast %get3A_749 : vector<1x16xf32> to vector<16xf32>
        %mul3A_751 = arith.mulf %get3A_744, %get3A_750 : vector<16xf32>
        %add3A_752 = arith.addf %add3A_738, %mul3A_751 : vector<16xf32>
        %add3A_753 = arith.constant 16 : i32
        %add3A_754 = arith.addi %min3A_534, %add3A_753 : i32
        %get3A_755 = arith.index_cast %add3A_754 : i32 to index
        %get3A_756 = arith.constant 0 : index
        %get3A_757 = tpu.vector_load %arg12[%get3A_755, %get3A_756] {strides = array<i32>} : memref<512x16xf32, #tpu.memory_space<vmem>>, vector<1x16xf32>,
        %get3A_758 = vector.shape_cast %get3A_757 : vector<1x16xf32> to vector<16xf32>
        %add3A_759 = arith.constant 16 : i32
        %add3A_760 = arith.addi %min3A_534, %add3A_759 : i32
        %get3A_761 = arith.index_cast %add3A_760 : i32 to index
        %get3A_762 = arith.constant 0 : index
        %get3A_763 = tpu.vector_load %arg13[%get3A_761, %get3A_762] {strides = array<i32>} : memref<512x16xf32, #tpu.memory_space<vmem>>, vector<1x16xf32>,
        %get3A_764 = vector.shape_cast %get3A_763 : vector<1x16xf32> to vector<16xf32>
        %mul3A_765 = arith.mulf %get3A_758, %get3A_764 : vector<16xf32>
        %add3A_766 = arith.addf %add3A_752, %mul3A_765 : vector<16xf32>
        %add3A_767 = arith.constant 17 : i32
        %add3A_768 = arith.addi %min3A_534, %add3A_767 : i32
        %get3A_769 = arith.index_cast %add3A_768 : i32 to index
        %get3A_770 = arith.constant 0 : index
        %get3A_771 = tpu.vector_load %arg12[%get3A_769, %get3A_770] {strides = array<i32>} : memref<512x16xf32, #tpu.memory_space<vmem>>, vector<1x16xf32>,
        %get3A_772 = vector.shape_cast %get3A_771 : vector<1x16xf32> to vector<16xf32>
        %add3A_773 = arith.constant 17 : i32
        %add3A_774 = arith.addi %min3A_534, %add3A_773 : i32
        %get3A_775 = arith.index_cast %add3A_774 : i32 to index
        %get3A_776 = arith.constant 0 : index
        %get3A_777 = tpu.vector_load %arg13[%get3A_775, %get3A_776] {strides = array<i32>} : memref<512x16xf32, #tpu.memory_space<vmem>>, vector<1x16xf32>,
        %get3A_778 = vector.shape_cast %get3A_777 : vector<1x16xf32> to vector<16xf32>
        %mul3A_779 = arith.mulf %get3A_772, %get3A_778 : vector<16xf32>
        %add3A_780 = arith.addf %add3A_766, %mul3A_779 : vector<16xf32>
        %add3A_781 = arith.constant 18 : i32
        %add3A_782 = arith.addi %min3A_534, %add3A_781 : i32
        %get3A_783 = arith.index_cast %add3A_782 : i32 to index
        %get3A_784 = arith.constant 0 : index
        %get3A_785 = tpu.vector_load %arg12[%get3A_783, %get3A_784] {strides = array<i32>} : memref<512x16xf32, #tpu.memory_space<vmem>>, vector<1x16xf32>,
        %get3A_786 = vector.shape_cast %get3A_785 : vector<1x16xf32> to vector<16xf32>
        %add3A_787 = arith.constant 18 : i32
        %add3A_788 = arith.addi %min3A_534, %add3A_787 : i32
        %get3A_789 = arith.index_cast %add3A_788 : i32 to index
        %get3A_790 = arith.constant 0 : index
        %get3A_791 = tpu.vector_load %arg13[%get3A_789, %get3A_790] {strides = array<i32>} : memref<512x16xf32, #tpu.memory_space<vmem>>, vector<1x16xf32>,
        %get3A_792 = vector.shape_cast %get3A_791 : vector<1x16xf32> to vector<16xf32>
        %mul3A_793 = arith.mulf %get3A_786, %get3A_792 : vector<16xf32>
        %add3A_794 = arith.addf %add3A_780, %mul3A_793 : vector<16xf32>
        %add3A_795 = arith.constant 19 : i32
        %add3A_796 = arith.addi %min3A_534, %add3A_795 : i32
        %get3A_797 = arith.index_cast %add3A_796 : i32 to index
        %get3A_798 = arith.constant 0 : index
        %get3A_799 = tpu.vector_load %arg12[%get3A_797, %get3A_798] {strides = array<i32>} : memref<512x16xf32, #tpu.memory_space<vmem>>, vector<1x16xf32>,
        %get3A_800 = vector.shape_cast %get3A_799 : vector<1x16xf32> to vector<16xf32>
        %add3A_801 = arith.constant 19 : i32
        %add3A_802 = arith.addi %min3A_534, %add3A_801 : i32
        %get3A_803 = arith.index_cast %add3A_802 : i32 to index
        %get3A_804 = arith.constant 0 : index
        %get3A_805 = tpu.vector_load %arg13[%get3A_803, %get3A_804] {strides = array<i32>} : memref<512x16xf32, #tpu.memory_space<vmem>>, vector<1x16xf32>,
        %get3A_806 = vector.shape_cast %get3A_805 : vector<1x16xf32> to vector<16xf32>
        %mul3A_807 = arith.mulf %get3A_800, %get3A_806 : vector<16xf32>
        %add3A_808 = arith.addf %add3A_794, %mul3A_807 : vector<16xf32>
        %add3A_809 = arith.constant 20 : i32
        %add3A_810 = arith.addi %min3A_534, %add3A_809 : i32
        %get3A_811 = arith.index_cast %add3A_810 : i32 to index
        %get3A_812 = arith.constant 0 : index
        %get3A_813 = tpu.vector_load %arg12[%get3A_811, %get3A_812] {strides = array<i32>} : memref<512x16xf32, #tpu.memory_space<vmem>>, vector<1x16xf32>,
        %get3A_814 = vector.shape_cast %get3A_813 : vector<1x16xf32> to vector<16xf32>
        %add3A_815 = arith.constant 20 : i32
        %add3A_816 = arith.addi %min3A_534, %add3A_815 : i32
        %get3A_817 = arith.index_cast %add3A_816 : i32 to index
        %get3A_818 = arith.constant 0 : index
        %get3A_819 = tpu.vector_load %arg13[%get3A_817, %get3A_818] {strides = array<i32>} : memref<512x16xf32, #tpu.memory_space<vmem>>, vector<1x16xf32>,
        %get3A_820 = vector.shape_cast %get3A_819 : vector<1x16xf32> to vector<16xf32>
        %mul3A_821 = arith.mulf %get3A_814, %get3A_820 : vector<16xf32>
        %add3A_822 = arith.addf %add3A_808, %mul3A_821 : vector<16xf32>
        %add3A_823 = arith.constant 21 : i32
        %add3A_824 = arith.addi %min3A_534, %add3A_823 : i32
        %get3A_825 = arith.index_cast %add3A_824 : i32 to index
        %get3A_826 = arith.constant 0 : index
        %get3A_827 = tpu.vector_load %arg12[%get3A_825, %get3A_826] {strides = array<i32>} : memref<512x16xf32, #tpu.memory_space<vmem>>, vector<1x16xf32>,
        %get3A_828 = vector.shape_cast %get3A_827 : vector<1x16xf32> to vector<16xf32>
        %add3A_829 = arith.constant 21 : i32
        %add3A_830 = arith.addi %min3A_534, %add3A_829 : i32
        %get3A_831 = arith.index_cast %add3A_830 : i32 to index
        %get3A_832 = arith.constant 0 : index
        %get3A_833 = tpu.vector_load %arg13[%get3A_831, %get3A_832] {strides = array<i32>} : memref<512x16xf32, #tpu.memory_space<vmem>>, vector<1x16xf32>,
        %get3A_834 = vector.shape_cast %get3A_833 : vector<1x16xf32> to vector<16xf32>
        %mul3A_835 = arith.mulf %get3A_828, %get3A_834 : vector<16xf32>
        %add3A_836 = arith.addf %add3A_822, %mul3A_835 : vector<16xf32>
        %add3A_837 = arith.constant 22 : i32
        %add3A_838 = arith.addi %min3A_534, %add3A_837 : i32
        %get3A_839 = arith.index_cast %add3A_838 : i32 to index
        %get3A_840 = arith.constant 0 : index
        %get3A_841 = tpu.vector_load %arg12[%get3A_839, %get3A_840] {strides = array<i32>} : memref<512x16xf32, #tpu.memory_space<vmem>>, vector<1x16xf32>,
        %get3A_842 = vector.shape_cast %get3A_841 : vector<1x16xf32> to vector<16xf32>
        %add3A_843 = arith.constant 22 : i32
        %add3A_844 = arith.addi %min3A_534, %add3A_843 : i32
        %get3A_845 = arith.index_cast %add3A_844 : i32 to index
        %get3A_846 = arith.constant 0 : index
        %get3A_847 = tpu.vector_load %arg13[%get3A_845, %get3A_846] {strides = array<i32>} : memref<512x16xf32, #tpu.memory_space<vmem>>, vector<1x16xf32>,
        %get3A_848 = vector.shape_cast %get3A_847 : vector<1x16xf32> to vector<16xf32>
        %mul3A_849 = arith.mulf %get3A_842, %get3A_848 : vector<16xf32>
        %add3A_850 = arith.addf %add3A_836, %mul3A_849 : vector<16xf32>
        %add3A_851 = arith.constant 23 : i32
        %add3A_852 = arith.addi %min3A_534, %add3A_851 : i32
        %get3A_853 = arith.index_cast %add3A_852 : i32 to index
        %get3A_854 = arith.constant 0 : index
        %get3A_855 = tpu.vector_load %arg12[%get3A_853, %get3A_854] {strides = array<i32>} : memref<512x16xf32, #tpu.memory_space<vmem>>, vector<1x16xf32>,
        %get3A_856 = vector.shape_cast %get3A_855 : vector<1x16xf32> to vector<16xf32>
        %add3A_857 = arith.constant 23 : i32
        %add3A_858 = arith.addi %min3A_534, %add3A_857 : i32
        %get3A_859 = arith.index_cast %add3A_858 : i32 to index
        %get3A_860 = arith.constant 0 : index
        %get3A_861 = tpu.vector_load %arg13[%get3A_859, %get3A_860] {strides = array<i32>} : memref<512x16xf32, #tpu.memory_space<vmem>>, vector<1x16xf32>,
        %get3A_862 = vector.shape_cast %get3A_861 : vector<1x16xf32> to vector<16xf32>
        %mul3A_863 = arith.mulf %get3A_856, %get3A_862 : vector<16xf32>
        %add3A_864 = arith.addf %add3A_850, %mul3A_863 : vector<16xf32>
        %add3A_865 = arith.constant 24 : i32
        %add3A_866 = arith.addi %min3A_534, %add3A_865 : i32
        %get3A_867 = arith.index_cast %add3A_866 : i32 to index
        %get3A_868 = arith.constant 0 : index
        %get3A_869 = tpu.vector_load %arg12[%get3A_867, %get3A_868] {strides = array<i32>} : memref<512x16xf32, #tpu.memory_space<vmem>>, vector<1x16xf32>,
        %get3A_870 = vector.shape_cast %get3A_869 : vector<1x16xf32> to vector<16xf32>
        %add3A_871 = arith.constant 24 : i32
        %add3A_872 = arith.addi %min3A_534, %add3A_871 : i32
        %get3A_873 = arith.index_cast %add3A_872 : i32 to index
        %get3A_874 = arith.constant 0 : index
        %get3A_875 = tpu.vector_load %arg13[%get3A_873, %get3A_874] {strides = array<i32>} : memref<512x16xf32, #tpu.memory_space<vmem>>, vector<1x16xf32>,
        %get3A_876 = vector.shape_cast %get3A_875 : vector<1x16xf32> to vector<16xf32>
        %mul3A_877 = arith.mulf %get3A_870, %get3A_876 : vector<16xf32>
        %add3A_878 = arith.addf %add3A_864, %mul3A_877 : vector<16xf32>
        %add3A_879 = arith.constant 25 : i32
        %add3A_880 = arith.addi %min3A_534, %add3A_879 : i32
        %get3A_881 = arith.index_cast %add3A_880 : i32 to index
        %get3A_882 = arith.constant 0 : index
        %get3A_883 = tpu.vector_load %arg12[%get3A_881, %get3A_882] {strides = array<i32>} : memref<512x16xf32, #tpu.memory_space<vmem>>, vector<1x16xf32>,
        %get3A_884 = vector.shape_cast %get3A_883 : vector<1x16xf32> to vector<16xf32>
        %add3A_885 = arith.constant 25 : i32
        %add3A_886 = arith.addi %min3A_534, %add3A_885 : i32
        %get3A_887 = arith.index_cast %add3A_886 : i32 to index
        %get3A_888 = arith.constant 0 : index
        %get3A_889 = tpu.vector_load %arg13[%get3A_887, %get3A_888] {strides = array<i32>} : memref<512x16xf32, #tpu.memory_space<vmem>>, vector<1x16xf32>,
        %get3A_890 = vector.shape_cast %get3A_889 : vector<1x16xf32> to vector<16xf32>
        %mul3A_891 = arith.mulf %get3A_884, %get3A_890 : vector<16xf32>
        %add3A_892 = arith.addf %add3A_878, %mul3A_891 : vector<16xf32>
        %add3A_893 = arith.constant 26 : i32
        %add3A_894 = arith.addi %min3A_534, %add3A_893 : i32
        %get3A_895 = arith.index_cast %add3A_894 : i32 to index
        %get3A_896 = arith.constant 0 : index
        %get3A_897 = tpu.vector_load %arg12[%get3A_895, %get3A_896] {strides = array<i32>} : memref<512x16xf32, #tpu.memory_space<vmem>>, vector<1x16xf32>,
        %get3A_898 = vector.shape_cast %get3A_897 : vector<1x16xf32> to vector<16xf32>
        %add3A_899 = arith.constant 26 : i32
        %add3A_900 = arith.addi %min3A_534, %add3A_899 : i32
        %get3A_901 = arith.index_cast %add3A_900 : i32 to index
        %get3A_902 = arith.constant 0 : index
        %get3A_903 = tpu.vector_load %arg13[%get3A_901, %get3A_902] {strides = array<i32>} : memref<512x16xf32, #tpu.memory_space<vmem>>, vector<1x16xf32>,
        %get3A_904 = vector.shape_cast %get3A_903 : vector<1x16xf32> to vector<16xf32>
        %mul3A_905 = arith.mulf %get3A_898, %get3A_904 : vector<16xf32>
        %add3A_906 = arith.addf %add3A_892, %mul3A_905 : vector<16xf32>
        %add3A_907 = arith.constant 27 : i32
        %add3A_908 = arith.addi %min3A_534, %add3A_907 : i32
        %get3A_909 = arith.index_cast %add3A_908 : i32 to index
        %get3A_910 = arith.constant 0 : index
        %get3A_911 = tpu.vector_load %arg12[%get3A_909, %get3A_910] {strides = array<i32>} : memref<512x16xf32, #tpu.memory_space<vmem>>, vector<1x16xf32>,
        %get3A_912 = vector.shape_cast %get3A_911 : vector<1x16xf32> to vector<16xf32>
        %add3A_913 = arith.constant 27 : i32
        %add3A_914 = arith.addi %min3A_534, %add3A_913 : i32
        %get3A_915 = arith.index_cast %add3A_914 : i32 to index
        %get3A_916 = arith.constant 0 : index
        %get3A_917 = tpu.vector_load %arg13[%get3A_915, %get3A_916] {strides = array<i32>} : memref<512x16xf32, #tpu.memory_space<vmem>>, vector<1x16xf32>,
        %get3A_918 = vector.shape_cast %get3A_917 : vector<1x16xf32> to vector<16xf32>
        %mul3A_919 = arith.mulf %get3A_912, %get3A_918 : vector<16xf32>
        %add3A_920 = arith.addf %add3A_906, %mul3A_919 : vector<16xf32>
        %add3A_921 = arith.constant 28 : i32
        %add3A_922 = arith.addi %min3A_534, %add3A_921 : i32
        %get3A_923 = arith.index_cast %add3A_922 : i32 to index
        %get3A_924 = arith.constant 0 : index
        %get3A_925 = tpu.vector_load %arg12[%get3A_923, %get3A_924] {strides = array<i32>} : memref<512x16xf32, #tpu.memory_space<vmem>>, vector<1x16xf32>,
        %get3A_926 = vector.shape_cast %get3A_925 : vector<1x16xf32> to vector<16xf32>
        %add3A_927 = arith.constant 28 : i32
        %add3A_928 = arith.addi %min3A_534, %add3A_927 : i32
        %get3A_929 = arith.index_cast %add3A_928 : i32 to index
        %get3A_930 = arith.constant 0 : index
        %get3A_931 = tpu.vector_load %arg13[%get3A_929, %get3A_930] {strides = array<i32>} : memref<512x16xf32, #tpu.memory_space<vmem>>, vector<1x16xf32>,
        %get3A_932 = vector.shape_cast %get3A_931 : vector<1x16xf32> to vector<16xf32>
        %mul3A_933 = arith.mulf %get3A_926, %get3A_932 : vector<16xf32>
        %add3A_934 = arith.addf %add3A_920, %mul3A_933 : vector<16xf32>
        %add3A_935 = arith.constant 29 : i32
        %add3A_936 = arith.addi %min3A_534, %add3A_935 : i32
        %get3A_937 = arith.index_cast %add3A_936 : i32 to index
        %get3A_938 = arith.constant 0 : index
        %get3A_939 = tpu.vector_load %arg12[%get3A_937, %get3A_938] {strides = array<i32>} : memref<512x16xf32, #tpu.memory_space<vmem>>, vector<1x16xf32>,
        %get3A_940 = vector.shape_cast %get3A_939 : vector<1x16xf32> to vector<16xf32>
        %add3A_941 = arith.constant 29 : i32
        %add3A_942 = arith.addi %min3A_534, %add3A_941 : i32
        %get3A_943 = arith.index_cast %add3A_942 : i32 to index
        %get3A_944 = arith.constant 0 : index
        %get3A_945 = tpu.vector_load %arg13[%get3A_943, %get3A_944] {strides = array<i32>} : memref<512x16xf32, #tpu.memory_space<vmem>>, vector<1x16xf32>,
        %get3A_946 = vector.shape_cast %get3A_945 : vector<1x16xf32> to vector<16xf32>
        %mul3A_947 = arith.mulf %get3A_940, %get3A_946 : vector<16xf32>
        %add3A_948 = arith.addf %add3A_934, %mul3A_947 : vector<16xf32>
        %add3A_949 = arith.constant 30 : i32
        %add3A_950 = arith.addi %min3A_534, %add3A_949 : i32
        %get3A_951 = arith.index_cast %add3A_950 : i32 to index
        %get3A_952 = arith.constant 0 : index
        %get3A_953 = tpu.vector_load %arg12[%get3A_951, %get3A_952] {strides = array<i32>} : memref<512x16xf32, #tpu.memory_space<vmem>>, vector<1x16xf32>,
        %get3A_954 = vector.shape_cast %get3A_953 : vector<1x16xf32> to vector<16xf32>
        %add3A_955 = arith.constant 30 : i32
        %add3A_956 = arith.addi %min3A_534, %add3A_955 : i32
        %get3A_957 = arith.index_cast %add3A_956 : i32 to index
        %get3A_958 = arith.constant 0 : index
        %get3A_959 = tpu.vector_load %arg13[%get3A_957, %get3A_958] {strides = array<i32>} : memref<512x16xf32, #tpu.memory_space<vmem>>, vector<1x16xf32>,
        %get3A_960 = vector.shape_cast %get3A_959 : vector<1x16xf32> to vector<16xf32>
        %mul3A_961 = arith.mulf %get3A_954, %get3A_960 : vector<16xf32>
        %add3A_962 = arith.addf %add3A_948, %mul3A_961 : vector<16xf32>
        %add3A_963 = arith.constant 31 : i32
        %add3A_964 = arith.addi %min3A_534, %add3A_963 : i32
        %get3A_965 = arith.index_cast %add3A_964 : i32 to index
        %get3A_966 = arith.constant 0 : index
        %get3A_967 = tpu.vector_load %arg12[%get3A_965, %get3A_966] {strides = array<i32>} : memref<512x16xf32, #tpu.memory_space<vmem>>, vector<1x16xf32>,
        %get3A_968 = vector.shape_cast %get3A_967 : vector<1x16xf32> to vector<16xf32>
        %add3A_969 = arith.constant 31 : i32
        %add3A_970 = arith.addi %min3A_534, %add3A_969 : i32
        %get3A_971 = arith.index_cast %add3A_970 : i32 to index
        %get3A_972 = arith.constant 0 : index
        %get3A_973 = tpu.vector_load %arg13[%get3A_971, %get3A_972] {strides = array<i32>} : memref<512x16xf32, #tpu.memory_space<vmem>>, vector<1x16xf32>,
        %get3A_974 = vector.shape_cast %get3A_973 : vector<1x16xf32> to vector<16xf32>
        %mul3A_975 = arith.mulf %get3A_968, %get3A_974 : vector<16xf32>
        %add3A_976 = arith.addf %add3A_962, %mul3A_975 : vector<16xf32>
        %swap3A = arith.index_cast %scan3A_529 : i32 to index
        %swap3A_977 = arith.constant 0 : index
        %swap3A_978 = tpu.vector_load %arg15[%swap3A, %swap3A_977] {strides = array<i32>} : memref<16x16xf32, #tpu.memory_space<vmem>>, vector<1x16xf32>,
        %swap3A_979 = vector.shape_cast %swap3A_978 : vector<1x16xf32> to vector<16xf32>
        %swap3A_980 = vector.shape_cast %add3A_976 : vector<16xf32> to vector<1x16xf32>
        tpu.vector_store %arg15[%swap3A, %swap3A_977], %swap3A_980 {strides = array<i32>} : memref<16x16xf32, #tpu.memory_space<vmem>>, vector<1x16xf32>,
      }
      %scan3A_516 = arith.constant 16 : i32
      %gt3A_517 = arith.constant 0 : i32
      %gt3A_518 = arith.cmpi sgt, %scan3A_201, %gt3A_517 : i32
      %convert_element_type3A_519 = arith.extui %gt3A_518 : i1 to i32
      %cond3A_520 = arith.constant 0 : i32
      %cond3A_521 = arith.cmpi ne, %convert_element_type3A_519, %cond3A_520 : i32
      scf.if %cond3A_521 {
        %dma_wait3A_529 = arith.constant 0 : i32
        %dma_wait3A_530 = arith.constant 0 : i32
        %dma_wait3A_531 = tpu.memref_slice %arg5[%dma_wait3A_529, %dma_wait3A_530] : memref<10240x16xf32, #tpu.memory_space<hbm>> -> memref<16x16xf32, #tpu.memory_space<hbm>>
        %dma_wait3A_532 = arith.constant 0 : i32
        %dma_wait3A_533 = arith.constant 0 : i32
        %dma_wait3A_534 = tpu.memref_slice %arg5[%dma_wait3A_532, %dma_wait3A_533] : memref<10240x16xf32, #tpu.memory_space<hbm>> -> memref<16x16xf32, #tpu.memory_space<hbm>>
        tpu.wait_dma2 semaphore(%arg23 : memref<!tpu.dma_semaphore, #tpu.memory_space<semaphore_mem>>) src(%arg15 : memref<16x16xf32, #tpu.memory_space<vmem>>) dst(%dma_wait3A_534 : memref<16x16xf32, #tpu.memory_space<hbm>>)
      } else {
      }
      %mul3A_522 = arith.constant 16 : i32
      %mul3A_523 = arith.muli %add3A_205, %mul3A_522 : i32
      %add3A_524 = arith.addi %mul3A_4, %mul3A_523 : i32
      %dma_start3A_525 = arith.constant 0 : i32
      %dma_start3A_526 = tpu.memref_slice %arg5[%add3A_524, %dma_start3A_525] : memref<10240x16xf32, #tpu.memory_space<hbm>> -> memref<16x16xf32, #tpu.memory_space<hbm>>
      %dma_start3A_527 = arith.constant 0 : i32
      %dma_start3A_528 = tpu.memref_slice %arg5[%add3A_524, %dma_start3A_527] : memref<10240x16xf32, #tpu.memory_space<hbm>> -> memref<16x16xf32, #tpu.memory_space<hbm>>
      tpu.enqueue_dma source(%arg15 : memref<16x16xf32, #tpu.memory_space<vmem>>) target(%dma_start3A_528 : memref<16x16xf32, #tpu.memory_space<hbm>>) target_semaphore(%arg23 : memref<!tpu.dma_semaphore, #tpu.memory_space<semaphore_mem>>)
    }
    %scan3A_188 = arith.constant 10 : i32
    %dma_wait3A_189 = arith.constant 0 : i32
    %dma_wait3A_190 = arith.constant 0 : i32
    %dma_wait3A_191 = tpu.memref_slice %arg5[%dma_wait3A_189, %dma_wait3A_190] : memref<10240x16xf32, #tpu.memory_space<hbm>> -> memref<16x16xf32, #tpu.memory_space<hbm>>
    %dma_wait3A_192 = arith.constant 0 : i32
    %dma_wait3A_193 = arith.constant 0 : i32
    %dma_wait3A_194 = tpu.memref_slice %arg5[%dma_wait3A_192, %dma_wait3A_193] : memref<10240x16xf32, #tpu.memory_space<hbm>> -> memref<16x16xf32, #tpu.memory_space<hbm>>
    tpu.wait_dma2 semaphore(%arg22 : memref<!tpu.dma_semaphore, #tpu.memory_space<semaphore_mem>>) src(%arg14 : memref<16x16xf32, #tpu.memory_space<vmem>>) dst(%dma_wait3A_194 : memref<16x16xf32, #tpu.memory_space<hbm>>)
    %dma_wait3A_195 = arith.constant 0 : i32
    %dma_wait3A_196 = arith.constant 0 : i32
    %dma_wait3A_197 = tpu.memref_slice %arg5[%dma_wait3A_195, %dma_wait3A_196] : memref<10240x16xf32, #tpu.memory_space<hbm>> -> memref<16x16xf32, #tpu.memory_space<hbm>>
    %dma_wait3A_198 = arith.constant 0 : i32
    %dma_wait3A_199 = arith.constant 0 : i32
    %dma_wait3A_200 = tpu.memref_slice %arg5[%dma_wait3A_198, %dma_wait3A_199] : memref<10240x16xf32, #tpu.memory_space<hbm>> -> memref<16x16xf32, #tpu.memory_space<hbm>>
    tpu.wait_dma2 semaphore(%arg23 : memref<!tpu.dma_semaphore, #tpu.memory_space<semaphore_mem>>) src(%arg15 : memref<16x16xf32, #tpu.memory_space<vmem>>) dst(%dma_wait3A_200 : memref<16x16xf32, #tpu.memory_space<hbm>>)
    return
  }
}

module attributes {stable_mosaic.version = 14 : i64} {
  func.func @_emb_body(%arg0: i32, %arg1: memref<256x8x128xf32, #tpu.memory_space<vmem>>, %arg2: memref<16x128xf32, #tpu.memory_space<vmem>>, %arg3: memref<16x128xf32, #tpu.memory_space<vmem>>, %arg4: memref<256x128xf32, #tpu.memory_space<vmem>>, %arg5: memref<256x128xf32, #tpu.memory_space<vmem>>) attributes {dimension_semantics = [#tpu.dimension_semantics<arbitrary>], iteration_bounds = array<i64: 5>, scalar_prefetch = 0 : i64, scratch_operands = 0 : i64, tpu.core_type = #tpu.core_type<tc>, window_params = [{transform_indices = @transform_0, window_bounds = array<i64: 256, 8, 128>}, {pipeline_mode = #tpu.pipeline_mode<synchronous>, transform_indices = @transform_1, window_bounds = array<i64: 16, 128>}, {pipeline_mode = #tpu.pipeline_mode<synchronous>, transform_indices = @transform_2, window_bounds = array<i64: 16, 128>}, {transform_indices = @transform_3, window_bounds = array<i64: 256, 128>}, {transform_indices = @transform_4, window_bounds = array<i64: 256, 128>}]} {
    %get3A = arith.constant 0 : index
    %get3A_0 = arith.constant 0 : index
    %get3A_1 = vector.load %arg2[%get3A, %get3A_0] : memref<16x128xf32, #tpu.memory_space<vmem>>, vector<16x128xf32>
    %gt3A = arith.constant 0.000000e+00 : f32
    %gt3A_2 = vector.broadcast %gt3A : f32 to vector<16x128xf32>
    %gt3A_3 = arith.cmpf ogt, %get3A_1, %gt3A_2 : vector<16x128xf32>
    %add3A = arith.constant 1.000000e+00 : f32
    %add3A_4 = vector.broadcast %add3A : f32 to vector<16x128xf32>
    %add3A_5 = arith.addf %get3A_1, %add3A_4 : vector<16x128xf32>
    %min3A = arith.constant 0.000000e+00 : f32
    %min3A_6 = vector.broadcast %min3A : f32 to vector<16x128xf32>
    %min3A_7 = arith.minimumf %get3A_1, %min3A_6 : vector<16x128xf32>
    %exp3A = math.exp %min3A_7 : vector<16x128xf32>
    %select_n3A = arith.select %gt3A_3, %add3A_5, %exp3A : vector<16x128xi1>, vector<16x128xf32>
    %mul3A = arith.constant 7.812500e-03 : f32
    %mul3A_8 = vector.broadcast %mul3A : f32 to vector<16x128xf32>
    %mul3A_9 = arith.mulf %select_n3A, %mul3A_8 : vector<16x128xf32>
    %get3A_10 = arith.constant 0 : index
    %get3A_11 = arith.constant 0 : index
    %get3A_12 = vector.load %arg3[%get3A_10, %get3A_11] : memref<16x128xf32, #tpu.memory_space<vmem>>, vector<16x128xf32>
    %gt3A_13 = arith.constant 0.000000e+00 : f32
    %gt3A_14 = vector.broadcast %gt3A_13 : f32 to vector<16x128xf32>
    %gt3A_15 = arith.cmpf ogt, %get3A_12, %gt3A_14 : vector<16x128xf32>
    %add3A_16 = arith.constant 1.000000e+00 : f32
    %add3A_17 = vector.broadcast %add3A_16 : f32 to vector<16x128xf32>
    %add3A_18 = arith.addf %get3A_12, %add3A_17 : vector<16x128xf32>
    %min3A_19 = arith.constant 0.000000e+00 : f32
    %min3A_20 = vector.broadcast %min3A_19 : f32 to vector<16x128xf32>
    %min3A_21 = arith.minimumf %get3A_12, %min3A_20 : vector<16x128xf32>
    %exp3A_22 = math.exp %min3A_21 : vector<16x128xf32>
    %select_n3A_23 = arith.select %gt3A_15, %add3A_18, %exp3A_22 : vector<16x128xi1>, vector<16x128xf32>
    %mul3A_24 = arith.constant 2.44140625E-4 : f32
    %mul3A_25 = vector.broadcast %mul3A_24 : f32 to vector<16x128xf32>
    %mul3A_26 = arith.mulf %select_n3A_23, %mul3A_25 : vector<16x128xf32>
    %get3A_27 = arith.constant 0 : index
    %get3A_28 = arith.constant 0 : index
    %get3A_29 = arith.constant 0 : index
    %get3A_30 = vector.load %arg1[%get3A_27, %get3A_28, %get3A_29] : memref<256x8x128xf32, #tpu.memory_space<vmem>>, vector<256x1x128xf32>
    %get3A_31 = vector.shape_cast %get3A_30 : vector<256x1x128xf32> to vector<256x128xf32>
    %dot_general3A = arith.constant dense<0.000000e+00> : vector<256x16xf32>
    %dot_general3A_32 = tpu.matmul %get3A_31, %mul3A_9, %dot_general3A {dimension_numbers = #tpu.dot_dimension_numbers<[1], [1], [0], [0], [0, 0, 1, 0], [], []>, transpose_lhs_hint = false} : vector<256x128xf32>, vector<16x128xf32>, vector<256x16xf32> -> vector<256x16xf32>
    %dot_general3A_33 = arith.constant dense<0.000000e+00> : vector<256x16xf32>
    %dot_general3A_34 = tpu.matmul %get3A_31, %mul3A_26, %dot_general3A_33 {dimension_numbers = #tpu.dot_dimension_numbers<[1], [1], [0], [0], [0, 0, 1, 0], [], []>, transpose_lhs_hint = false} : vector<256x128xf32>, vector<16x128xf32>, vector<256x16xf32> -> vector<256x16xf32>
    %get3A_35 = arith.constant 0 : index
    %get3A_36 = arith.constant 1 : index
    %get3A_37 = arith.constant 0 : index
    %get3A_38 = vector.load %arg1[%get3A_35, %get3A_36, %get3A_37] : memref<256x8x128xf32, #tpu.memory_space<vmem>>, vector<256x1x128xf32>
    %get3A_39 = vector.shape_cast %get3A_38 : vector<256x1x128xf32> to vector<256x128xf32>
    %dot_general3A_40 = arith.constant dense<0.000000e+00> : vector<256x16xf32>
    %dot_general3A_41 = tpu.matmul %get3A_39, %mul3A_9, %dot_general3A_40 {dimension_numbers = #tpu.dot_dimension_numbers<[1], [1], [0], [0], [0, 0, 1, 0], [], []>, transpose_lhs_hint = false} : vector<256x128xf32>, vector<16x128xf32>, vector<256x16xf32> -> vector<256x16xf32>
    %dot_general3A_42 = arith.constant dense<0.000000e+00> : vector<256x16xf32>
    %dot_general3A_43 = tpu.matmul %get3A_39, %mul3A_26, %dot_general3A_42 {dimension_numbers = #tpu.dot_dimension_numbers<[1], [1], [0], [0], [0, 0, 1, 0], [], []>, transpose_lhs_hint = false} : vector<256x128xf32>, vector<16x128xf32>, vector<256x16xf32> -> vector<256x16xf32>
    %get3A_44 = arith.constant 0 : index
    %get3A_45 = arith.constant 2 : index
    %get3A_46 = arith.constant 0 : index
    %get3A_47 = vector.load %arg1[%get3A_44, %get3A_45, %get3A_46] : memref<256x8x128xf32, #tpu.memory_space<vmem>>, vector<256x1x128xf32>
    %get3A_48 = vector.shape_cast %get3A_47 : vector<256x1x128xf32> to vector<256x128xf32>
    %dot_general3A_49 = arith.constant dense<0.000000e+00> : vector<256x16xf32>
    %dot_general3A_50 = tpu.matmul %get3A_48, %mul3A_9, %dot_general3A_49 {dimension_numbers = #tpu.dot_dimension_numbers<[1], [1], [0], [0], [0, 0, 1, 0], [], []>, transpose_lhs_hint = false} : vector<256x128xf32>, vector<16x128xf32>, vector<256x16xf32> -> vector<256x16xf32>
    %dot_general3A_51 = arith.constant dense<0.000000e+00> : vector<256x16xf32>
    %dot_general3A_52 = tpu.matmul %get3A_48, %mul3A_26, %dot_general3A_51 {dimension_numbers = #tpu.dot_dimension_numbers<[1], [1], [0], [0], [0, 0, 1, 0], [], []>, transpose_lhs_hint = false} : vector<256x128xf32>, vector<16x128xf32>, vector<256x16xf32> -> vector<256x16xf32>
    %get3A_53 = arith.constant 0 : index
    %get3A_54 = arith.constant 3 : index
    %get3A_55 = arith.constant 0 : index
    %get3A_56 = vector.load %arg1[%get3A_53, %get3A_54, %get3A_55] : memref<256x8x128xf32, #tpu.memory_space<vmem>>, vector<256x1x128xf32>
    %get3A_57 = vector.shape_cast %get3A_56 : vector<256x1x128xf32> to vector<256x128xf32>
    %dot_general3A_58 = arith.constant dense<0.000000e+00> : vector<256x16xf32>
    %dot_general3A_59 = tpu.matmul %get3A_57, %mul3A_9, %dot_general3A_58 {dimension_numbers = #tpu.dot_dimension_numbers<[1], [1], [0], [0], [0, 0, 1, 0], [], []>, transpose_lhs_hint = false} : vector<256x128xf32>, vector<16x128xf32>, vector<256x16xf32> -> vector<256x16xf32>
    %dot_general3A_60 = arith.constant dense<0.000000e+00> : vector<256x16xf32>
    %dot_general3A_61 = tpu.matmul %get3A_57, %mul3A_26, %dot_general3A_60 {dimension_numbers = #tpu.dot_dimension_numbers<[1], [1], [0], [0], [0, 0, 1, 0], [], []>, transpose_lhs_hint = false} : vector<256x128xf32>, vector<16x128xf32>, vector<256x16xf32> -> vector<256x16xf32>
    %get3A_62 = arith.constant 0 : index
    %get3A_63 = arith.constant 4 : index
    %get3A_64 = arith.constant 0 : index
    %get3A_65 = vector.load %arg1[%get3A_62, %get3A_63, %get3A_64] : memref<256x8x128xf32, #tpu.memory_space<vmem>>, vector<256x1x128xf32>
    %get3A_66 = vector.shape_cast %get3A_65 : vector<256x1x128xf32> to vector<256x128xf32>
    %dot_general3A_67 = arith.constant dense<0.000000e+00> : vector<256x16xf32>
    %dot_general3A_68 = tpu.matmul %get3A_66, %mul3A_9, %dot_general3A_67 {dimension_numbers = #tpu.dot_dimension_numbers<[1], [1], [0], [0], [0, 0, 1, 0], [], []>, transpose_lhs_hint = false} : vector<256x128xf32>, vector<16x128xf32>, vector<256x16xf32> -> vector<256x16xf32>
    %dot_general3A_69 = arith.constant dense<0.000000e+00> : vector<256x16xf32>
    %dot_general3A_70 = tpu.matmul %get3A_66, %mul3A_26, %dot_general3A_69 {dimension_numbers = #tpu.dot_dimension_numbers<[1], [1], [0], [0], [0, 0, 1, 0], [], []>, transpose_lhs_hint = false} : vector<256x128xf32>, vector<16x128xf32>, vector<256x16xf32> -> vector<256x16xf32>
    %get3A_71 = arith.constant 0 : index
    %get3A_72 = arith.constant 5 : index
    %get3A_73 = arith.constant 0 : index
    %get3A_74 = vector.load %arg1[%get3A_71, %get3A_72, %get3A_73] : memref<256x8x128xf32, #tpu.memory_space<vmem>>, vector<256x1x128xf32>
    %get3A_75 = vector.shape_cast %get3A_74 : vector<256x1x128xf32> to vector<256x128xf32>
    %dot_general3A_76 = arith.constant dense<0.000000e+00> : vector<256x16xf32>
    %dot_general3A_77 = tpu.matmul %get3A_75, %mul3A_9, %dot_general3A_76 {dimension_numbers = #tpu.dot_dimension_numbers<[1], [1], [0], [0], [0, 0, 1, 0], [], []>, transpose_lhs_hint = false} : vector<256x128xf32>, vector<16x128xf32>, vector<256x16xf32> -> vector<256x16xf32>
    %dot_general3A_78 = arith.constant dense<0.000000e+00> : vector<256x16xf32>
    %dot_general3A_79 = tpu.matmul %get3A_75, %mul3A_26, %dot_general3A_78 {dimension_numbers = #tpu.dot_dimension_numbers<[1], [1], [0], [0], [0, 0, 1, 0], [], []>, transpose_lhs_hint = false} : vector<256x128xf32>, vector<16x128xf32>, vector<256x16xf32> -> vector<256x16xf32>
    %get3A_80 = arith.constant 0 : index
    %get3A_81 = arith.constant 6 : index
    %get3A_82 = arith.constant 0 : index
    %get3A_83 = vector.load %arg1[%get3A_80, %get3A_81, %get3A_82] : memref<256x8x128xf32, #tpu.memory_space<vmem>>, vector<256x1x128xf32>
    %get3A_84 = vector.shape_cast %get3A_83 : vector<256x1x128xf32> to vector<256x128xf32>
    %dot_general3A_85 = arith.constant dense<0.000000e+00> : vector<256x16xf32>
    %dot_general3A_86 = tpu.matmul %get3A_84, %mul3A_9, %dot_general3A_85 {dimension_numbers = #tpu.dot_dimension_numbers<[1], [1], [0], [0], [0, 0, 1, 0], [], []>, transpose_lhs_hint = false} : vector<256x128xf32>, vector<16x128xf32>, vector<256x16xf32> -> vector<256x16xf32>
    %dot_general3A_87 = arith.constant dense<0.000000e+00> : vector<256x16xf32>
    %dot_general3A_88 = tpu.matmul %get3A_84, %mul3A_26, %dot_general3A_87 {dimension_numbers = #tpu.dot_dimension_numbers<[1], [1], [0], [0], [0, 0, 1, 0], [], []>, transpose_lhs_hint = false} : vector<256x128xf32>, vector<16x128xf32>, vector<256x16xf32> -> vector<256x16xf32>
    %get3A_89 = arith.constant 0 : index
    %get3A_90 = arith.constant 7 : index
    %get3A_91 = arith.constant 0 : index
    %get3A_92 = vector.load %arg1[%get3A_89, %get3A_90, %get3A_91] : memref<256x8x128xf32, #tpu.memory_space<vmem>>, vector<256x1x128xf32>
    %get3A_93 = vector.shape_cast %get3A_92 : vector<256x1x128xf32> to vector<256x128xf32>
    %dot_general3A_94 = arith.constant dense<0.000000e+00> : vector<256x16xf32>
    %dot_general3A_95 = tpu.matmul %get3A_93, %mul3A_9, %dot_general3A_94 {dimension_numbers = #tpu.dot_dimension_numbers<[1], [1], [0], [0], [0, 0, 1, 0], [], []>, transpose_lhs_hint = false} : vector<256x128xf32>, vector<16x128xf32>, vector<256x16xf32> -> vector<256x16xf32>
    %dot_general3A_96 = arith.constant dense<0.000000e+00> : vector<256x16xf32>
    %dot_general3A_97 = tpu.matmul %get3A_93, %mul3A_26, %dot_general3A_96 {dimension_numbers = #tpu.dot_dimension_numbers<[1], [1], [0], [0], [0, 0, 1, 0], [], []>, transpose_lhs_hint = false} : vector<256x128xf32>, vector<16x128xf32>, vector<256x16xf32> -> vector<256x16xf32>
    %concatenate3A = tpu.concatenate %dot_general3A_32, %dot_general3A_41, %dot_general3A_50, %dot_general3A_59, %dot_general3A_68, %dot_general3A_77, %dot_general3A_86, %dot_general3A_95 in 1 : vector<256x16xf32>, vector<256x16xf32>, vector<256x16xf32>, vector<256x16xf32>, vector<256x16xf32>, vector<256x16xf32>, vector<256x16xf32>, vector<256x16xf32> -> vector<256x128xf32>
    %swap3A = arith.constant 0 : index
    %swap3A_98 = arith.constant 0 : index
    %swap3A_99 = vector.load %arg4[%swap3A, %swap3A_98] : memref<256x128xf32, #tpu.memory_space<vmem>>, vector<256x128xf32>
    tpu.vector_store %arg4[%swap3A, %swap3A_98], %concatenate3A {strides = array<i32>} : memref<256x128xf32, #tpu.memory_space<vmem>>, vector<256x128xf32>,
    %concatenate3A_100 = tpu.concatenate %dot_general3A_34, %dot_general3A_43, %dot_general3A_52, %dot_general3A_61, %dot_general3A_70, %dot_general3A_79, %dot_general3A_88, %dot_general3A_97 in 1 : vector<256x16xf32>, vector<256x16xf32>, vector<256x16xf32>, vector<256x16xf32>, vector<256x16xf32>, vector<256x16xf32>, vector<256x16xf32>, vector<256x16xf32> -> vector<256x128xf32>
    %swap3A_101 = arith.constant 0 : index
    %swap3A_102 = arith.constant 0 : index
    %swap3A_103 = vector.load %arg5[%swap3A_101, %swap3A_102] : memref<256x128xf32, #tpu.memory_space<vmem>>, vector<256x128xf32>
    tpu.vector_store %arg5[%swap3A_101, %swap3A_102], %concatenate3A_100 {strides = array<i32>} : memref<256x128xf32, #tpu.memory_space<vmem>>, vector<256x128xf32>,
    return
  }
  func.func @transform_0(%arg0: i32) -> (i32, i32, i32) {
    %c0_i32 = arith.constant 0 : i32
    %c0_i32_0 = arith.constant 0 : i32
    %c0_i32_1 = arith.constant 0 : i32
    return %arg0, %c0_i32, %c0_i32_0 : i32, i32, i32
  }
  func.func @transform_1(%arg0: i32) -> (i32, i32) {
    %c0_i32 = arith.constant 0 : i32
    %c0_i32_0 = arith.constant 0 : i32
    %c0_i32_1 = arith.constant 0 : i32
    return %c0_i32, %c0_i32_0 : i32, i32
  }
  func.func @transform_2(%arg0: i32) -> (i32, i32) {
    %c0_i32 = arith.constant 0 : i32
    %c0_i32_0 = arith.constant 0 : i32
    %c0_i32_1 = arith.constant 0 : i32
    return %c0_i32, %c0_i32_0 : i32, i32
  }
  func.func @transform_3(%arg0: i32) -> (i32, i32) {
    %c0_i32 = arith.constant 0 : i32
    %c0_i32_0 = arith.constant 0 : i32
    return %arg0, %c0_i32 : i32, i32
  }
  func.func @transform_4(%arg0: i32) -> (i32, i32) {
    %c0_i32 = arith.constant 0 : i32
    %c0_i32_0 = arith.constant 0 : i32
    return %arg0, %c0_i32 : i32, i32
  }
}

module attributes {stable_mosaic.version = 14 : i64} {
  func.func @_epi_body(%arg0: i32, %arg1: memref<256x128xf32, #tpu.memory_space<vmem>>, %arg2: memref<256x128xf32, #tpu.memory_space<vmem>>, %arg3: memref<8x128xf32, #tpu.memory_space<vmem>>, %arg4: memref<128x16xf32, #tpu.memory_space<vmem>>, %arg5: memref<256x8x128xf32, #tpu.memory_space<vmem>>) attributes {dimension_semantics = [#tpu.dimension_semantics<arbitrary>], iteration_bounds = array<i64: 5>, scalar_prefetch = 0 : i64, scratch_operands = 0 : i64, tpu.core_type = #tpu.core_type<tc>, window_params = [{transform_indices = @transform_0, window_bounds = array<i64: 256, 128>}, {transform_indices = @transform_1, window_bounds = array<i64: 256, 128>}, {pipeline_mode = #tpu.pipeline_mode<synchronous>, transform_indices = @transform_2, window_bounds = array<i64: 8, 128>}, {pipeline_mode = #tpu.pipeline_mode<synchronous>, transform_indices = @transform_3, window_bounds = array<i64: 128, 16>}, {transform_indices = @transform_4, window_bounds = array<i64: 256, 8, 128>}]} {
    %get3A = arith.constant 0 : index
    %get3A_0 = arith.constant 0 : index
    %get3A_1 = vector.load %arg1[%get3A, %get3A_0] : memref<256x128xf32, #tpu.memory_space<vmem>>, vector<256x128xf32>
    %get3A_2 = arith.constant 0 : index
    %get3A_3 = arith.constant 0 : index
    %get3A_4 = vector.load %arg3[%get3A_2, %get3A_3] : memref<8x128xf32, #tpu.memory_space<vmem>>, vector<8x128xf32>
    %gt3A = arith.constant 0.000000e+00 : f32
    %gt3A_5 = vector.broadcast %gt3A : f32 to vector<8x128xf32>
    %gt3A_6 = arith.cmpf ogt, %get3A_4, %gt3A_5 : vector<8x128xf32>
    %add3A = arith.constant 1.000000e+00 : f32
    %add3A_7 = vector.broadcast %add3A : f32 to vector<8x128xf32>
    %add3A_8 = arith.addf %get3A_4, %add3A_7 : vector<8x128xf32>
    %min3A = arith.constant 0.000000e+00 : f32
    %min3A_9 = vector.broadcast %min3A : f32 to vector<8x128xf32>
    %min3A_10 = arith.minimumf %get3A_4, %min3A_9 : vector<8x128xf32>
    %exp3A = math.exp %min3A_10 : vector<8x128xf32>
    %select_n3A = arith.select %gt3A_6, %add3A_8, %exp3A : vector<8x128xi1>, vector<8x128xf32>
    %slice3A = vector.extract_strided_slice %select_n3A {offsets = [0, 0], sizes = [1, 128], strides = [1, 1]} : vector<8x128xf32> to vector<1x128xf32>
    %mul3A = arith.mulf %get3A_1, %get3A_1 : vector<256x128xf32>
    %mul3A_11 = vector.broadcast %slice3A : vector<1x128xf32> to vector<256x128xf32>
    %mul3A_12 = arith.mulf %mul3A_11, %mul3A : vector<256x128xf32>
    %get3A_13 = arith.constant 0 : index
    %get3A_14 = arith.constant 0 : index
    %get3A_15 = vector.load %arg2[%get3A_13, %get3A_14] : memref<256x128xf32, #tpu.memory_space<vmem>>, vector<256x128xf32>
    %add3A_16 = arith.addf %mul3A_12, %get3A_15 : vector<256x128xf32>
    %iota3A = tpu.iota {dimensions = array<i32: 0>} : vector<128x128xi32>
    %jit3A = arith.constant 16 : i32
    %div3A = vector.broadcast %jit3A : i32 to vector<128x128xi32>
    %div3A_17 = arith.divsi %iota3A, %div3A : vector<128x128xi32>
    %sign3A = arith.constant 0 : i32
    %sign3A_18 = vector.broadcast %sign3A : i32 to vector<128x128xi32>
    %sign3A_19 = arith.cmpi sgt, %iota3A, %sign3A_18 : vector<128x128xi32>
    %sign3A_20 = arith.extui %sign3A_19 : vector<128x128xi1> to vector<128x128xi32>
    %sign3A_21 = arith.constant 0 : i32
    %sign3A_22 = vector.broadcast %sign3A_21 : i32 to vector<128x128xi32>
    %sign3A_23 = arith.cmpi slt, %iota3A, %sign3A_22 : vector<128x128xi32>
    %sign3A_24 = arith.extui %sign3A_23 : vector<128x128xi1> to vector<128x128xi32>
    %sign3A_25 = arith.subi %sign3A_20, %sign3A_24 : vector<128x128xi32>
    %sign3A_26 = arith.constant 0 : i32
    %sign3A_27 = arith.cmpi sgt, %jit3A, %sign3A_26 : i32
    %sign3A_28 = arith.extui %sign3A_27 : i1 to i32
    %sign3A_29 = arith.constant 0 : i32
    %sign3A_30 = arith.cmpi slt, %jit3A, %sign3A_29 : i32
    %sign3A_31 = arith.extui %sign3A_30 : i1 to i32
    %sign3A_32 = arith.subi %sign3A_28, %sign3A_31 : i32
    %ne3A = vector.broadcast %sign3A_32 : i32 to vector<128x128xi32>
    %ne3A_33 = arith.cmpi ne, %sign3A_25, %ne3A : vector<128x128xi32>
    %rem3A = vector.broadcast %jit3A : i32 to vector<128x128xi32>
    %rem3A_34 = arith.remsi %iota3A, %rem3A : vector<128x128xi32>
    %ne3A_35 = arith.constant 0 : i32
    %ne3A_36 = vector.broadcast %ne3A_35 : i32 to vector<128x128xi32>
    %ne3A_37 = arith.cmpi ne, %rem3A_34, %ne3A_36 : vector<128x128xi32>
    %and3A = arith.andi %ne3A_33, %ne3A_37 : vector<128x128xi1>
    %sub3A = arith.constant 1 : i32
    %sub3A_38 = vector.broadcast %sub3A : i32 to vector<128x128xi32>
    %sub3A_39 = arith.subi %div3A_17, %sub3A_38 : vector<128x128xi32>
    %select_n3A_40 = arith.select %and3A, %sub3A_39, %div3A_17 : vector<128x128xi1>, vector<128x128xi32>
    %iota3A_41 = tpu.iota {dimensions = array<i32: 1>} : vector<128x128xi32>
    %jit3A_42 = arith.constant 16 : i32
    %div3A_43 = vector.broadcast %jit3A_42 : i32 to vector<128x128xi32>
    %div3A_44 = arith.divsi %iota3A_41, %div3A_43 : vector<128x128xi32>
    %sign3A_45 = arith.constant 0 : i32
    %sign3A_46 = vector.broadcast %sign3A_45 : i32 to vector<128x128xi32>
    %sign3A_47 = arith.cmpi sgt, %iota3A_41, %sign3A_46 : vector<128x128xi32>
    %sign3A_48 = arith.extui %sign3A_47 : vector<128x128xi1> to vector<128x128xi32>
    %sign3A_49 = arith.constant 0 : i32
    %sign3A_50 = vector.broadcast %sign3A_49 : i32 to vector<128x128xi32>
    %sign3A_51 = arith.cmpi slt, %iota3A_41, %sign3A_50 : vector<128x128xi32>
    %sign3A_52 = arith.extui %sign3A_51 : vector<128x128xi1> to vector<128x128xi32>
    %sign3A_53 = arith.subi %sign3A_48, %sign3A_52 : vector<128x128xi32>
    %sign3A_54 = arith.constant 0 : i32
    %sign3A_55 = arith.cmpi sgt, %jit3A_42, %sign3A_54 : i32
    %sign3A_56 = arith.extui %sign3A_55 : i1 to i32
    %sign3A_57 = arith.constant 0 : i32
    %sign3A_58 = arith.cmpi slt, %jit3A_42, %sign3A_57 : i32
    %sign3A_59 = arith.extui %sign3A_58 : i1 to i32
    %sign3A_60 = arith.subi %sign3A_56, %sign3A_59 : i32
    %ne3A_61 = vector.broadcast %sign3A_60 : i32 to vector<128x128xi32>
    %ne3A_62 = arith.cmpi ne, %sign3A_53, %ne3A_61 : vector<128x128xi32>
    %rem3A_63 = vector.broadcast %jit3A_42 : i32 to vector<128x128xi32>
    %rem3A_64 = arith.remsi %iota3A_41, %rem3A_63 : vector<128x128xi32>
    %ne3A_65 = arith.constant 0 : i32
    %ne3A_66 = vector.broadcast %ne3A_65 : i32 to vector<128x128xi32>
    %ne3A_67 = arith.cmpi ne, %rem3A_64, %ne3A_66 : vector<128x128xi32>
    %and3A_68 = arith.andi %ne3A_62, %ne3A_67 : vector<128x128xi1>
    %sub3A_69 = arith.constant 1 : i32
    %sub3A_70 = vector.broadcast %sub3A_69 : i32 to vector<128x128xi32>
    %sub3A_71 = arith.subi %div3A_44, %sub3A_70 : vector<128x128xi32>
    %select_n3A_72 = arith.select %and3A_68, %sub3A_71, %div3A_44 : vector<128x128xi1>, vector<128x128xi32>
    %eq3A = arith.cmpi eq, %select_n3A_40, %select_n3A_72 : vector<128x128xi32>
    %convert_element_type3A = arith.extui %eq3A : vector<128x128xi1> to vector<128x128xi32>
    %convert_element_type3A_73 = arith.sitofp %convert_element_type3A : vector<128x128xi32> to vector<128x128xf32>
    %dot_general3A = arith.constant dense<0.000000e+00> : vector<256x128xf32>
    %dot_general3A_74 = tpu.matmul %add3A_16, %convert_element_type3A_73, %dot_general3A {dimension_numbers = #tpu.dot_dimension_numbers<[1], [0], [0], [1], [0, 0, 1, 1], [], []>, transpose_lhs_hint = false} : vector<256x128xf32>, vector<128x128xf32>, vector<256x128xf32> -> vector<256x128xf32>
    %add3A_75 = arith.constant 9.99999971E-10 : f32
    %add3A_76 = vector.broadcast %add3A_75 : f32 to vector<256x128xf32>
    %add3A_77 = arith.addf %dot_general3A_74, %add3A_76 : vector<256x128xf32>
    %div3A_78 = arith.divf %add3A_16, %add3A_77 : vector<256x128xf32>
    %get3A_79 = arith.constant 0 : index
    %get3A_80 = arith.constant 0 : index
    %get3A_81 = vector.load %arg4[%get3A_79, %get3A_80] : memref<128x16xf32, #tpu.memory_space<vmem>>, vector<128x16xf32>
    %gt3A_82 = arith.constant 0.000000e+00 : f32
    %gt3A_83 = vector.broadcast %gt3A_82 : f32 to vector<128x16xf32>
    %gt3A_84 = arith.cmpf ogt, %get3A_81, %gt3A_83 : vector<128x16xf32>
    %add3A_85 = arith.constant 1.000000e+00 : f32
    %add3A_86 = vector.broadcast %add3A_85 : f32 to vector<128x16xf32>
    %add3A_87 = arith.addf %get3A_81, %add3A_86 : vector<128x16xf32>
    %min3A_88 = arith.constant 0.000000e+00 : f32
    %min3A_89 = vector.broadcast %min3A_88 : f32 to vector<128x16xf32>
    %min3A_90 = arith.minimumf %get3A_81, %min3A_89 : vector<128x16xf32>
    %exp3A_91 = math.exp %min3A_90 : vector<128x16xf32>
    %select_n3A_92 = arith.select %gt3A_84, %add3A_87, %exp3A_91 : vector<128x16xi1>, vector<128x16xf32>
    %slice3A_93 = vector.extract_strided_slice %div3A_78 {offsets = [0, 0], sizes = [256, 16], strides = [1, 1]} : vector<256x128xf32> to vector<256x16xf32>
    %dot_general3A_94 = arith.constant dense<0.000000e+00> : vector<256x128xf32>
    %dot_general3A_95 = tpu.matmul %slice3A_93, %select_n3A_92, %dot_general3A_94 {dimension_numbers = #tpu.dot_dimension_numbers<[1], [1], [0], [0], [0, 0, 1, 0], [], []>, transpose_lhs_hint = false} : vector<256x16xf32>, vector<128x16xf32>, vector<256x128xf32> -> vector<256x128xf32>
    %swap3A = arith.constant 0 : index
    %swap3A_96 = arith.constant 0 : index
    %swap3A_97 = arith.constant 0 : index
    %swap3A_98 = vector.load %arg5[%swap3A, %swap3A_96, %swap3A_97] : memref<256x8x128xf32, #tpu.memory_space<vmem>>, vector<256x1x128xf32>
    %swap3A_99 = vector.shape_cast %swap3A_98 : vector<256x1x128xf32> to vector<256x128xf32>
    %swap3A_100 = vector.shape_cast %dot_general3A_95 : vector<256x128xf32> to vector<256x1x128xf32>
    tpu.vector_store %arg5[%swap3A, %swap3A_96, %swap3A_97], %swap3A_100 {strides = array<i32>} : memref<256x8x128xf32, #tpu.memory_space<vmem>>, vector<256x1x128xf32>,
    %slice3A_101 = vector.extract_strided_slice %div3A_78 {offsets = [0, 16], sizes = [256, 16], strides = [1, 1]} : vector<256x128xf32> to vector<256x16xf32>
    %dot_general3A_102 = arith.constant dense<0.000000e+00> : vector<256x128xf32>
    %dot_general3A_103 = tpu.matmul %slice3A_101, %select_n3A_92, %dot_general3A_102 {dimension_numbers = #tpu.dot_dimension_numbers<[1], [1], [0], [0], [0, 0, 1, 0], [], []>, transpose_lhs_hint = false} : vector<256x16xf32>, vector<128x16xf32>, vector<256x128xf32> -> vector<256x128xf32>
    %swap3A_104 = arith.constant 0 : index
    %swap3A_105 = arith.constant 1 : index
    %swap3A_106 = arith.constant 0 : index
    %swap3A_107 = vector.load %arg5[%swap3A_104, %swap3A_105, %swap3A_106] : memref<256x8x128xf32, #tpu.memory_space<vmem>>, vector<256x1x128xf32>
    %swap3A_108 = vector.shape_cast %swap3A_107 : vector<256x1x128xf32> to vector<256x128xf32>
    %swap3A_109 = vector.shape_cast %dot_general3A_103 : vector<256x128xf32> to vector<256x1x128xf32>
    tpu.vector_store %arg5[%swap3A_104, %swap3A_105, %swap3A_106], %swap3A_109 {strides = array<i32>} : memref<256x8x128xf32, #tpu.memory_space<vmem>>, vector<256x1x128xf32>,
    %slice3A_110 = vector.extract_strided_slice %div3A_78 {offsets = [0, 32], sizes = [256, 16], strides = [1, 1]} : vector<256x128xf32> to vector<256x16xf32>
    %dot_general3A_111 = arith.constant dense<0.000000e+00> : vector<256x128xf32>
    %dot_general3A_112 = tpu.matmul %slice3A_110, %select_n3A_92, %dot_general3A_111 {dimension_numbers = #tpu.dot_dimension_numbers<[1], [1], [0], [0], [0, 0, 1, 0], [], []>, transpose_lhs_hint = false} : vector<256x16xf32>, vector<128x16xf32>, vector<256x128xf32> -> vector<256x128xf32>
    %swap3A_113 = arith.constant 0 : index
    %swap3A_114 = arith.constant 2 : index
    %swap3A_115 = arith.constant 0 : index
    %swap3A_116 = vector.load %arg5[%swap3A_113, %swap3A_114, %swap3A_115] : memref<256x8x128xf32, #tpu.memory_space<vmem>>, vector<256x1x128xf32>
    %swap3A_117 = vector.shape_cast %swap3A_116 : vector<256x1x128xf32> to vector<256x128xf32>
    %swap3A_118 = vector.shape_cast %dot_general3A_112 : vector<256x128xf32> to vector<256x1x128xf32>
    tpu.vector_store %arg5[%swap3A_113, %swap3A_114, %swap3A_115], %swap3A_118 {strides = array<i32>} : memref<256x8x128xf32, #tpu.memory_space<vmem>>, vector<256x1x128xf32>,
    %slice3A_119 = vector.extract_strided_slice %div3A_78 {offsets = [0, 48], sizes = [256, 16], strides = [1, 1]} : vector<256x128xf32> to vector<256x16xf32>
    %dot_general3A_120 = arith.constant dense<0.000000e+00> : vector<256x128xf32>
    %dot_general3A_121 = tpu.matmul %slice3A_119, %select_n3A_92, %dot_general3A_120 {dimension_numbers = #tpu.dot_dimension_numbers<[1], [1], [0], [0], [0, 0, 1, 0], [], []>, transpose_lhs_hint = false} : vector<256x16xf32>, vector<128x16xf32>, vector<256x128xf32> -> vector<256x128xf32>
    %swap3A_122 = arith.constant 0 : index
    %swap3A_123 = arith.constant 3 : index
    %swap3A_124 = arith.constant 0 : index
    %swap3A_125 = vector.load %arg5[%swap3A_122, %swap3A_123, %swap3A_124] : memref<256x8x128xf32, #tpu.memory_space<vmem>>, vector<256x1x128xf32>
    %swap3A_126 = vector.shape_cast %swap3A_125 : vector<256x1x128xf32> to vector<256x128xf32>
    %swap3A_127 = vector.shape_cast %dot_general3A_121 : vector<256x128xf32> to vector<256x1x128xf32>
    tpu.vector_store %arg5[%swap3A_122, %swap3A_123, %swap3A_124], %swap3A_127 {strides = array<i32>} : memref<256x8x128xf32, #tpu.memory_space<vmem>>, vector<256x1x128xf32>,
    %slice3A_128 = vector.extract_strided_slice %div3A_78 {offsets = [0, 64], sizes = [256, 16], strides = [1, 1]} : vector<256x128xf32> to vector<256x16xf32>
    %dot_general3A_129 = arith.constant dense<0.000000e+00> : vector<256x128xf32>
    %dot_general3A_130 = tpu.matmul %slice3A_128, %select_n3A_92, %dot_general3A_129 {dimension_numbers = #tpu.dot_dimension_numbers<[1], [1], [0], [0], [0, 0, 1, 0], [], []>, transpose_lhs_hint = false} : vector<256x16xf32>, vector<128x16xf32>, vector<256x128xf32> -> vector<256x128xf32>
    %swap3A_131 = arith.constant 0 : index
    %swap3A_132 = arith.constant 4 : index
    %swap3A_133 = arith.constant 0 : index
    %swap3A_134 = vector.load %arg5[%swap3A_131, %swap3A_132, %swap3A_133] : memref<256x8x128xf32, #tpu.memory_space<vmem>>, vector<256x1x128xf32>
    %swap3A_135 = vector.shape_cast %swap3A_134 : vector<256x1x128xf32> to vector<256x128xf32>
    %swap3A_136 = vector.shape_cast %dot_general3A_130 : vector<256x128xf32> to vector<256x1x128xf32>
    tpu.vector_store %arg5[%swap3A_131, %swap3A_132, %swap3A_133], %swap3A_136 {strides = array<i32>} : memref<256x8x128xf32, #tpu.memory_space<vmem>>, vector<256x1x128xf32>,
    %slice3A_137 = vector.extract_strided_slice %div3A_78 {offsets = [0, 80], sizes = [256, 16], strides = [1, 1]} : vector<256x128xf32> to vector<256x16xf32>
    %dot_general3A_138 = arith.constant dense<0.000000e+00> : vector<256x128xf32>
    %dot_general3A_139 = tpu.matmul %slice3A_137, %select_n3A_92, %dot_general3A_138 {dimension_numbers = #tpu.dot_dimension_numbers<[1], [1], [0], [0], [0, 0, 1, 0], [], []>, transpose_lhs_hint = false} : vector<256x16xf32>, vector<128x16xf32>, vector<256x128xf32> -> vector<256x128xf32>
    %swap3A_140 = arith.constant 0 : index
    %swap3A_141 = arith.constant 5 : index
    %swap3A_142 = arith.constant 0 : index
    %swap3A_143 = vector.load %arg5[%swap3A_140, %swap3A_141, %swap3A_142] : memref<256x8x128xf32, #tpu.memory_space<vmem>>, vector<256x1x128xf32>
    %swap3A_144 = vector.shape_cast %swap3A_143 : vector<256x1x128xf32> to vector<256x128xf32>
    %swap3A_145 = vector.shape_cast %dot_general3A_139 : vector<256x128xf32> to vector<256x1x128xf32>
    tpu.vector_store %arg5[%swap3A_140, %swap3A_141, %swap3A_142], %swap3A_145 {strides = array<i32>} : memref<256x8x128xf32, #tpu.memory_space<vmem>>, vector<256x1x128xf32>,
    %slice3A_146 = vector.extract_strided_slice %div3A_78 {offsets = [0, 96], sizes = [256, 16], strides = [1, 1]} : vector<256x128xf32> to vector<256x16xf32>
    %dot_general3A_147 = arith.constant dense<0.000000e+00> : vector<256x128xf32>
    %dot_general3A_148 = tpu.matmul %slice3A_146, %select_n3A_92, %dot_general3A_147 {dimension_numbers = #tpu.dot_dimension_numbers<[1], [1], [0], [0], [0, 0, 1, 0], [], []>, transpose_lhs_hint = false} : vector<256x16xf32>, vector<128x16xf32>, vector<256x128xf32> -> vector<256x128xf32>
    %swap3A_149 = arith.constant 0 : index
    %swap3A_150 = arith.constant 6 : index
    %swap3A_151 = arith.constant 0 : index
    %swap3A_152 = vector.load %arg5[%swap3A_149, %swap3A_150, %swap3A_151] : memref<256x8x128xf32, #tpu.memory_space<vmem>>, vector<256x1x128xf32>
    %swap3A_153 = vector.shape_cast %swap3A_152 : vector<256x1x128xf32> to vector<256x128xf32>
    %swap3A_154 = vector.shape_cast %dot_general3A_148 : vector<256x128xf32> to vector<256x1x128xf32>
    tpu.vector_store %arg5[%swap3A_149, %swap3A_150, %swap3A_151], %swap3A_154 {strides = array<i32>} : memref<256x8x128xf32, #tpu.memory_space<vmem>>, vector<256x1x128xf32>,
    %slice3A_155 = vector.extract_strided_slice %div3A_78 {offsets = [0, 112], sizes = [256, 16], strides = [1, 1]} : vector<256x128xf32> to vector<256x16xf32>
    %dot_general3A_156 = arith.constant dense<0.000000e+00> : vector<256x128xf32>
    %dot_general3A_157 = tpu.matmul %slice3A_155, %select_n3A_92, %dot_general3A_156 {dimension_numbers = #tpu.dot_dimension_numbers<[1], [1], [0], [0], [0, 0, 1, 0], [], []>, transpose_lhs_hint = false} : vector<256x16xf32>, vector<128x16xf32>, vector<256x128xf32> -> vector<256x128xf32>
    %swap3A_158 = arith.constant 0 : index
    %swap3A_159 = arith.constant 7 : index
    %swap3A_160 = arith.constant 0 : index
    %swap3A_161 = vector.load %arg5[%swap3A_158, %swap3A_159, %swap3A_160] : memref<256x8x128xf32, #tpu.memory_space<vmem>>, vector<256x1x128xf32>
    %swap3A_162 = vector.shape_cast %swap3A_161 : vector<256x1x128xf32> to vector<256x128xf32>
    %swap3A_163 = vector.shape_cast %dot_general3A_157 : vector<256x128xf32> to vector<256x1x128xf32>
    tpu.vector_store %arg5[%swap3A_158, %swap3A_159, %swap3A_160], %swap3A_163 {strides = array<i32>} : memref<256x8x128xf32, #tpu.memory_space<vmem>>, vector<256x1x128xf32>,
    return
  }
  func.func @transform_0(%arg0: i32) -> (i32, i32) {
    %c0_i32 = arith.constant 0 : i32
    %c0_i32_0 = arith.constant 0 : i32
    return %arg0, %c0_i32 : i32, i32
  }
  func.func @transform_1(%arg0: i32) -> (i32, i32) {
    %c0_i32 = arith.constant 0 : i32
    %c0_i32_0 = arith.constant 0 : i32
    return %arg0, %c0_i32 : i32, i32
  }
  func.func @transform_2(%arg0: i32) -> (i32, i32) {
    %c0_i32 = arith.constant 0 : i32
    %c0_i32_0 = arith.constant 0 : i32
    %c0_i32_1 = arith.constant 0 : i32
    return %c0_i32, %c0_i32_0 : i32, i32
  }
  func.func @transform_3(%arg0: i32) -> (i32, i32) {
    %c0_i32 = arith.constant 0 : i32
    %c0_i32_0 = arith.constant 0 : i32
    %c0_i32_1 = arith.constant 0 : i32
    return %c0_i32, %c0_i32_0 : i32, i32
  }
  func.func @transform_4(%arg0: i32) -> (i32, i32, i32) {
    %c0_i32 = arith.constant 0 : i32
    %c0_i32_0 = arith.constant 0 : i32
    %c0_i32_1 = arith.constant 0 : i32
    return %arg0, %c0_i32, %c0_i32_0 : i32, i32, i32
  }
}

</mosaic_0001>

<sc_bundles>
// kernel: kernel.5.cloned.1.call-start
scs
__scs_entry_jumppad:
0x0: {  	(pc) =	sbr.rel $0x88, $3  }
0x1: {  	(tag) =	ssettag $0x0;
	lr =	simm.s32 $0x1  }
0x2: {  	[smem:$0x3F9B] =	sst lr;
	_ =	strace $0xD0000000  }
0x3: {  	_ = 	snop  }
0x4: {  	_ = 	snop  }
0x5: {  	_ = 	snop  }
0x6: {  	_ = 	snop  }
0x7: {  	_ = 	snop  }
__scs_overlays_trampoline_lowered:
0x8: {  	[smem:$0x3FAA] =	sst s0  }
0x9: {  	[smem:$0x3FAB] =	sst s1  }
0xa: {  	[smem:$0x3FAC] =	sst s2  }
0xb: {  	[smem:$0x3FAD] =	sst s3  }
0xc: {  	[smem:$0x3FAE] =	sst s4  }
0xd: {  	[smem:$0x3FAF] =	sst s5  }
0xe: {  	[smem:$0x3FB0] =	sst s6  }
0xf: {  	[smem:$0x3FB1] =	sst s7  }
0x10: {  	[smem:$0x3FB2] =	sst s8  }
0x11: {  	[smem:$0x3FB3] =	sst s9;
	s0 =	simm.s32 @!p0 $0x0  }
0x12: {  	s1 =	sld [smem:$0x3F99];
	s0 =	simm.s32 @p0 $0x1  }
0x13: {  	[smem:$0x3FB4] =	sst s0;
	s0 =	simm.s32 @!p1 $0x0  }
0x14: {  	s2 =	sld [smem:$0x3F98];
	s0 =	simm.s32 @p1 $0x1  }
0x15: {  	[smem:$0x3FB5] =	sst s0;
	s0 =	simm.s32 @!p2 $0x0  }
0x16: {  	s3 =	sld [smem:$0x3FDB];
	s0 =	simm.s32 @p2 $0x1  }
0x17: {  	s4 =	simm.s32 $0x1BF5;
	[smem:$0x3FB7] =	sst s0  }
0x18: {  	s0 =	sld [smem:$0x3F9A];
	_ =	swait.ge [sflag:s4], $0x0  }
0x19: {  	s7 =	sld [smem:$0x3F9B]  }
0x1a: {  	s8 =	sadd.s32 $0xFFFFE003, lr  }
0x1b: {  	s9 =	sadd.s32 $0xFFFFFEF7, lr;
	s5 =	simm.s32 $0xFFFFFFFF;
	p2 =	slt.u32 s8, $0xFFFFF086  }
0x1c: {  	p1 =	slt.u32 s9, $0xF7A;
	s5 =	simm.s32 @!p2 $0x0  }
0x1d: {  	s5 =	simm.s32 @p1 $0x1;
	p0 =	seq.s32 s7, s2  }
0x1e: {  	s7 =	smul.u32 @!p0 $0xF7A, s2;
	p2 =	seq.s32 @!p0 s5, $0x0  }
0x1f: {  	s9 =	smul.u32 $0xF7A, s1;
	s8 =	simm.s32 @!p0 $0x1BF5;
	p2 =	por !p2, p0  }
0x20: {  	[sflag:s8] =	ssyncset.s32 @!p0 $0xFFFFF086;
	s6 =	sadd.s32 @!p0 s3, s7;
	s7 =	simm.s32 @!p0 $0x108  }
0x21: {  	s3 =	sadd.s32 s3, s9;
	s6 =	sadd.s32 @!p0 $0x88, s6;
	s7 =	simm.s32 @p2 $0x1082  }
0x22: {  	[simem:s7], [sflag:s8] =	dma.local @!p0 [hbm:s6], $0xF7A  }
0x23: {  	s9 =	sor.u32 $0xD0000000, s2;
	s6 =	simm.s32 $0x108;
	_ =	swait.ge @!p0 [sflag:s8], $0x0  }
0x24: {  	s3 =	sadd.s32 $0x88, s3;
	s6 =	simm.s32 @!p1 $0x1082;
	[sflag:s4] =	ssyncset.s32 $0xFFFFF086  }
0x25: {  	[simem:s6], [sflag:s4] =	dma.local [hbm:s3], $0xF7A  }
0x26: {  	[smem:$0x3F9B] =	sst s1;
	(tag) =	ssettag s2;
	_ =	strace s9  }
0x27: {  	s1 =	sld [smem:$0x3FAB]  }
0x28: {  	s2 =	sld [smem:$0x3FAC]  }
0x29: {  	s4 =	sld [smem:$0x3FAE]  }
0x2a: {  	p0 =	seq.s32 s5, $0x0;
	s5 =	sld [smem:$0x3FAF]  }
0x2b: {  	s6 =	sld [smem:$0x3FB0]  }
0x2c: {  	s7 =	sld [smem:$0x3FB1]  }
0x2d: {  	s3 =	simm.s32 $0x108;
	s8 =	sld [smem:$0x3FB2]  }
0x2e: {  	s3 =	simm.s32 @!p0 $0x1082;
	s9 =	sld [smem:$0x3FB3]  }
0x2f: {  	lr =	sadd.s32 s0, s3;
	s0 =	sld [smem:$0x3FAA]  }
0x30: {  	s3 =	sld [smem:$0x3FAD]  }
0x31: {  	[smem:$0x3FB6] =	sst s10  }
0x32: {  	s10 =	sld [smem:$0x3FB4];
	_ =	sdelay $0x3  }
0x33: {  	p0 =	seq.s32 s10, $0x1;
	s10 =	sld [smem:$0x3FB6];
	_ =	sdelay $0x3  }
0x34: {  	[smem:$0x3FB6] =	sst s10  }
0x35: {  	s10 =	sld [smem:$0x3FB5];
	_ =	sdelay $0x3  }
0x36: {  	p1 =	seq.s32 s10, $0x1;
	s10 =	sld [smem:$0x3FB6];
	_ =	sdelay $0x3  }
0x37: {  	[smem:$0x3FB6] =	sst s10  }
0x38: {  	s10 =	sld [smem:$0x3FB7]  }
0x39: {  	_ = 	snop;
	(pc) =	sbr.ind lr, $3  }
0x3a: {  	_ = 	snop  }
0x3b: {  	_ = 	snop  }
0x3c: {  	p2 =	seq.s32 s10, $0x1;
	s10 =	sld [smem:$0x3FB6]  }
0x3d: {  	_ =	shalt  }
0x3e: {  	_ =	shalt  }
0x3f: {  	_ =	shalt  }
0x40: {  	_ =	shalt  }
0x41: {  	_ =	shalt  }
0x42: {  	_ =	shalt  }
0x43: {  	_ =	shalt  }
0x44: {  	_ =	shalt  }
0x45: {  	_ =	shalt  }
0x46: {  	_ =	shalt  }
0x47: {  	_ =	shalt  }
0x48: {  	_ =	shalt  }
0x49: {  	_ =	shalt  }
0x4a: {  	_ =	shalt  }
0x4b: {  	_ =	shalt  }
0x4c: {  	_ =	shalt  }
0x4d: {  	_ =	shalt  }
0x4e: {  	_ =	shalt  }
0x4f: {  	_ =	shalt  }
0x50: {  	_ =	shalt  }
0x51: {  	_ =	shalt  }
0x52: {  	_ =	shalt  }
0x53: {  	_ =	shalt  }
0x54: {  	_ =	shalt  }
0x55: {  	_ =	shalt  }
0x56: {  	_ =	shalt  }
0x57: {  	_ =	shalt  }
0x58: {  	_ =	shalt  }
0x59: {  	_ =	shalt  }
0x5a: {  	_ =	shalt  }
0x5b: {  	_ =	shalt  }
0x5c: {  	_ =	shalt  }
0x5d: {  	_ =	shalt  }
0x5e: {  	_ =	shalt  }
0x5f: {  	_ =	shalt  }
0x60: {  	_ =	shalt  }
0x61: {  	_ =	shalt  }
0x62: {  	_ =	shalt  }
0x63: {  	_ =	shalt  }
0x64: {  	_ =	shalt  }
0x65: {  	_ =	shalt  }
0x66: {  	_ =	shalt  }
0x67: {  	_ =	shalt  }
0x68: {  	_ =	shalt  }
0x69: {  	_ =	shalt  }
0x6a: {  	_ =	shalt  }
0x6b: {  	_ =	shalt  }
0x6c: {  	_ =	shalt  }
0x6d: {  	_ =	shalt  }
0x6e: {  	_ =	shalt  }
0x6f: {  	_ =	shalt  }
0x70: {  	_ =	shalt  }
0x71: {  	_ =	shalt  }
0x72: {  	_ =	shalt  }
0x73: {  	_ =	shalt  }
0x74: {  	_ =	shalt  }
0x75: {  	_ =	shalt  }
0x76: {  	_ =	shalt  }
0x77: {  	_ =	shalt  }
0x78: {  	_ =	shalt  }
0x79: {  	_ =	shalt  }
0x7a: {  	_ =	shalt  }
0x7b: {  	_ =	shalt  }
0x7c: {  	_ =	shalt  }
0x7d: {  	_ =	shalt  }
0x7e: {  	_ =	shalt  }
0x7f: {  	_ =	shalt  }
0x80: {  	_ =	shalt  }
0x81: {  	_ =	shalt  }
0x82: {  	_ =	shalt  }
0x83: {  	_ =	shalt  }
0x84: {  	_ =	shalt  }
0x85: {  	_ =	shalt  }
0x86: {  	_ =	shalt  }
0x87: {  	_ =	shalt  }
.Lfunc_end0:
.L_simem_size_0:
called_computation_lowered:
.L_overlay_start_0:
0x88: {  	s2 =	sld [smem:$0x3FD9]  }
0x89: {  	s3 =	sld [smem:$0x3FFE];
	_ =	sdelay $0x1  }
0x8a: {  	s1 =	srdreg.scid  }
0x8b: {  	s0 =	sand.u32 $0x1, s1  }
0x8c: {  	s17 =	sshll.u32 s0, $0xA;
	s2 =	sadd.s32 s3, s2  }
0x8d: {  	s2 =	sadd.s32 s2, s17  }
0x8e: {  	[smem:$0x3FC2] =	sst s2  }
0x8f: {  	_ = 	snop  }
0x90: {  	s2 =	sld [smem:$0x3FC9]  }
0x91: {  	s18 =	sld [smem:$0x3FD0];
	(tm) =	ssettm $0x1  }
0x92: {  	s4 =	sld [smem:$0x3FFB];
	_ =	sdelay $0x3  }
0x93: {  	_ =	strace s4  }
0x94: {  	s4 =	sld [smem:$0x3FFC];
	_ =	sdelay $0x3  }
0x95: {  	_ =	strace s4  }
0x96: {  	s4 =	sld [smem:$0x3FFD];
	_ =	sdelay $0x3  }
0x97: {  	_ =	strace s4  }
0x98: {  	_ =	strace $0x8FFFFFFF  }
0x99: {  	s19 =	sld [smem:$0x3FDB];
	_ =	sdelay $0x1  }
0x9a: {  	s5 =	simm.s32 $_scs_section_size  }
0x9b: {  	s6 =	simm.s32 $_size__tile_overlayer_lowered;
	s7 =	simm.s32 $_tile_overlayer_lowered  }
0x9c: {  	s22 =	simm.s32 $0x1BFF;
	s21 =	sshll.u32 s7, $0x1;
	s4 =	sadd.s32 s5, s19  }
0x9d: {  	s8 =	simm.s32 $0x0;
	s20 =	sshll.u32 s6, $0x1;
	s6 =	sadd.s32 s21, s4  }
0x9e: {  	[timem:s8], [sflag:s22] =	dma.local [hbm:s6], s20  }
0x9f: {  	_ =	swait.ge [sflag:s22], s20  }
0xa0: {  	s5 =	ssub.s32 $0x0, s20;
	[sflag:s22] =	ssyncset.done $0x0  }
0xa1: {  	[sflag:s22] =	ssyncadd.s32 s5;
	_ =	sdelay $0x1  }
0xa2: {  	s23 =	simm.s32 $0x1B8B  }
0xa3: {  	_ =	swait.ge [sflag:s23], $0x1  }
0xa4: {  	[sflag:s23] =	ssyncset.done $0x0  }
0xa5: {  	s25 =	simm.s32 $0x1B8E;
	s24 =	sld [smem:$0x3FFE];
	[sflag:s23] =	ssyncadd.s32 $0xFFFFFFFF  }
0xa6: {  	s26 =	simm.s32 $execute0_lowered;
	[smem:$0x3FD2] =	sst s25  }
0xa7: {  	s6 =	sshll.u32 s26, $0x1;
	_ =	strace $0x80000046;
	[dreg:$0x1] =	wrdreg $0xFFFFFFFF  }
0xa8: {  	s28 =	simm.s32 $_size_execute0_lowered;
	s4 =	sadd.s32 s4, s6;
	[dreg:$0x0] =	wrdreg $0x0  }
0xa9: {  	s6 =	sshll.u32 s28, $0x1;
	[dreg:$0x2] =	wrdreg s4  }
0xaa: {  	[dreg:$0x3] =	wrdreg s6  }
0xab: {  	[dreg:$0x4] =	wrdreg $0xC0  }
0xac: {  	_ =	task [dreg:s8], $0x5FFFF  }
0xad: {  	[dreg:$0x1] =	wrdreg $0xFFFFFFFF  }
0xae: {  	[dreg:$0x0] =	wrdreg $0x60  }
0xaf: {  	[dreg:$0x2] =	wrdreg s2  }
0xb0: {  	[dreg:$0x3] =	wrdreg s18  }
0xb1: {  	[dreg:$0x4] =	wrdreg s24  }
0xb2: {  	[dreg:$0x5] =	wrdreg $0x8A000  }
0xb3: {  	[dreg:$0x6] =	wrdreg $0xB2000  }
0xb4: {  	[dreg:$0x7] =	wrdreg $0x9  }
0xb5: {  	_ =	task.clear_ibuf [dreg:s8], $0x8FFFF;
	_ =	strace $0x90000046  }
0xb6: {  	s29 =	simm.s32 $0x9;
	_ =	strace $0x80000048  }
0xb7: {  	_ =	swait.ge [sflag:s29], $0x1  }
0xb8: {  	[sflag:s29] =	ssyncadd.s32 $0xFFFFFFFF  }
0xb9: {  	_ =	strace $0x90000048  }
0xba: {  	_ =	sfence  }
0xbb: {  	s30 =	sld [smem:$0x0];
	_ =	sdelay $0x2  }
0xbc: {  	s31 =	sshll.u32 s1, $0xD;
	s1 =	sshrl.u32 s1, $0x2  }
0xbd: {  	s3 =	sand.u32 $0x4000, s31;
	s1 =	sadd.s32 s1, s30  }
0xbe: {  	s0 =	sor.u32 s3, s0;
	s1 =	sshll.u32 s1, $0x11  }
0xbf: {  	s0 =	sor.u32 s1, s0  }
0xc0: {  	s0 =	sadd.s32 $0x8F2B, s0  }
0xc1: {  	[sflag:s0] =	ssyncadd.remote.s32 $0x1  }
0xc2: {  	_ =	sfence.sel $0xFFFF  }
0xc3: {  	[dreg:$0x0] =	wrdreg $0xFFFFFFFF;
	(pc) =	sbr.abs _section_cstart, $3  }
0xc4: {  	[dreg:$0x1] =	wrdreg $0xFFFFFFFF  }
0xc5: {  	_ =	task.clear_ibuf [dreg:s8], $0x2FFFF;
	_ =	strace $0x9FFFFFFF  }
0xc6: {  	(tm) =	ssettm $0x7FFFFFFF  }
0xc7: {  	_ =	shalt  }
tec
execute0_lowered:
.L_overlay_start_1:
0x0: {  	(tag) =	ssettag $0x1  }
0x1: {  	s1 =	rddreg [dreg:$0x0]  }
0x2: {  	s0 =	rddreg [dreg:$0x1]  }
0x3: {  	s2 =	rddreg [dreg:$0x2]  }
0x4: {  	s3 =	rddreg [dreg:$0x3]  }
0x5: {  	s4 =	rddreg [dreg:$0x4];
	s5 =	simm.s32 $0x0;
	s16 =	stileid.u32  }
0x6: {  	s6 =	srdreg.scid;
	s28 =	simm.s32 $0x600;
	s31 =	simm.s32 $0x2  }
0x7: {  	s29 =	simm.s32 $0x8800;
	s30 =	simm.s32 $0x4;
	s9 =	smul.u32 $0x2800, s16  }
0x8: {  	s10 =	sand.u32 $0x1, s6;
	s25 =	sshll.u32 s16, $0x1;
	[smem:$0x7FF] =	sst s5  }
0x9: {  	s7 =	sadd.s32 $0x6800, s2;
	s8 =	sadd.s32 $0x10, s1;
	s21 =	sshll.u32 s16, $0x6  }
0xa: {  	s11 =	sor.u32 s10, s25;
	_ =	strace $0x80000047;
	s26 =	ssub.s32 $0x2, s10  }
0xb: {  	s22 =	sor.u32 $0x1C07, s21;
	s23 =	smul.u32 $0x2800, s10;
	s21 =	simm.s32 $0x80  }
0xc: {  	s10 =	simm.s32 $0x0;
	s12 =	sshrl.u32 s9, $0x3;
	s6 =	smul.u32 $0x2800, s11  }
0xd: {  	s14 =	sshrl.u32 s26, $0x1;
	s20 =	sadd.s32 s9, s3;
	[dreg:$0xb] =	wrdreg s22  }
0xe: {  	s9 =	sadd.s32 s9, s4;
	s22 =	simm.s32 $0x3;
	s0 =	sadd.s32 s0, s12  }
0xf: {  	s13 =	sadd.s32 s12, s2;
	s25 =	sshrl.u32 s20, $0x3;
	[dreg:$0xa] =	wrdreg s0  }
0x10: {  	s2 =	ssub.s32 s26, s14;
	s26 =	sshrl.u32 s9, $0x3;
	[dreg:$0xf] =	wrdreg s25  }
0x11: {  	s20 =	simm.s32 $0x780;
	s24 =	sadd.s32 $0x1800, s13;
	[dreg:$0x10] =	wrdreg s26  }
0x12: {  	s15 =	sshrl.u32 s6, $0x2;
	s2 =	smax.u32 s2, $0x1;
	[dreg:$0xc] =	wrdreg s24  }
0x13: {  	s17 =	sadd.s32 s15, s8;
	s18 =	sor.u32 $0x80, s15;
	[dreg:$0xd] =	wrdreg s2  }
0x14: {  	s26 =	simm.s32 $0x400;
	[dreg:$0x6] =	wrdreg s17;
	s19 =	sadd.s32 s18, s8  }
0x15: {  	s15 =	sadd.s32 s1, s15;
	[dreg:$0x8] =	wrdreg s19;
	s19 =	smul.u32 $0x5000, s16  }
0x16: {  	s25 =	simm.s32 $0x6000;
	[dreg:$0x7] =	wrdreg s15;
	s14 =	sadd.s32 s1, s18  }
0x17: {  	s17 =	smul.u32 $0x1400, s11;
	s18 =	sor.u32 $0x600, s6;
	s0 =	sadd.s32 s23, s19  }
0x18: {  	[dreg:$0x9] =	wrdreg s14;
	s16 =	sor.u32 $0x400, s6;
	s0 =	sor.u32 $0x200, s0  }
0x19: {  	s14 =	simm.s32 $0x8000;
	[dreg:$0xe] =	wrdreg s0;
	s0 =	simm.s32 $0x8900  }
.LBB2_1:
0x1a: {  	[dreg:$0x11] =	wrdreg s10  }
0x1b: {  	s2 =	rddreg [dreg:$0x6]  }
0x1c: {  	s12 =	rddreg [dreg:$0x7]  }
0x1d: {  	s13 =	rddreg [dreg:$0x8]  }
0x1e: {  	s10 =	simm.s32 $0x100;
	s15 =	rddreg [dreg:$0x9]  }
0x1f: {  	[tilespmem:s5], [sflag:$0x1] =	stream.strided.gather [hbm4b:s2+s21], $0x200, s10, s21, $0x38;
	[tilespmem:$0xDA00] =	vst v63  }
0x20: {  	s11 =	simm.s32 $0x200;
	s19 =	rddreg [dreg:$0xa]  }
0x21: {  	[tilespmem:s11], [sflag:$0x1] =	stream.strided.gather [hbm4b:s12+s21], $0x200, s10, s21, $0x38;
	[tilespmem:$0xDA00] =	vst v63  }
0x22: {  	s9 =	rddreg [dreg:$0xb]  }
0x23: {  	[tilespmem:s26], [sflag:$0x2] =	stream.strided.gather [hbm4b:s13+s21], $0x200, s10, s21, $0x38;
	[tilespmem:$0xDA00] =	vst v63  }
0x24: {  	s12 =	rddreg [dreg:$0xf];
	s13 =	simm.s32 $0x7  }
0x25: {  	[tilespmem:s28], [sflag:$0x2] =	stream.strided.gather [hbm4b:s15+s21], $0x200, s10, s21, $0x38;
	[tilespmem:$0xDA00] =	vst v63  }
0x26: {  	[spmem:s12], [sflag:s9] =	dma.local [hbm:s19], $0x500  }
0x27: {  	_ =	swait.ge [sflag:s13], $0x500  }
0x28: {  	[sflag:s13] =	ssyncset.done $0x0;
	s23 =	rddreg [dreg:$0xc]  }
0x29: {  	s24 =	rddreg [dreg:$0x10];
	[sflag:s13] =	ssyncadd.s32 $0xFFFFFB00  }
0x2a: {  	[spmem:s24], [sflag:s9] =	dma.local [hbm:s23], $0x500  }
0x2b: {  	_ =	swait.ge [sflag:s13], $0x500  }
0x2c: {  	[sflag:s13] =	ssyncset.done $0x0  }
0x2d: {  	[sflag:s13] =	ssyncadd.s32 $0xFFFFFB00  }
0x2e: {  	s12 =	simm.s32 $0x1;
	[bflag:$0x0] =	sbarrier.arrive $0xFFFF  }
0x2f: {  	_ =	swait.ge [sflag:s12], $0x200  }
0x30: {  	[sflag:s12] =	ssyncset.done $0x0  }
0x31: {  	[sflag:s12] =	ssyncadd.s32 $0xFFFFFE00  }
0x32: {  	_ =	swait.ge [sflag:s12], $0x200  }
0x33: {  	[sflag:s12] =	ssyncset.done $0x0  }
0x34: {  	s13 =	simm.s32 $0x800;
	[sflag:s12] =	ssyncadd.s32 $0xFFFFFE00  }
0x35: {  	[tilespmem:s13], [sflag:$0x3] =	stream.indirect.gather [spmem:s3], $0x10, s5, s21, $0xb8;
	[tilespmem:$0xDA00] =	vst v63  }
0x36: {  	s15 =	simm.s32 $0x2800  }
0x37: {  	[tilespmem:s15], [sflag:$0x3] =	stream.indirect.gather [spmem:s4], $0x10, s11, s21, $0xb8;
	[tilespmem:$0xDA00] =	vst v63  }
0x38: {  	s19 =	simm.s32 $0x1000  }
0x39: {  	[tilespmem:s19], [sflag:$0x3] =	stream.indirect.gather [spmem:s3], $0x10, s21, s21, $0xb8;
	[tilespmem:$0xDA00] =	vst v63  }
0x3a: {  	s23 =	simm.s32 $0x280;
	s24 =	simm.s32 $0x3000  }
0x3b: {  	[tilespmem:s24], [sflag:$0x3] =	stream.indirect.gather [spmem:s4], $0x10, s23, s21, $0xb8;
	[tilespmem:$0xDA00] =	vst v63  }
0x3c: {  	s11 =	simm.s32 $0x1800  }
0x3d: {  	[tilespmem:s11], [sflag:$0x3] =	stream.indirect.gather [spmem:s3], $0x10, s10, s21, $0xb8;
	[tilespmem:$0xDA00] =	vst v63  }
0x3e: {  	s12 =	simm.s32 $0x300;
	s13 =	simm.s32 $0x3800  }
0x3f: {  	[tilespmem:s13], [sflag:$0x3] =	stream.indirect.gather [spmem:s4], $0x10, s12, s21, $0xb8;
	[tilespmem:$0xDA00] =	vst v63  }
0x40: {  	s9 =	simm.s32 $0x0;
	s15 =	simm.s32 $0x180;
	s19 =	simm.s32 $0x2000  }
0x41: {  	[tilespmem:s19], [sflag:$0x3] =	stream.indirect.gather [spmem:s3], $0x10, s15, s21, $0xb8;
	[tilespmem:$0xDA00] =	vst v63  }
0x42: {  	s2 =	rddreg [dreg:$0xe];
	s23 =	simm.s32 $0x380;
	s24 =	simm.s32 $0x4000  }
0x43: {  	[tilespmem:s24], [sflag:$0x3] =	stream.indirect.gather [spmem:s4], $0x10, s23, s21, $0xb8;
	[tilespmem:$0xDA00] =	vst v63  }
.LBB2_2:
0x44: {  	_ =	swait.ge [sflag:s31], $0x200  }
0x45: {  	[sflag:s31] =	ssyncset.done $0x0  }
0x46: {  	[sflag:s31] =	ssyncadd.s32 $0xFFFFFE00  }
0x47: {  	_ =	swait.ge [sflag:s31], $0x200  }
0x48: {  	[sflag:s31] =	ssyncset.done $0x0  }
0x49: {  	s10 =	simm.s32 $0x4800;
	[sflag:s31] =	ssyncadd.s32 $0xFFFFFE00  }
0x4a: {  	[tilespmem:s10], [sflag:$0x4] =	stream.indirect.gather [spmem:s3], $0x10, s26, s21, $0xb8;
	[tilespmem:$0xDA00] =	vst v63  }
0x4b: {  	s15 =	simm.s32 $0x6800  }
0x4c: {  	[tilespmem:s15], [sflag:$0x4] =	stream.indirect.gather [spmem:s4], $0x10, s28, s21, $0xb8;
	[tilespmem:$0xDA00] =	vst v63  }
0x4d: {  	s19 =	simm.s32 $0x480;
	s11 =	simm.s32 $0x5000  }
0x4e: {  	[tilespmem:s11], [sflag:$0x4] =	stream.indirect.gather [spmem:s3], $0x10, s19, s21, $0xb8;
	[tilespmem:$0xDA00] =	vst v63  }
0x4f: {  	s23 =	simm.s32 $0x680;
	s24 =	simm.s32 $0x7000  }
0x50: {  	[tilespmem:s24], [sflag:$0x4] =	stream.indirect.gather [spmem:s4], $0x10, s23, s21, $0xb8;
	[tilespmem:$0xDA00] =	vst v63  }
0x51: {  	s12 =	simm.s32 $0x500;
	s13 =	simm.s32 $0x5800  }
0x52: {  	[tilespmem:s13], [sflag:$0x4] =	stream.indirect.gather [spmem:s3], $0x10, s12, s21, $0xb8;
	[tilespmem:$0xDA00] =	vst v63  }
0x53: {  	s15 =	simm.s32 $0x700;
	s19 =	simm.s32 $0x7800  }
0x54: {  	[tilespmem:s19], [sflag:$0x4] =	stream.indirect.gather [spmem:s4], $0x10, s15, s21, $0xb8;
	[tilespmem:$0xDA00] =	vst v63  }
0x55: {  	s23 =	simm.s32 $0x580  }
0x56: {  	[tilespmem:s25], [sflag:$0x4] =	stream.indirect.gather [spmem:s3], $0x10, s23, s21, $0xb8;
	[tilespmem:$0xDA00] =	vst v63  }
0x57: {  	_ = 	snop  }
0x58: {  	[tilespmem:s14], [sflag:$0x4] =	stream.indirect.gather [spmem:s4], $0x10, s20, s21, $0xb8;
	[tilespmem:$0xDA00] =	vst v63  }
0x59: {  	_ =	swait.ge [sflag:s22], $0x800  }
0x5a: {  	[sflag:s22] =	ssyncset.done $0x0  }
0x5b: {  	[sflag:s22] =	ssyncadd.s32 $0xFFFFF800  }
0x5c: {  	_ =	swait.ge [sflag:s22], $0x800  }
0x5d: {  	[sflag:s22] =	ssyncset.done $0x0  }
0x5e: {  	[sflag:s22] =	ssyncadd.s32 $0xFFFFF800  }
0x5f: {  	_ =	swait.ge [sflag:s22], $0x800  }
0x60: {  	[sflag:s22] =	ssyncset.done $0x0  }
0x61: {  	[sflag:s22] =	ssyncadd.s32 $0xFFFFF800  }
0x62: {  	_ =	swait.ge [sflag:s22], $0x800  }
0x63: {  	[sflag:s22] =	ssyncset.done $0x0  }
0x64: {  	[sflag:s22] =	ssyncadd.s32 $0xFFFFF800  }
0x65: {  	_ =	swait.ge [sflag:s22], $0x800  }
0x66: {  	[sflag:s22] =	ssyncset.done $0x0  }
0x67: {  	[sflag:s22] =	ssyncadd.s32 $0xFFFFF800  }
0x68: {  	_ =	swait.ge [sflag:s22], $0x800  }
0x69: {  	[sflag:s22] =	ssyncset.done $0x0  }
0x6a: {  	[sflag:s22] =	ssyncadd.s32 $0xFFFFF800  }
0x6b: {  	p0 =	seq.s32 s9, $0x9;
	_ =	swait.ge [sflag:s22], $0x800  }
0x6c: {  	s12 =	sshll.u32 @!p0 s9, $0xA;
	[sflag:s22] =	ssyncset.done $0x0  }
0x6d: {  	s13 =	simm.s32 @!p0 $0x80;
	s10 =	sadd.s32 @!p0 s12, s16;
	[sflag:s22] =	ssyncadd.s32 $0xFFFFF800  }
0x6e: {  	s12 =	simm.s32 @p0 $0x2400;
	s10 =	smin.u32 @!p0 s10, $0x4E000;
	_ =	swait.ge [sflag:s22], $0x800  }
0x6f: {  	s15 =	simm.s32 @!p0 $0x100;
	s10 =	sshrl.u32 @!p0 s10, $0x2;
	[sflag:s22] =	ssyncset.done $0x0  }
0x70: {  	s19 =	simm.s32 @!p0 $0x0;
	s11 =	sadd.s32 @!p0 s10, s8;
	[sflag:s22] =	ssyncadd.s32 $0xFFFFF800  }
0x71: {  	[tilespmem:s19], [sflag:$0x1] =	stream.strided.gather @!p0 [hbm4b:s11+s13], $0x200, s15, s13, $0x38;
	[tilespmem:$0xDA00] =	vst v63  }
0x72: {  	s24 =	sadd.s32 s6, s12;
	s10 =	sadd.s32 @!p0 s1, s10;
	s11 =	simm.s32 @!p0 $0x200  }
0x73: {  	[tilespmem:s11], [sflag:$0x1] =	stream.strided.gather @!p0 [hbm4b:s10+s13], $0x200, s15, s13, $0x38;
	[tilespmem:$0xDA00] =	vst v63  }
0x74: {  	s10 =	smax.u32 s24, $0x4E000  }
0x75: {  	p1 =	slt.s32 s2, $0x4E000;
	s11 =	smov.u32 s2;
	s15 =	sadd.s32 $0xFFFB2000, s10  }
0x76: {  	s11 =	simm.s32 @!p1 $0x4E000;
	p1 =	slt.s32 s15, $0x1E0;
	s13 =	smov.u32 s15  }
0x77: {  	s23 =	simm.s32 $0x0;
	s19 =	simm.s32 $0x40;
	s13 =	simm.s32 @!p1 $0x1E0  }
0x78: {  	s10 =	sshllo.u32 s9, $0x1;
	s11 =	ssub.s32 s2, s11;
	s13 =	sshll.u32 s13, $0x4  }
.LBB2_3:
0x79: {  	p1 =	sne.s32 s19, $0x3C0;
	v0 =	vld [tilespmem:s13+$0x2800]  }
0x7a: {  	s24 =	sor.u32 $0x10, s13;
	v1 =	vld [tilespmem:s13+$0x800]  }
0x7b: {  	v2 =	vld [tilespmem:s24+$0x800]  }
0x7c: {  	v3 =	vld [tilespmem:s24+$0x2800];
	s24 =	sor.u32 $0x20, s13  }
0x7d: {  	v4 =	vld [tilespmem:s24+$0x800]  }
0x7e: {  	v5 =	vld [tilespmem:s24+$0x2800];
	s24 =	sor.u32 $0x30, s13  }
0x7f: {  	v6 =	vld [tilespmem:s24+$0x800]  }
0x80: {  	v7 =	vld [tilespmem:s24+$0x2800];
	s24 =	sor.u32 $0x40, s13  }
0x81: {  	v0 =	vmul.f32 v0, v1;
	v1 =	vmul.f32 v3, v2;
	v2 =	vld [tilespmem:s24+$0x800]  }
0x82: {  	v3 =	vld [tilespmem:s24+$0x2800];
	s24 =	sor.u32 $0x50, s13  }
0x83: {  	v0 =	vadd.f32 v1, v0;
	v1 =	vmul.f32 v5, v4;
	v4 =	vld [tilespmem:s24+$0x800]  }
0x84: {  	v5 =	vld [tilespmem:s24+$0x2800];
	s24 =	sor.u32 $0x60, s13  }
0x85: {  	v0 =	vadd.f32 v1, v0;
	v1 =	vmul.f32 v7, v6;
	v6 =	vld [tilespmem:s24+$0x800]  }
0x86: {  	v7 =	vld [tilespmem:s24+$0x2800];
	s24 =	sor.u32 $0x70, s13  }
0x87: {  	v0 =	vadd.f32 v1, v0;
	v1 =	vmul.f32 v3, v2;
	v2 =	vld [tilespmem:s24+$0x800]  }
0x88: {  	v3 =	vld [tilespmem:s24+$0x2800];
	s24 =	sor.u32 $0x80, s13  }
0x89: {  	v0 =	vadd.f32 v1, v0;
	v1 =	vmul.f32 v5, v4;
	v4 =	vld [tilespmem:s24+$0x800]  }
0x8a: {  	v5 =	vld [tilespmem:s24+$0x2800];
	s24 =	sor.u32 $0x90, s13  }
0x8b: {  	v0 =	vadd.f32 v1, v0;
	v1 =	vmul.f32 v7, v6;
	v6 =	vld [tilespmem:s24+$0x800]  }
0x8c: {  	v7 =	vld [tilespmem:s24+$0x2800];
	s24 =	sor.u32 $0xA0, s13  }
0x8d: {  	v0 =	vadd.f32 v1, v0;
	v1 =	vmul.f32 v3, v2;
	v2 =	vld [tilespmem:s24+$0x800]  }
0x8e: {  	v3 =	vld [tilespmem:s24+$0x2800];
	s24 =	sor.u32 $0xB0, s13  }
0x8f: {  	v0 =	vadd.f32 v1, v0;
	v1 =	vmul.f32 v5, v4;
	v4 =	vld [tilespmem:s24+$0x800]  }
0x90: {  	v5 =	vld [tilespmem:s24+$0x2800];
	s24 =	sor.u32 $0xC0, s13  }
0x91: {  	v0 =	vadd.f32 v1, v0;
	v1 =	vmul.f32 v7, v6;
	v6 =	vld [tilespmem:s24+$0x800]  }
0x92: {  	v7 =	vld [tilespmem:s24+$0x2800];
	s24 =	sor.u32 $0xD0, s13  }
0x93: {  	v0 =	vadd.f32 v1, v0;
	v1 =	vmul.f32 v3, v2;
	v2 =	vld [tilespmem:s24+$0x800]  }
0x94: {  	v3 =	vld [tilespmem:s24+$0x2800];
	s24 =	sor.u32 $0xE0, s13  }
0x95: {  	v0 =	vadd.f32 v1, v0;
	v1 =	vmul.f32 v5, v4;
	v4 =	vld [tilespmem:s24+$0x800]  }
0x96: {  	v5 =	vld [tilespmem:s24+$0x2800];
	s24 =	sor.u32 $0xF0, s13  }
0x97: {  	v0 =	vadd.f32 v1, v0;
	v1 =	vmul.f32 v7, v6;
	v6 =	vld [tilespmem:s24+$0x800]  }
0x98: {  	v7 =	vld [tilespmem:s24+$0x2800];
	s24 =	sor.u32 $0x100, s13  }
0x99: {  	v0 =	vadd.f32 v1, v0;
	v1 =	vmul.f32 v3, v2;
	v2 =	vld [tilespmem:s24+$0x800]  }
0x9a: {  	v3 =	vld [tilespmem:s24+$0x2800];
	s24 =	sor.u32 $0x110, s13  }
0x9b: {  	v0 =	vadd.f32 v1, v0;
	v1 =	vmul.f32 v5, v4;
	v4 =	vld [tilespmem:s24+$0x800]  }
0x9c: {  	v5 =	vld [tilespmem:s24+$0x2800];
	s24 =	sor.u32 $0x120, s13  }
0x9d: {  	v0 =	vadd.f32 v1, v0;
	v1 =	vmul.f32 v7, v6;
	v6 =	vld [tilespmem:s24+$0x800]  }
0x9e: {  	v7 =	vld [tilespmem:s24+$0x2800];
	s24 =	sor.u32 $0x130, s13  }
0x9f: {  	v0 =	vadd.f32 v1, v0;
	v1 =	vmul.f32 v3, v2;
	v2 =	vld [tilespmem:s24+$0x800]  }
0xa0: {  	v3 =	vld [tilespmem:s24+$0x2800];
	s24 =	sor.u32 $0x140, s13  }
0xa1: {  	v0 =	vadd.f32 v1, v0;
	v1 =	vmul.f32 v5, v4;
	v4 =	vld [tilespmem:s24+$0x800]  }
0xa2: {  	v5 =	vld [tilespmem:s24+$0x2800];
	s24 =	sor.u32 $0x150, s13  }
0xa3: {  	v0 =	vadd.f32 v1, v0;
	v1 =	vmul.f32 v7, v6;
	v6 =	vld [tilespmem:s24+$0x800]  }
0xa4: {  	v7 =	vld [tilespmem:s24+$0x2800];
	s24 =	sor.u32 $0x160, s13  }
0xa5: {  	v0 =	vadd.f32 v1, v0;
	v1 =	vmul.f32 v3, v2;
	v2 =	vld [tilespmem:s24+$0x800]  }
0xa6: {  	v3 =	vld [tilespmem:s24+$0x2800];
	s24 =	sor.u32 $0x170, s13  }
0xa7: {  	v0 =	vadd.f32 v1, v0;
	v1 =	vmul.f32 v5, v4;
	v4 =	vld [tilespmem:s24+$0x800]  }
0xa8: {  	v5 =	vld [tilespmem:s24+$0x2800];
	s24 =	sor.u32 $0x180, s13  }
0xa9: {  	v0 =	vadd.f32 v1, v0;
	v1 =	vmul.f32 v7, v6;
	v6 =	vld [tilespmem:s24+$0x800]  }
0xaa: {  	v7 =	vld [tilespmem:s24+$0x2800];
	s24 =	sor.u32 $0x190, s13  }
0xab: {  	v0 =	vadd.f32 v1, v0;
	v1 =	vmul.f32 v3, v2;
	v2 =	vld [tilespmem:s24+$0x800]  }
0xac: {  	v3 =	vld [tilespmem:s24+$0x2800];
	s24 =	sor.u32 $0x1A0, s13  }
0xad: {  	v0 =	vadd.f32 v1, v0;
	v1 =	vmul.f32 v5, v4;
	v4 =	vld [tilespmem:s24+$0x800]  }
0xae: {  	v5 =	vld [tilespmem:s24+$0x2800];
	s24 =	sor.u32 $0x1B0, s13  }
0xaf: {  	v0 =	vadd.f32 v1, v0;
	v1 =	vmul.f32 v7, v6;
	v6 =	vld [tilespmem:s24+$0x800]  }
0xb0: {  	v7 =	vld [tilespmem:s24+$0x2800];
	s24 =	sor.u32 $0x1C0, s13  }
0xb1: {  	v0 =	vadd.f32 v1, v0;
	v1 =	vmul.f32 v3, v2;
	v2 =	vld [tilespmem:s24+$0x800]  }
0xb2: {  	v3 =	vld [tilespmem:s24+$0x2800];
	s24 =	sor.u32 $0x1D0, s13  }
0xb3: {  	v0 =	vadd.f32 v1, v0;
	v1 =	vmul.f32 v5, v4;
	v4 =	vld [tilespmem:s24+$0x800]  }
0xb4: {  	v5 =	vld [tilespmem:s24+$0x2800];
	s24 =	sor.u32 $0x1E0, s13  }
0xb5: {  	v0 =	vadd.f32 v1, v0;
	v1 =	vmul.f32 v7, v6;
	v6 =	vld [tilespmem:s24+$0x800]  }
0xb6: {  	s13 =	sor.u32 $0x1F0, s13;
	v7 =	vld [tilespmem:s24+$0x2800]  }
0xb7: {  	v0 =	vadd.f32 v1, v0;
	v1 =	vmul.f32 v3, v2;
	v2 =	vld [tilespmem:s13+$0x800]  }
0xb8: {  	v3 =	vld [tilespmem:s13+$0x2800]  }
0xb9: {  	v0 =	vadd.f32 v1, v0;
	v1 =	vmul.f32 v5, v4;
	_ =	sdelay $0x1  }
0xba: {  	v0 =	vadd.f32 v1, v0;
	v1 =	vmul.f32 v7, v6;
	_ =	sdelay $0x1  }
.Ltmp0:
0xbb: {  	v0 =	vadd.f32 v1, v0;
	v1 =	vmul.f32 v3, v2;
	(pc) =	sbr.rel @p1 .LBB2_3-.Ltmp0, $4  }
0xbc: {  	s15 =	sadd.s32 $0x20, s15  }
0xbd: {  	p2 =	slt.s32 s15, $0x1E0;
	s13 =	smov.u32 s15;
	v0 =	vadd.f32 v1, v0  }
0xbe: {  	s24 =	sshra.s32 s23, $0x2;
	s23 =	smov.u32 s19;
	s13 =	simm.s32 @!p2 $0x1E0  }
0xbf: {  	s19 =	sadd.s32 $0x40, s19;
	s13 =	sshll.u32 s13, $0x4;
	[tilespmem:s24+$0x8800] =	vst v0  }
0xc0: {  	v0 =	vld [tilespmem:s13+$0x2800]  }
0xc1: {  	v1 =	vld [tilespmem:s13+$0x800];
	s15 =	sor.u32 $0x10, s13  }
0xc2: {  	v2 =	vld [tilespmem:s15+$0x800]  }
0xc3: {  	s24 =	sor.u32 $0x20, s13;
	v3 =	vld [tilespmem:s15+$0x2800]  }
0xc4: {  	v4 =	vld [tilespmem:s24+$0x800]  }
0xc5: {  	s19 =	sor.u32 $0x30, s13;
	v5 =	vld [tilespmem:s24+$0x2800]  }
0xc6: {  	v6 =	vld [tilespmem:s19+$0x800]  }
0xc7: {  	v7 =	vld [tilespmem:s19+$0x2800];
	s24 =	sor.u32 $0x40, s13  }
0xc8: {  	v33 =	vld [tilespmem:s24+$0x800];
	v0 =	vmul.f32 v0, v1;
	v32 =	vmul.f32 v3, v2  }
0xc9: {  	s19 =	sor.u32 $0x50, s13;
	v34 =	vld [tilespmem:s24+$0x2800]  }
0xca: {  	v36 =	vld [tilespmem:s19+$0x800];
	v35 =	vmul.f32 v5, v4;
	v0 =	vadd.f32 v32, v0  }
0xcb: {  	v37 =	vld [tilespmem:s19+$0x2800];
	s24 =	sor.u32 $0x60, s13  }
0xcc: {  	v39 =	vld [tilespmem:s24+$0x800];
	v38 =	vmul.f32 v7, v6;
	v0 =	vadd.f32 v35, v0  }
0xcd: {  	s19 =	sor.u32 $0x70, s13;
	v40 =	vld [tilespmem:s24+$0x2800]  }
0xce: {  	v42 =	vld [tilespmem:s19+$0x800];
	v41 =	vmul.f32 v34, v33;
	v0 =	vadd.f32 v38, v0  }
0xcf: {  	v43 =	vld [tilespmem:s19+$0x2800];
	s24 =	sor.u32 $0x80, s13  }
0xd0: {  	v45 =	vld [tilespmem:s24+$0x800];
	v44 =	vmul.f32 v37, v36;
	v0 =	vadd.f32 v41, v0  }
0xd1: {  	s19 =	sor.u32 $0x90, s13;
	v46 =	vld [tilespmem:s24+$0x2800]  }
0xd2: {  	v48 =	vld [tilespmem:s19+$0x800];
	v47 =	vmul.f32 v40, v39;
	v0 =	vadd.f32 v44, v0  }
0xd3: {  	v49 =	vld [tilespmem:s19+$0x2800];
	s24 =	sor.u32 $0xA0, s13  }
0xd4: {  	v51 =	vld [tilespmem:s24+$0x800];
	v50 =	vmul.f32 v43, v42;
	v0 =	vadd.f32 v47, v0  }
0xd5: {  	s19 =	sor.u32 $0xB0, s13;
	v52 =	vld [tilespmem:s24+$0x2800]  }
0xd6: {  	v54 =	vld [tilespmem:s19+$0x800];
	v53 =	vmul.f32 v46, v45;
	v0 =	vadd.f32 v50, v0  }
0xd7: {  	v55 =	vld [tilespmem:s19+$0x2800];
	s24 =	sor.u32 $0xC0, s13  }
0xd8: {  	v57 =	vld [tilespmem:s24+$0x800];
	v56 =	vmul.f32 v49, v48;
	v0 =	vadd.f32 v53, v0  }
0xd9: {  	s19 =	sor.u32 $0xD0, s13;
	v58 =	vld [tilespmem:s24+$0x2800]  }
0xda: {  	v60 =	vld [tilespmem:s19+$0x800];
	v59 =	vmul.f32 v52, v51;
	v0 =	vadd.f32 v56, v0  }
0xdb: {  	v61 =	vld [tilespmem:s19+$0x2800];
	s24 =	sor.u32 $0xE0, s13  }
0xdc: {  	v63 =	vld [tilespmem:s24+$0x800];
	v62 =	vmul.f32 v55, v54;
	v0 =	vadd.f32 v59, v0  }
0xdd: {  	s19 =	sor.u32 $0xF0, s13;
	v9 =	vld [tilespmem:s24+$0x2800]  }
0xde: {  	v11 =	vld [tilespmem:s19+$0x800];
	v10 =	vmul.f32 v58, v57;
	v0 =	vadd.f32 v62, v0  }
0xdf: {  	v12 =	vld [tilespmem:s19+$0x2800];
	s24 =	sor.u32 $0x100, s13  }
0xe0: {  	v14 =	vld [tilespmem:s24+$0x800];
	v13 =	vmul.f32 v61, v60;
	v0 =	vadd.f32 v10, v0  }
0xe1: {  	s19 =	sor.u32 $0x110, s13;
	v15 =	vld [tilespmem:s24+$0x2800]  }
0xe2: {  	v17 =	vld [tilespmem:s19+$0x800];
	v16 =	vmul.f32 v9, v63;
	v0 =	vadd.f32 v13, v0  }
0xe3: {  	v18 =	vld [tilespmem:s19+$0x2800];
	s24 =	sor.u32 $0x120, s13  }
0xe4: {  	v20 =	vld [tilespmem:s24+$0x800];
	v19 =	vmul.f32 v12, v11;
	v0 =	vadd.f32 v16, v0  }
0xe5: {  	s19 =	sor.u32 $0x130, s13;
	v21 =	vld [tilespmem:s24+$0x2800]  }
0xe6: {  	v23 =	vld [tilespmem:s19+$0x800];
	v22 =	vmul.f32 v15, v14;
	v0 =	vadd.f32 v19, v0  }
0xe7: {  	v24 =	vld [tilespmem:s19+$0x2800];
	s24 =	sor.u32 $0x140, s13  }
0xe8: {  	v26 =	vld [tilespmem:s24+$0x800];
	v25 =	vmul.f32 v18, v17;
	v0 =	vadd.f32 v22, v0  }
0xe9: {  	s19 =	sor.u32 $0x150, s13;
	v27 =	vld [tilespmem:s24+$0x2800]  }
0xea: {  	v29 =	vld [tilespmem:s19+$0x800];
	v28 =	vmul.f32 v21, v20;
	v0 =	vadd.f32 v25, v0  }
0xeb: {  	v30 =	vld [tilespmem:s19+$0x2800];
	s24 =	sor.u32 $0x160, s13  }
0xec: {  	v32 =	vld [tilespmem:s24+$0x800];
	v31 =	vmul.f32 v24, v23;
	v0 =	vadd.f32 v28, v0  }
0xed: {  	s19 =	sor.u32 $0x170, s13;
	v33 =	vld [tilespmem:s24+$0x2800]  }
0xee: {  	v35 =	vld [tilespmem:s19+$0x800];
	v34 =	vmul.f32 v27, v26;
	v0 =	vadd.f32 v31, v0  }
0xef: {  	v36 =	vld [tilespmem:s19+$0x2800];
	s24 =	sor.u32 $0x180, s13  }
0xf0: {  	v38 =	vld [tilespmem:s24+$0x800];
	v37 =	vmul.f32 v30, v29;
	v0 =	vadd.f32 v34, v0  }
0xf1: {  	s19 =	sor.u32 $0x190, s13;
	v39 =	vld [tilespmem:s24+$0x2800]  }
0xf2: {  	v42 =	vld [tilespmem:s19+$0x2800];
	v40 =	vmul.f32 v33, v32;
	v0 =	vadd.f32 v37, v0  }
0xf3: {  	s24 =	sor.u32 $0x1A0, s13;
	v41 =	vld [tilespmem:s19+$0x800]  }
0xf4: {  	v45 =	vld [tilespmem:s24+$0x2800];
	v43 =	vmul.f32 v36, v35;
	v0 =	vadd.f32 v40, v0  }
0xf5: {  	s19 =	sor.u32 $0x1B0, s13;
	v44 =	vld [tilespmem:s24+$0x800]  }
0xf6: {  	v48 =	vld [tilespmem:s19+$0x2800];
	v46 =	vmul.f32 v39, v38;
	v0 =	vadd.f32 v43, v0  }
0xf7: {  	s24 =	sor.u32 $0x1C0, s13;
	v47 =	vld [tilespmem:s19+$0x800]  }
0xf8: {  	v51 =	vld [tilespmem:s24+$0x2800];
	v49 =	vmul.f32 v42, v41;
	v0 =	vadd.f32 v46, v0  }
0xf9: {  	s19 =	sor.u32 $0x1D0, s13;
	v50 =	vld [tilespmem:s24+$0x800]  }
0xfa: {  	v54 =	vld [tilespmem:s19+$0x2800];
	v52 =	vmul.f32 v45, v44;
	v0 =	vadd.f32 v49, v0  }
0xfb: {  	s24 =	sor.u32 $0x1E0, s13;
	v53 =	vld [tilespmem:s19+$0x800]  }
0xfc: {  	v57 =	vld [tilespmem:s24+$0x2800];
	v55 =	vmul.f32 v48, v47;
	v0 =	vadd.f32 v52, v0  }
0xfd: {  	s15 =	sor.u32 $0x1F0, s13;
	v56 =	vld [tilespmem:s24+$0x800]  }
0xfe: {  	v60 =	vld [tilespmem:s15+$0x2800];
	v58 =	vmul.f32 v51, v50;
	v0 =	vadd.f32 v55, v0  }
0xff: {  	v59 =	vld [tilespmem:s15+$0x800]  }
0x100: {  	v61 =	vmul.f32 v54, v53;
	v0 =	vadd.f32 v58, v0;
	_ =	sdelay $0x1  }
0x101: {  	v62 =	vmul.f32 v57, v56;
	v0 =	vadd.f32 v61, v0;
	_ =	sdelay $0x1  }
0x102: {  	v63 =	vmul.f32 v60, v59;
	v0 =	vadd.f32 v62, v0;
	_ =	sdelay $0x1  }
0x103: {  	v0 =	vadd.f32 v63, v0  }
0x104: {  	p1 =	seq.s32 s9, $0x0;
	s19 =	sshra.s32 s23, $0x2  }
0x105: {  	s13 =	simm.s32 @!p1 $0x5;
	s23 =	sshll.u32 s9, $0x9;
	[tilespmem:s19+$0x8800] =	vst v0  }
0x106: {  	s15 =	sadd.s32 s17, s23;
	_ =	swait.ge @!p1 [sflag:s13], $0x100  }
0x107: {  	s15 =	sshrl.u32 s15, $0x3;
	[sflag:s13] =	ssyncset.done @!p1 $0x0  }
0x108: {  	s24 =	sadd.s32 s7, s15;
	[sflag:s13] =	ssyncadd.s32 @!p1 $0xFFFFFF00;
	s13 =	simm.s32 @!p0 $0x1  }
0x109: {  	[hbm4b:s24+s5] =	stream.linear.scatter [tilespmem:s29], [sflag:$0x5], $0x100, $0x38;
	[tilespmem:$0xDA00] =	vst v63  }
0x10a: {  	_ =	swait.ge @!p0 [sflag:s13], $0x200  }
0x10b: {  	[sflag:s13] =	ssyncset.done @!p0 $0x0  }
0x10c: {  	[sflag:s13] =	ssyncadd.s32 @!p0 $0xFFFFFE00  }
0x10d: {  	_ =	swait.ge @!p0 [sflag:s13], $0x200  }
0x10e: {  	s15 =	simm.s32 @!p0 $0x0;
	[sflag:s13] =	ssyncset.done @!p0 $0x0  }
0x10f: {  	s19 =	simm.s32 @!p0 $0x800;
	[sflag:s13] =	ssyncadd.s32 @!p0 $0xFFFFFE00;
	s13 =	simm.s32 @!p0 $0x80  }
0x110: {  	[tilespmem:s19], [sflag:$0x3] =	stream.indirect.gather @!p0 [spmem:s3], $0x10, s15, s13, $0xb8;
	[tilespmem:$0xDA00] =	vst v63  }
0x111: {  	s15 =	simm.s32 @!p0 $0x200;
	s19 =	simm.s32 @!p0 $0x2800  }
0x112: {  	[tilespmem:s19], [sflag:$0x3] =	stream.indirect.gather @!p0 [spmem:s4], $0x10, s15, s13, $0xb8;
	[tilespmem:$0xDA00] =	vst v63  }
0x113: {  	s15 =	simm.s32 @!p0 $0x1000  }
0x114: {  	[tilespmem:s15], [sflag:$0x3] =	stream.indirect.gather @!p0 [spmem:s3], $0x10, s13, s13, $0xb8;
	[tilespmem:$0xDA00] =	vst v63  }
0x115: {  	s19 =	simm.s32 @!p0 $0x3000;
	s15 =	simm.s32 @!p0 $0x280  }
0x116: {  	[tilespmem:s19], [sflag:$0x3] =	stream.indirect.gather @!p0 [spmem:s4], $0x10, s15, s13, $0xb8;
	[tilespmem:$0xDA00] =	vst v63  }
0x117: {  	s15 =	simm.s32 @!p0 $0x100;
	s19 =	simm.s32 @!p0 $0x1800  }
0x118: {  	[tilespmem:s19], [sflag:$0x3] =	stream.indirect.gather @!p0 [spmem:s3], $0x10, s15, s13, $0xb8;
	[tilespmem:$0xDA00] =	vst v63  }
0x119: {  	s23 =	simm.s32 @!p0 $0x3800;
	s19 =	simm.s32 @!p0 $0x300  }
0x11a: {  	[tilespmem:s23], [sflag:$0x3] =	stream.indirect.gather @!p0 [spmem:s4], $0x10, s19, s13, $0xb8;
	[tilespmem:$0xDA00] =	vst v63  }
0x11b: {  	s19 =	simm.s32 @!p0 $0x180;
	s23 =	simm.s32 @!p0 $0x2000  }
0x11c: {  	[tilespmem:s23], [sflag:$0x3] =	stream.indirect.gather @!p0 [spmem:s3], $0x10, s19, s13, $0xb8;
	[tilespmem:$0xDA00] =	vst v63  }
0x11d: {  	s19 =	simm.s32 @!p0 $0x380;
	s23 =	simm.s32 @!p0 $0x4000  }
0x11e: {  	[tilespmem:s23], [sflag:$0x3] =	stream.indirect.gather @!p0 [spmem:s4], $0x10, s19, s13, $0xb8;
	[tilespmem:$0xDA00] =	vst v63  }
0x11f: {  	_ =	swait.ge [sflag:s30], $0x800  }
0x120: {  	[sflag:s30] =	ssyncset.done $0x0  }
0x121: {  	[sflag:s30] =	ssyncadd.s32 $0xFFFFF800  }
0x122: {  	_ =	swait.ge [sflag:s30], $0x800  }
0x123: {  	[sflag:s30] =	ssyncset.done $0x0  }
0x124: {  	[sflag:s30] =	ssyncadd.s32 $0xFFFFF800  }
0x125: {  	_ =	swait.ge [sflag:s30], $0x800  }
0x126: {  	[sflag:s30] =	ssyncset.done $0x0  }
0x127: {  	[sflag:s30] =	ssyncadd.s32 $0xFFFFF800  }
0x128: {  	_ =	swait.ge [sflag:s30], $0x800  }
0x129: {  	[sflag:s30] =	ssyncset.done $0x0  }
0x12a: {  	[sflag:s30] =	ssyncadd.s32 $0xFFFFF800  }
0x12b: {  	_ =	swait.ge [sflag:s30], $0x800  }
0x12c: {  	[sflag:s30] =	ssyncset.done $0x0  }
0x12d: {  	[sflag:s30] =	ssyncadd.s32 $0xFFFFF800  }
0x12e: {  	_ =	swait.ge [sflag:s30], $0x800  }
0x12f: {  	[sflag:s30] =	ssyncset.done $0x0  }
0x130: {  	[sflag:s30] =	ssyncadd.s32 $0xFFFFF800  }
0x131: {  	_ =	swait.ge [sflag:s30], $0x800  }
0x132: {  	[sflag:s30] =	ssyncset.done $0x0  }
0x133: {  	s12 =	sadd.s32 @!p0 s12, s18;
	[sflag:s30] =	ssyncadd.s32 $0xFFFFF800  }
0x134: {  	s12 =	smin.u32 @!p0 s12, $0x4E000;
	_ =	swait.ge [sflag:s30], $0x800  }
0x135: {  	s12 =	sshrl.u32 @!p0 s12, $0x2;
	[sflag:s30] =	ssyncset.done $0x0  }
0x136: {  	s19 =	sadd.s32 @!p0 s12, s8;
	s23 =	simm.s32 @!p0 $0x400;
	[sflag:s30] =	ssyncadd.s32 $0xFFFFF800  }
0x137: {  	[tilespmem:s23], [sflag:$0x2] =	stream.strided.gather @!p0 [hbm4b:s19+s13], $0x200, s15, s13, $0x38;
	[tilespmem:$0xDA00] =	vst v63  }
0x138: {  	s12 =	sadd.s32 @!p0 s1, s12;
	s19 =	simm.s32 @!p0 $0x600  }
0x139: {  	[tilespmem:s19], [sflag:$0x2] =	stream.strided.gather @!p0 [hbm4b:s12+s13], $0x200, s15, s13, $0x38;
	[tilespmem:$0xDA00] =	vst v63  }
0x13a: {  	p0 =	slt.s32 s11, $0x1E0;
	s13 =	smov.u32 s11  }
0x13b: {  	s13 =	simm.s32 @!p0 $0x1E0  }
0x13c: {  	s12 =	simm.s32 $0x0;
	s15 =	simm.s32 $0x40;
	s13 =	sshll.u32 s13, $0x4  }
.LBB2_5:
0x13d: {  	p0 =	sne.s32 s15, $0x3C0;
	v0 =	vld [tilespmem:s13+$0x6800]  }
0x13e: {  	s19 =	sor.u32 $0x10, s13;
	v1 =	vld [tilespmem:s13+$0x4800]  }
0x13f: {  	v2 =	vld [tilespmem:s19+$0x4800]  }
0x140: {  	v3 =	vld [tilespmem:s19+$0x6800];
	s19 =	sor.u32 $0x20, s13  }
0x141: {  	v4 =	vld [tilespmem:s19+$0x4800]  }
0x142: {  	v5 =	vld [tilespmem:s19+$0x6800];
	s19 =	sor.u32 $0x30, s13  }
0x143: {  	v6 =	vld [tilespmem:s19+$0x4800]  }
0x144: {  	v7 =	vld [tilespmem:s19+$0x6800];
	s19 =	sor.u32 $0x40, s13  }
0x145: {  	v0 =	vmul.f32 v0, v1;
	v1 =	vmul.f32 v3, v2;
	v2 =	vld [tilespmem:s19+$0x4800]  }
0x146: {  	v3 =	vld [tilespmem:s19+$0x6800];
	s19 =	sor.u32 $0x50, s13  }
0x147: {  	v0 =	vadd.f32 v1, v0;
	v1 =	vmul.f32 v5, v4;
	v4 =	vld [tilespmem:s19+$0x4800]  }
0x148: {  	v5 =	vld [tilespmem:s19+$0x6800];
	s19 =	sor.u32 $0x60, s13  }
0x149: {  	v0 =	vadd.f32 v1, v0;
	v1 =	vmul.f32 v7, v6;
	v6 =	vld [tilespmem:s19+$0x4800]  }
0x14a: {  	v7 =	vld [tilespmem:s19+$0x6800];
	s19 =	sor.u32 $0x70, s13  }
0x14b: {  	v0 =	vadd.f32 v1, v0;
	v1 =	vmul.f32 v3, v2;
	v2 =	vld [tilespmem:s19+$0x4800]  }
0x14c: {  	v3 =	vld [tilespmem:s19+$0x6800];
	s19 =	sor.u32 $0x80, s13  }
0x14d: {  	v0 =	vadd.f32 v1, v0;
	v1 =	vmul.f32 v5, v4;
	v4 =	vld [tilespmem:s19+$0x4800]  }
0x14e: {  	v5 =	vld [tilespmem:s19+$0x6800];
	s19 =	sor.u32 $0x90, s13  }
0x14f: {  	v0 =	vadd.f32 v1, v0;
	v1 =	vmul.f32 v7, v6;
	v6 =	vld [tilespmem:s19+$0x4800]  }
0x150: {  	v7 =	vld [tilespmem:s19+$0x6800];
	s19 =	sor.u32 $0xA0, s13  }
0x151: {  	v0 =	vadd.f32 v1, v0;
	v1 =	vmul.f32 v3, v2;
	v2 =	vld [tilespmem:s19+$0x4800]  }
0x152: {  	v3 =	vld [tilespmem:s19+$0x6800];
	s19 =	sor.u32 $0xB0, s13  }
0x153: {  	v0 =	vadd.f32 v1, v0;
	v1 =	vmul.f32 v5, v4;
	v4 =	vld [tilespmem:s19+$0x4800]  }
0x154: {  	v5 =	vld [tilespmem:s19+$0x6800];
	s19 =	sor.u32 $0xC0, s13  }
0x155: {  	v0 =	vadd.f32 v1, v0;
	v1 =	vmul.f32 v7, v6;
	v6 =	vld [tilespmem:s19+$0x4800]  }
0x156: {  	v7 =	vld [tilespmem:s19+$0x6800];
	s19 =	sor.u32 $0xD0, s13  }
0x157: {  	v0 =	vadd.f32 v1, v0;
	v1 =	vmul.f32 v3, v2;
	v2 =	vld [tilespmem:s19+$0x4800]  }
0x158: {  	v3 =	vld [tilespmem:s19+$0x6800];
	s19 =	sor.u32 $0xE0, s13  }
0x159: {  	v0 =	vadd.f32 v1, v0;
	v1 =	vmul.f32 v5, v4;
	v4 =	vld [tilespmem:s19+$0x4800]  }
0x15a: {  	v5 =	vld [tilespmem:s19+$0x6800];
	s19 =	sor.u32 $0xF0, s13  }
0x15b: {  	v0 =	vadd.f32 v1, v0;
	v1 =	vmul.f32 v7, v6;
	v6 =	vld [tilespmem:s19+$0x4800]  }
0x15c: {  	v7 =	vld [tilespmem:s19+$0x6800];
	s19 =	sor.u32 $0x100, s13  }
0x15d: {  	v0 =	vadd.f32 v1, v0;
	v1 =	vmul.f32 v3, v2;
	v2 =	vld [tilespmem:s19+$0x4800]  }
0x15e: {  	v3 =	vld [tilespmem:s19+$0x6800];
	s19 =	sor.u32 $0x110, s13  }
0x15f: {  	v0 =	vadd.f32 v1, v0;
	v1 =	vmul.f32 v5, v4;
	v4 =	vld [tilespmem:s19+$0x4800]  }
0x160: {  	v5 =	vld [tilespmem:s19+$0x6800];
	s19 =	sor.u32 $0x120, s13  }
0x161: {  	v0 =	vadd.f32 v1, v0;
	v1 =	vmul.f32 v7, v6;
	v6 =	vld [tilespmem:s19+$0x4800]  }
0x162: {  	v7 =	vld [tilespmem:s19+$0x6800];
	s19 =	sor.u32 $0x130, s13  }
0x163: {  	v0 =	vadd.f32 v1, v0;
	v1 =	vmul.f32 v3, v2;
	v2 =	vld [tilespmem:s19+$0x4800]  }
0x164: {  	v3 =	vld [tilespmem:s19+$0x6800];
	s19 =	sor.u32 $0x140, s13  }
0x165: {  	v0 =	vadd.f32 v1, v0;
	v1 =	vmul.f32 v5, v4;
	v4 =	vld [tilespmem:s19+$0x4800]  }
0x166: {  	v5 =	vld [tilespmem:s19+$0x6800];
	s19 =	sor.u32 $0x150, s13  }
0x167: {  	v0 =	vadd.f32 v1, v0;
	v1 =	vmul.f32 v7, v6;
	v6 =	vld [tilespmem:s19+$0x4800]  }
0x168: {  	v7 =	vld [tilespmem:s19+$0x6800];
	s19 =	sor.u32 $0x160, s13  }
0x169: {  	v0 =	vadd.f32 v1, v0;
	v1 =	vmul.f32 v3, v2;
	v2 =	vld [tilespmem:s19+$0x4800]  }
0x16a: {  	v3 =	vld [tilespmem:s19+$0x6800];
	s19 =	sor.u32 $0x170, s13  }
0x16b: {  	v0 =	vadd.f32 v1, v0;
	v1 =	vmul.f32 v5, v4;
	v4 =	vld [tilespmem:s19+$0x4800]  }
0x16c: {  	v5 =	vld [tilespmem:s19+$0x6800];
	s19 =	sor.u32 $0x180, s13  }
0x16d: {  	v0 =	vadd.f32 v1, v0;
	v1 =	vmul.f32 v7, v6;
	v6 =	vld [tilespmem:s19+$0x4800]  }
0x16e: {  	v7 =	vld [tilespmem:s19+$0x6800];
	s19 =	sor.u32 $0x190, s13  }
0x16f: {  	v0 =	vadd.f32 v1, v0;
	v1 =	vmul.f32 v3, v2;
	v2 =	vld [tilespmem:s19+$0x4800]  }
0x170: {  	v3 =	vld [tilespmem:s19+$0x6800];
	s19 =	sor.u32 $0x1A0, s13  }
0x171: {  	v0 =	vadd.f32 v1, v0;
	v1 =	vmul.f32 v5, v4;
	v4 =	vld [tilespmem:s19+$0x4800]  }
0x172: {  	v5 =	vld [tilespmem:s19+$0x6800];
	s19 =	sor.u32 $0x1B0, s13  }
0x173: {  	v0 =	vadd.f32 v1, v0;
	v1 =	vmul.f32 v7, v6;
	v6 =	vld [tilespmem:s19+$0x4800]  }
0x174: {  	v7 =	vld [tilespmem:s19+$0x6800];
	s19 =	sor.u32 $0x1C0, s13  }
0x175: {  	v0 =	vadd.f32 v1, v0;
	v1 =	vmul.f32 v3, v2;
	v2 =	vld [tilespmem:s19+$0x4800]  }
0x176: {  	v3 =	vld [tilespmem:s19+$0x6800];
	s19 =	sor.u32 $0x1D0, s13  }
0x177: {  	v0 =	vadd.f32 v1, v0;
	v1 =	vmul.f32 v5, v4;
	v4 =	vld [tilespmem:s19+$0x4800]  }
0x178: {  	v5 =	vld [tilespmem:s19+$0x6800];
	s19 =	sor.u32 $0x1E0, s13  }
0x179: {  	v0 =	vadd.f32 v1, v0;
	v1 =	vmul.f32 v7, v6;
	v6 =	vld [tilespmem:s19+$0x4800]  }
0x17a: {  	s13 =	sor.u32 $0x1F0, s13;
	v7 =	vld [tilespmem:s19+$0x6800]  }
0x17b: {  	v0 =	vadd.f32 v1, v0;
	v1 =	vmul.f32 v3, v2;
	v2 =	vld [tilespmem:s13+$0x4800]  }
0x17c: {  	v3 =	vld [tilespmem:s13+$0x6800]  }
0x17d: {  	v0 =	vadd.f32 v1, v0;
	v1 =	vmul.f32 v5, v4;
	_ =	sdelay $0x1  }
0x17e: {  	v0 =	vadd.f32 v1, v0;
	v1 =	vmul.f32 v7, v6;
	_ =	sdelay $0x1  }
.Ltmp1:
0x17f: {  	v0 =	vadd.f32 v1, v0;
	v1 =	vmul.f32 v3, v2;
	(pc) =	sbr.rel @p0 .LBB2_5-.Ltmp1, $4  }
0x180: {  	s11 =	sadd.s32 $0x20, s11  }
0x181: {  	p2 =	slt.s32 s11, $0x1E0;
	s13 =	smov.u32 s11;
	v0 =	vadd.f32 v1, v0  }
0x182: {  	s19 =	sshra.s32 s12, $0x2;
	s12 =	smov.u32 s15;
	s13 =	simm.s32 @!p2 $0x1E0  }
0x183: {  	s15 =	sadd.s32 $0x40, s15;
	s13 =	sshll.u32 s13, $0x4;
	[tilespmem:s19+$0x8900] =	vst v0  }
0x184: {  	v0 =	vld [tilespmem:s13+$0x6800]  }
0x185: {  	v1 =	vld [tilespmem:s13+$0x4800];
	s11 =	sor.u32 $0x10, s13  }
0x186: {  	v2 =	vld [tilespmem:s11+$0x4800]  }
0x187: {  	s19 =	sor.u32 $0x20, s13;
	v3 =	vld [tilespmem:s11+$0x6800]  }
0x188: {  	v4 =	vld [tilespmem:s19+$0x4800]  }
0x189: {  	s23 =	sor.u32 $0x30, s13;
	v5 =	vld [tilespmem:s19+$0x6800]  }
0x18a: {  	v6 =	vld [tilespmem:s23+$0x4800]  }
0x18b: {  	s24 =	sor.u32 $0x40, s13;
	v7 =	vld [tilespmem:s23+$0x6800]  }
0x18c: {  	v33 =	vld [tilespmem:s24+$0x4800];
	v0 =	vmul.f32 v0, v1;
	v32 =	vmul.f32 v3, v2  }
0x18d: {  	s15 =	sor.u32 $0x50, s13;
	v34 =	vld [tilespmem:s24+$0x6800]  }
0x18e: {  	v36 =	vld [tilespmem:s15+$0x4800];
	v35 =	vmul.f32 v5, v4;
	v0 =	vadd.f32 v32, v0  }
0x18f: {  	v37 =	vld [tilespmem:s15+$0x6800];
	s19 =	sor.u32 $0x60, s13  }
0x190: {  	v39 =	vld [tilespmem:s19+$0x4800];
	v38 =	vmul.f32 v7, v6;
	v0 =	vadd.f32 v35, v0  }
0x191: {  	s23 =	sor.u32 $0x70, s13;
	v40 =	vld [tilespmem:s19+$0x6800]  }
0x192: {  	v42 =	vld [tilespmem:s23+$0x4800];
	v41 =	vmul.f32 v34, v33;
	v0 =	vadd.f32 v38, v0  }
0x193: {  	s24 =	sor.u32 $0x80, s13;
	v43 =	vld [tilespmem:s23+$0x6800]  }
0x194: {  	v45 =	vld [tilespmem:s24+$0x4800];
	v44 =	vmul.f32 v37, v36;
	v0 =	vadd.f32 v41, v0  }
0x195: {  	s15 =	sor.u32 $0x90, s13;
	v46 =	vld [tilespmem:s24+$0x6800]  }
0x196: {  	v48 =	vld [tilespmem:s15+$0x4800];
	v47 =	vmul.f32 v40, v39;
	v0 =	vadd.f32 v44, v0  }
0x197: {  	v49 =	vld [tilespmem:s15+$0x6800];
	s19 =	sor.u32 $0xA0, s13  }
0x198: {  	v51 =	vld [tilespmem:s19+$0x4800];
	v50 =	vmul.f32 v43, v42;
	v0 =	vadd.f32 v47, v0  }
0x199: {  	s23 =	sor.u32 $0xB0, s13;
	v52 =	vld [tilespmem:s19+$0x6800]  }
0x19a: {  	v54 =	vld [tilespmem:s23+$0x4800];
	v53 =	vmul.f32 v46, v45;
	v0 =	vadd.f32 v50, v0  }
0x19b: {  	s24 =	sor.u32 $0xC0, s13;
	v55 =	vld [tilespmem:s23+$0x6800]  }
0x19c: {  	v57 =	vld [tilespmem:s24+$0x4800];
	v56 =	vmul.f32 v49, v48;
	v0 =	vadd.f32 v53, v0  }
0x19d: {  	s15 =	sor.u32 $0xD0, s13;
	v58 =	vld [tilespmem:s24+$0x6800]  }
0x19e: {  	v60 =	vld [tilespmem:s15+$0x4800];
	v59 =	vmul.f32 v52, v51;
	v0 =	vadd.f32 v56, v0  }
0x19f: {  	v61 =	vld [tilespmem:s15+$0x6800];
	s19 =	sor.u32 $0xE0, s13  }
0x1a0: {  	v63 =	vld [tilespmem:s19+$0x4800];
	v62 =	vmul.f32 v55, v54;
	v0 =	vadd.f32 v59, v0  }
0x1a1: {  	s23 =	sor.u32 $0xF0, s13;
	v9 =	vld [tilespmem:s19+$0x6800]  }
0x1a2: {  	v11 =	vld [tilespmem:s23+$0x4800];
	v10 =	vmul.f32 v58, v57;
	v0 =	vadd.f32 v62, v0  }
0x1a3: {  	s24 =	sor.u32 $0x100, s13;
	v12 =	vld [tilespmem:s23+$0x6800]  }
0x1a4: {  	v14 =	vld [tilespmem:s24+$0x4800];
	v13 =	vmul.f32 v61, v60;
	v0 =	vadd.f32 v10, v0  }
0x1a5: {  	s15 =	sor.u32 $0x110, s13;
	v15 =	vld [tilespmem:s24+$0x6800]  }
0x1a6: {  	v17 =	vld [tilespmem:s15+$0x4800];
	v16 =	vmul.f32 v9, v63;
	v0 =	vadd.f32 v13, v0  }
0x1a7: {  	v18 =	vld [tilespmem:s15+$0x6800];
	s19 =	sor.u32 $0x120, s13  }
0x1a8: {  	v20 =	vld [tilespmem:s19+$0x4800];
	v19 =	vmul.f32 v12, v11;
	v0 =	vadd.f32 v16, v0  }
0x1a9: {  	s23 =	sor.u32 $0x130, s13;
	v21 =	vld [tilespmem:s19+$0x6800]  }
0x1aa: {  	v23 =	vld [tilespmem:s23+$0x4800];
	v22 =	vmul.f32 v15, v14;
	v0 =	vadd.f32 v19, v0  }
0x1ab: {  	s24 =	sor.u32 $0x140, s13;
	v24 =	vld [tilespmem:s23+$0x6800]  }
0x1ac: {  	v26 =	vld [tilespmem:s24+$0x4800];
	v25 =	vmul.f32 v18, v17;
	v0 =	vadd.f32 v22, v0  }
0x1ad: {  	s15 =	sor.u32 $0x150, s13;
	v27 =	vld [tilespmem:s24+$0x6800]  }
0x1ae: {  	v29 =	vld [tilespmem:s15+$0x4800];
	v28 =	vmul.f32 v21, v20;
	v0 =	vadd.f32 v25, v0  }
0x1af: {  	v30 =	vld [tilespmem:s15+$0x6800];
	s19 =	sor.u32 $0x160, s13  }
0x1b0: {  	v33 =	vld [tilespmem:s19+$0x6800];
	v31 =	vmul.f32 v24, v23;
	v0 =	vadd.f32 v28, v0  }
0x1b1: {  	s23 =	sor.u32 $0x170, s13;
	v32 =	vld [tilespmem:s19+$0x4800]  }
0x1b2: {  	v36 =	vld [tilespmem:s23+$0x6800];
	v34 =	vmul.f32 v27, v26;
	v0 =	vadd.f32 v31, v0  }
0x1b3: {  	s24 =	sor.u32 $0x180, s13;
	v35 =	vld [tilespmem:s23+$0x4800]  }
0x1b4: {  	v39 =	vld [tilespmem:s24+$0x6800];
	v37 =	vmul.f32 v30, v29;
	v0 =	vadd.f32 v34, v0  }
0x1b5: {  	s15 =	sor.u32 $0x190, s13;
	v38 =	vld [tilespmem:s24+$0x4800]  }
0x1b6: {  	v42 =	vld [tilespmem:s15+$0x6800];
	v40 =	vmul.f32 v33, v32;
	v0 =	vadd.f32 v37, v0  }
0x1b7: {  	s19 =	sor.u32 $0x1A0, s13;
	v41 =	vld [tilespmem:s15+$0x4800]  }
0x1b8: {  	v45 =	vld [tilespmem:s19+$0x6800];
	v43 =	vmul.f32 v36, v35;
	v0 =	vadd.f32 v40, v0  }
0x1b9: {  	s23 =	sor.u32 $0x1B0, s13;
	v44 =	vld [tilespmem:s19+$0x4800]  }
0x1ba: {  	v48 =	vld [tilespmem:s23+$0x6800];
	v46 =	vmul.f32 v39, v38;
	v0 =	vadd.f32 v43, v0  }
0x1bb: {  	s24 =	sor.u32 $0x1C0, s13;
	v47 =	vld [tilespmem:s23+$0x4800]  }
0x1bc: {  	v51 =	vld [tilespmem:s24+$0x6800];
	v49 =	vmul.f32 v42, v41;
	v0 =	vadd.f32 v46, v0  }
0x1bd: {  	s15 =	sor.u32 $0x1D0, s13;
	v50 =	vld [tilespmem:s24+$0x4800]  }
0x1be: {  	v54 =	vld [tilespmem:s15+$0x6800];
	v52 =	vmul.f32 v45, v44;
	v0 =	vadd.f32 v49, v0  }
0x1bf: {  	s19 =	sor.u32 $0x1E0, s13;
	v53 =	vld [tilespmem:s15+$0x4800]  }
0x1c0: {  	v57 =	vld [tilespmem:s19+$0x6800];
	v55 =	vmul.f32 v48, v47;
	v0 =	vadd.f32 v52, v0  }
0x1c1: {  	s23 =	sor.u32 $0x1F0, s13;
	v56 =	vld [tilespmem:s19+$0x4800]  }
0x1c2: {  	v60 =	vld [tilespmem:s23+$0x6800];
	v58 =	vmul.f32 v51, v50;
	v0 =	vadd.f32 v55, v0  }
0x1c3: {  	v59 =	vld [tilespmem:s23+$0x4800]  }
0x1c4: {  	v61 =	vmul.f32 v54, v53;
	v0 =	vadd.f32 v58, v0;
	_ =	sdelay $0x1  }
0x1c5: {  	v62 =	vmul.f32 v57, v56;
	v0 =	vadd.f32 v61, v0;
	_ =	sdelay $0x1  }
0x1c6: {  	v63 =	vmul.f32 v60, v59;
	v0 =	vadd.f32 v62, v0;
	_ =	sdelay $0x1  }
0x1c7: {  	s9 =	sadd.s32 $0x1, s9;
	v0 =	vadd.f32 v63, v0  }
0x1c8: {  	p0 =	sne.s32 s9, $0xA;
	s24 =	sshra.s32 s12, $0x2  }
.Ltmp2:
0x1c9: {  	s10 =	sshll.u32 s10, $0x8;
	s11 =	simm.s32 @!p1 $0x6;
	[tilespmem:s24+$0x8900] =	vst v0;
	(pc) =	sbr.rel @p0 .LBB2_2-.Ltmp2, $4  }
0x1ca: {  	s10 =	sadd.s32 s17, s10;
	_ =	swait.ge @!p1 [sflag:s11], $0x100  }
0x1cb: {  	s10 =	sshrl.u32 s10, $0x3;
	[sflag:s11] =	ssyncset.done @!p1 $0x0  }
0x1cc: {  	s2 =	sadd.s32 $0x400, s2;
	s10 =	sadd.s32 s7, s10;
	[sflag:s11] =	ssyncadd.s32 @!p1 $0xFFFFFF00  }
0x1cd: {  	[hbm4b:s10+s5] =	stream.linear.scatter [tilespmem:s0], [sflag:$0x6], $0x100, $0x38;
	[tilespmem:$0xDA00] =	vst v63  }
0x1ce: {  	s2 =	simm.s32 $0x5  }
0x1cf: {  	_ =	swait.ge [sflag:s2], $0x100  }
0x1d0: {  	[sflag:s2] =	ssyncset.done $0x0  }
0x1d1: {  	s9 =	simm.s32 $0x6;
	[sflag:s2] =	ssyncadd.s32 $0xFFFFFF00  }
0x1d2: {  	_ =	swait.ge [sflag:s9], $0x100  }
0x1d3: {  	s10 =	rddreg [dreg:$0x11]  }
0x1d4: {  	s24 =	rddreg [dreg:$0xd];
	s10 =	sadd.s32 $0x1, s10  }
0x1d5: {  	p0 =	sne.s32 s10, s24  }
.Ltmp3:
0x1d6: {  	_ = 	snop;
	(pc) =	sbr.rel @p0 .LBB2_1-.Ltmp3, $3  }
0x1d7: {  	_ =	sdelay $0x1  }
0x1d8: {  	[sflag:s9] =	ssyncset.done $0x0  }
0x1d9: {  	[sflag:s9] =	ssyncadd.s32 $0xFFFFFF00  }
0x1da: {  	_ =	sfence.sel $0x180000  }
0x1db: {  	[bflag:$0x0] =	sbarrier.arrive $0xFFFF  }
0x1dc: {  	_ =	strace $0x90000047  }
0x1dd: {  	s0 =	stileid.u32;
	[bflag:$0x2] =	sbarrier.arrive $0xFFFF  }
0x1de: {  	p0 =	sne.s32 s0, $0x0;
	s0 =	rddreg [dreg:$0x5]  }
0x1df: {  	s0 =	sadd.s32 @!p0 $0x100000, s0  }
0x1e0: {  	[sflag:s0] =	ssyncadd.tile.s32 @!p0 $0x1;
	_ =	shalt  }
.Lfunc_end2:
_tile_overlayer_lowered:
.L_overlay_start_2:
0x1e1: {  	(tag) =	ssettag $0x2  }
0x1e2: {  	s0 =	rddreg [dreg:$0x0];
	s2 =	stileid.u32  }
0x1e3: {  	s1 =	rddreg [dreg:$0x1];
	p0 =	sne.s32 s2, $0x0  }
0x1e4: {  	s3 =	rddreg [dreg:$0x2];
	[bflag:$0x3] =	sbarrier.arrive $0xFFFF;
	s2 =	simm.s32 @!p0 $0x1C07  }
0x1e5: {  	[timem:s3], [sflag:s2] =	dma.local @!p0 [hbm:s0], s1  }
0x1e6: {  	s0 =	simm.s32 @!p0 $0x7  }
0x1e7: {  	_ =	swait.ge @!p0 [sflag:s0], s1  }
0x1e8: {  	s1 =	ssub.s32 @!p0 $0x0, s1;
	[sflag:s0] =	ssyncset.done @!p0 $0x0  }
0x1e9: {  	[sflag:s0] =	ssyncadd.s32 @!p0 s1  }
0x1ea: {  	[bflag:$0x3] =	sbarrier.arrive $0xFFFF  }
0x1eb: {  	_ =	shalt  }

</sc_bundles>
